<compile_context>
chip_gen: v7x
topology: tpu7x:2x2x1
jax: 0.10.2.dev20260603
libtpu: 0.0.44.dev20260713+nightly
codegen_flags: <defaults>
</compile_context>

<pallas_src>
import functools

import jax
import jax.numpy as jnp
from jax import lax
from jax.experimental import pallas as pl
from jax.experimental.pallas import tpu as pltpu
from jax.experimental.pallas import tpu_sc as plsc

_N = 10000
_E = 320000
_D = 128
_NCORES = 2
_NSUB = 16
_NW = _NCORES * _NSUB
_EW = _E // _NW
_ROWS_PER_SUB = _N // _NSUB
_BN = 1000


def _make_sc_agg(dp: int, g: int, nbuf: int):
  kpt = _EW // g
  mesh = plsc.VectorSubcoreMesh(core_axis_name="c", subcore_axis_name="s")

  @functools.partial(
      pl.kernel,
      mesh=mesh,
      compiler_params=pltpu.CompilerParams(use_tc_tiling_on_sc=False),
      out_type=jax.ShapeDtypeStruct((_NCORES * _N, dp), jnp.float32),
      scratch_types=[
          pltpu.VMEM((kpt, g), jnp.int32),
          pltpu.VMEM((kpt, g), jnp.int32),
          pltpu.VMEM_SHARED((_N, dp), jnp.float32),
          [pltpu.VMEM((g, dp), jnp.float32) for _ in range(nbuf)],
          [pltpu.SemaphoreType.DMA for _ in range(nbuf)],
          [pltpu.SemaphoreType.DMA for _ in range(nbuf)],
      ],
  )
  def sc_agg(p_hbm, src_hbm, dst_hbm, zeros_hbm, out_hbm,
             src_v, dst_v, agg_sh, rows, sems_g, sems_s):
    c = lax.axis_index("c")
    s = lax.axis_index("s")
    w = c * _NSUB + s

    zbase = s * _ROWS_PER_SUB
    d0 = pltpu.async_copy(zeros_hbm.at[pl.ds(zbase, _ROWS_PER_SUB)],
                          agg_sh.at[pl.ds(zbase, _ROWS_PER_SUB)], sems_g[0])
    d1 = pltpu.async_copy(src_hbm.at[pl.ds(w * kpt, kpt)], src_v, sems_g[1])
    d2 = pltpu.async_copy(dst_hbm.at[pl.ds(w * kpt, kpt)], dst_v, sems_g[2])
    d0.wait()
    d1.wait()
    d2.wait()
    plsc.subcore_barrier()

    def body(q, carry):
      k0 = q * nbuf
      descs = []
      for j in range(nbuf):
        @pl.when(q > 0)
        def _(j=j):
          pltpu.make_async_copy(rows[j], agg_sh.at[dst_v.at[k0 + j]],
                                sems_s[j]).wait()
        descs.append(
            pltpu.async_copy(p_hbm.at[src_v.at[k0 + j]], rows[j], sems_g[j]))
      for j in range(nbuf):
        descs[j].wait()
        pltpu.async_copy(rows[j], agg_sh.at[dst_v.at[k0 + j]], sems_s[j],
                         add=True)
      return carry

    lax.fori_loop(0, kpt // nbuf, body, 0)
    for j in range(nbuf):
      pltpu.make_async_copy(rows[j], agg_sh.at[dst_v.at[j]],
                            sems_s[j]).wait()
    plsc.subcore_barrier()

    pltpu.sync_copy(agg_sh.at[pl.ds(zbase, _ROWS_PER_SUB)],
                    out_hbm.at[pl.ds(c * _N + zbase, _ROWS_PER_SUB)])

  return sc_agg


_G128, _NBUF128 = 40, 5
_G64, _NBUF64 = 40, 5
_sc_agg_128 = _make_sc_agg(_D, _G128, _NBUF128)
_sc_agg_64 = _make_sc_agg(64, _G64, _NBUF64)


def _tc_first(x, w_self, w_neigh, b):
  def body(x_ref, ws_ref, wn_ref, b_ref, s_ref, p_ref):
    xb = x_ref[...]
    s_ref[...] = jnp.dot(xb, ws_ref[...],
                         preferred_element_type=jnp.float32) + b_ref[...]
    p_ref[...] = jnp.dot(xb, wn_ref[...], preferred_element_type=jnp.float32)

  return pl.pallas_call(
      body,
      grid=(_N // _BN,),
      in_specs=[
          pl.BlockSpec((_BN, _D), lambda i: (i, 0)),
          pl.BlockSpec((_D, _D), lambda i: (0, 0)),
          pl.BlockSpec((_D, _D), lambda i: (0, 0)),
          pl.BlockSpec((1, _D), lambda i: (0, 0)),
      ],
      out_specs=[
          pl.BlockSpec((_BN, _D), lambda i: (i, 0)),
          pl.BlockSpec((_BN, _D), lambda i: (i, 0)),
      ],
      out_shape=[jax.ShapeDtypeStruct((_N, _D), jnp.float32)] * 2,
  )(x, w_self, w_neigh, b.reshape(1, _D))


def _tc_combine_next(s_prev, parts, deg, w_self, w_neigh, b, dp_in, dp_out):
  def body(s_ref, a0_ref, a1_ref, deg_ref, ws_ref, wn_ref, b_ref,
           s_out, p_out):
    h = s_ref[...] + (a0_ref[...] + a1_ref[...]) / deg_ref[...]
    h = jnp.maximum(h, 0.0)
    s_out[...] = jnp.dot(h, ws_ref[...],
                         preferred_element_type=jnp.float32) + b_ref[...]
    p_out[...] = jnp.dot(h, wn_ref[...], preferred_element_type=jnp.float32)

  nblk = _N // _BN
  return pl.pallas_call(
      body,
      grid=(nblk,),
      in_specs=[
          pl.BlockSpec((_BN, dp_in), lambda i: (i, 0)),
          pl.BlockSpec((_BN, dp_in), lambda i: (i, 0)),
          pl.BlockSpec((_BN, dp_in), lambda i: (i + nblk, 0)),
          pl.BlockSpec((_BN, 1), lambda i: (i, 0)),
          pl.BlockSpec((dp_in, dp_out), lambda i: (0, 0)),
          pl.BlockSpec((dp_in, dp_out), lambda i: (0, 0)),
          pl.BlockSpec((1, dp_out), lambda i: (0, 0)),
      ],
      out_specs=[
          pl.BlockSpec((_BN, dp_out), lambda i: (i, 0)),
          pl.BlockSpec((_BN, dp_out), lambda i: (i, 0)),
      ],
      out_shape=[jax.ShapeDtypeStruct((_N, dp_out), jnp.float32)] * 2,
  )(s_prev, parts, parts, deg, w_self, w_neigh, b.reshape(1, dp_out))


def _tc_final(s_prev, parts, deg, dp):
  def body(s_ref, a0_ref, a1_ref, deg_ref, o_ref):
    o_ref[...] = (s_ref[...] + (a0_ref[...] + a1_ref[...]) / deg_ref[...])[:, :47]

  nblk = _N // _BN
  return pl.pallas_call(
      body,
      grid=(nblk,),
      in_specs=[
          pl.BlockSpec((_BN, dp), lambda i: (i, 0)),
          pl.BlockSpec((_BN, dp), lambda i: (i, 0)),
          pl.BlockSpec((_BN, dp), lambda i: (i + nblk, 0)),
          pl.BlockSpec((_BN, 1), lambda i: (i, 0)),
      ],
      out_specs=pl.BlockSpec((_BN, 47), lambda i: (i, 0)),
      out_shape=jax.ShapeDtypeStruct((_N, 47), jnp.float32),
  )(s_prev, parts, parts, deg)


def kernel(x, edge_index, in_degrees,
           W_self0, W_neigh0, b0,
           W_self1, W_neigh1, b1,
           W_self2, W_neigh2, b2):
  src128 = edge_index[0].reshape(_E // _G128, _G128)
  dst128 = edge_index[1].reshape(_E // _G128, _G128)
  src64 = edge_index[0].reshape(_E // _G64, _G64)
  dst64 = edge_index[1].reshape(_E // _G64, _G64)
  deg = in_degrees.reshape(_N, 1)
  zeros128 = jnp.zeros((_N, _D), jnp.float32)
  zeros64 = jnp.zeros((_N, 64), jnp.float32)

  w_self2p = jnp.pad(W_self2, ((0, 0), (0, 64 - 47)))
  w_neigh2p = jnp.pad(W_neigh2, ((0, 0), (0, 64 - 47)))
  b2p = jnp.pad(b2, (0, 64 - 47))

  s0, p0 = _tc_first(x, W_self0, W_neigh0, b0)
  a0 = _sc_agg_128(p0, src128, dst128, zeros128)
  s1, p1 = _tc_combine_next(s0, a0, deg, W_self1, W_neigh1, b1, _D, _D)
  a1 = _sc_agg_128(p1, src128, dst128, zeros128)
  s2, p2 = _tc_combine_next(s1, a1, deg, w_self2p, w_neigh2p, b2p, _D, 64)
  a2 = _sc_agg_64(p2, src64, dst64, zeros64)
  return _tc_final(s2, a2, deg, 64)

# --- scband reference (transcript-rebuilt; emitter-appended) ---
"""Pipeline reference for scband-dist-sagemodel-24696061952390 (READ-ONLY COPY).

The authoritative reference and input builder live on the scoring server;
editing this copy changes nothing except your own understanding.
"""

import jax, jax.numpy as jnp
import numpy as np

N = 10000
E = 320000
D_IN = 128
D_HID = 128
N_CLASSES = 47


def setup_inputs(seed: int = 0) -> dict:
    key = jax.random.key(seed)
    ks = jax.random.split(key, 12)
    x = jax.random.normal(ks[0], (N, D_IN), dtype=jnp.float32)
    edge_index = jax.random.randint(ks[1], (2, E), 0, N, dtype=jnp.int32)
    deg = jnp.bincount(edge_index[1], length=N).astype(jnp.float32)
    in_degrees = jnp.maximum(deg, 1.0)
    def glorot(k, fan_in, fan_out):
        s = jnp.sqrt(2.0 / (fan_in + fan_out))
        return jax.random.normal(k, (fan_in, fan_out), dtype=jnp.float32) * s
    return {
        'x': x,
        'edge_index': edge_index,
        'in_degrees': in_degrees,
        'W_self0': glorot(ks[2], D_IN, D_HID),
        'W_neigh0': glorot(ks[3], D_IN, D_HID),
        'b0': jnp.zeros((D_HID,), dtype=jnp.float32),
        'W_self1': glorot(ks[4], D_HID, D_HID),
        'W_neigh1': glorot(ks[5], D_HID, D_HID),
        'b1': jnp.zeros((D_HID,), dtype=jnp.float32),
        'W_self2': glorot(ks[6], D_HID, N_CLASSES),
        'W_neigh2': glorot(ks[7], D_HID, N_CLASSES),
        'b2': jnp.zeros((N_CLASSES,), dtype=jnp.float32),
    }


def _sage_layer(h, src, dst, in_deg, W_self, W_neigh, b):
    # gather source-node features along edges (memory-bound gather)
    msg = jnp.take(h, src, axis=0)
    # scatter-add into destination nodes, then mean by in-degree
    agg = jax.ops.segment_sum(msg, dst, num_segments=N)
    agg = agg / in_deg[:, None]
    return h @ W_self + agg @ W_neigh + b


def reference(x, edge_index, in_degrees,
              W_self0, W_neigh0, b0,
              W_self1, W_neigh1, b1,
              W_self2, W_neigh2, b2):
    src = edge_index[0]
    dst = edge_index[1]
    h = _sage_layer(x, src, dst, in_degrees, W_self0, W_neigh0, b0)
    h = jax.nn.relu(h)  # dropout is identity in eval/testing mode
    h = _sage_layer(h, src, dst, in_degrees, W_self1, W_neigh1, b1)
    h = jax.nn.relu(h)
    h = _sage_layer(h, src, dst, in_degrees, W_self2, W_neigh2, b2)
    return h

if __name__ == "__main__":
    import jax
    _d = setup_inputs()
    print(jax.jit(kernel)(*tuple(_d.values())))

</pallas_src>

<mosaic_0001>
#map = affine_map<(d0, d1) -> (0, 0)>
module attributes {stable_mosaic.version = 14 : i64} {
  func.func @sc_agg(%arg0: i32, %arg1: i32, %arg2: memref<10000x128xf32, #tpu.memory_space<hbm>>, %arg3: memref<8000x40xi32, #tpu.memory_space<hbm>>, %arg4: memref<8000x40xi32, #tpu.memory_space<hbm>>, %arg5: memref<10000x128xf32, #tpu.memory_space<hbm>>, %arg6: memref<20000x128xf32, #tpu.memory_space<hbm>>, %arg7: memref<250x40xi32, #tpu.memory_space<vmem>>, %arg8: memref<250x40xi32, #tpu.memory_space<vmem>>, %arg9: memref<10000x128xf32, #tpu.memory_space<vmem_shared>>, %arg10: memref<40x128xf32, #tpu.memory_space<vmem>>, %arg11: memref<40x128xf32, #tpu.memory_space<vmem>>, %arg12: memref<40x128xf32, #tpu.memory_space<vmem>>, %arg13: memref<40x128xf32, #tpu.memory_space<vmem>>, %arg14: memref<40x128xf32, #tpu.memory_space<vmem>>, %arg15: memref<!tpu.dma_semaphore, #tpu.memory_space<semaphore_mem>>, %arg16: memref<!tpu.dma_semaphore, #tpu.memory_space<semaphore_mem>>, %arg17: memref<!tpu.dma_semaphore, #tpu.memory_space<semaphore_mem>>, %arg18: memref<!tpu.dma_semaphore, #tpu.memory_space<semaphore_mem>>, %arg19: memref<!tpu.dma_semaphore, #tpu.memory_space<semaphore_mem>>, %arg20: memref<!tpu.dma_semaphore, #tpu.memory_space<semaphore_mem>>, %arg21: memref<!tpu.dma_semaphore, #tpu.memory_space<semaphore_mem>>, %arg22: memref<!tpu.dma_semaphore, #tpu.memory_space<semaphore_mem>>, %arg23: memref<!tpu.dma_semaphore, #tpu.memory_space<semaphore_mem>>, %arg24: memref<!tpu.dma_semaphore, #tpu.memory_space<semaphore_mem>>) attributes {dimension_semantics = [#tpu.dimension_semantics<core_parallel>, #tpu.dimension_semantics<subcore_parallel>], iteration_bounds = array<i64: 2, 16>, scalar_prefetch = 0 : i64, scratch_operands = 18 : i64, tpu.core_type = #tpu.core_type<sc_vector_subcore>, window_params = [{transform_indices = #map}, {transform_indices = #map}, {transform_indices = #map}, {transform_indices = #map}, {transform_indices = #map}]} {
    %mul3A = arith.constant 16 : i32
    %mul3A_0 = arith.muli %arg0, %mul3A : i32
    %add3A = arith.addi %mul3A_0, %arg1 : i32
    %mul3A_1 = arith.constant 625 : i32
    %mul3A_2 = arith.muli %arg1, %mul3A_1 : i32
    %dma_start3A = arith.constant 0 : i32
    %dma_start3A_3 = tpu.memref_slice %arg9[%mul3A_2, %dma_start3A] : memref<10000x128xf32, #tpu.memory_space<vmem_shared>> -> memref<625x128xf32, #tpu.memory_space<vmem_shared>>
    %dma_start3A_4 = arith.constant 0 : i32
    %dma_start3A_5 = tpu.memref_slice %arg5[%mul3A_2, %dma_start3A_4] : memref<10000x128xf32, #tpu.memory_space<hbm>> -> memref<625x128xf32, #tpu.memory_space<hbm>>
    tpu.enqueue_dma source(%dma_start3A_5 : memref<625x128xf32, #tpu.memory_space<hbm>>) target(%dma_start3A_3 : memref<625x128xf32, #tpu.memory_space<vmem_shared>>) target_semaphore(%arg15 : memref<!tpu.dma_semaphore, #tpu.memory_space<semaphore_mem>>)
    %mul3A_6 = arith.constant 250 : i32
    %mul3A_7 = arith.muli %add3A, %mul3A_6 : i32
    %dma_start3A_8 = arith.constant 0 : i32
    %dma_start3A_9 = tpu.memref_slice %arg3[%mul3A_7, %dma_start3A_8] : memref<8000x40xi32, #tpu.memory_space<hbm>> -> memref<250x40xi32, #tpu.memory_space<hbm>>
    %dma_start3A_10 = arith.constant 0 : i32
    %dma_start3A_11 = tpu.memref_slice %arg3[%mul3A_7, %dma_start3A_10] : memref<8000x40xi32, #tpu.memory_space<hbm>> -> memref<250x40xi32, #tpu.memory_space<hbm>>
    tpu.enqueue_dma source(%dma_start3A_11 : memref<250x40xi32, #tpu.memory_space<hbm>>) target(%arg7 : memref<250x40xi32, #tpu.memory_space<vmem>>) target_semaphore(%arg16 : memref<!tpu.dma_semaphore, #tpu.memory_space<semaphore_mem>>)
    %mul3A_12 = arith.constant 250 : i32
    %mul3A_13 = arith.muli %add3A, %mul3A_12 : i32
    %dma_start3A_14 = arith.constant 0 : i32
    %dma_start3A_15 = tpu.memref_slice %arg4[%mul3A_13, %dma_start3A_14] : memref<8000x40xi32, #tpu.memory_space<hbm>> -> memref<250x40xi32, #tpu.memory_space<hbm>>
    %dma_start3A_16 = arith.constant 0 : i32
    %dma_start3A_17 = tpu.memref_slice %arg4[%mul3A_13, %dma_start3A_16] : memref<8000x40xi32, #tpu.memory_space<hbm>> -> memref<250x40xi32, #tpu.memory_space<hbm>>
    tpu.enqueue_dma source(%dma_start3A_17 : memref<250x40xi32, #tpu.memory_space<hbm>>) target(%arg8 : memref<250x40xi32, #tpu.memory_space<vmem>>) target_semaphore(%arg17 : memref<!tpu.dma_semaphore, #tpu.memory_space<semaphore_mem>>)
    %dma_wait3A = arith.constant 0 : i32
    %dma_wait3A_18 = tpu.memref_slice %arg9[%mul3A_2, %dma_wait3A] : memref<10000x128xf32, #tpu.memory_space<vmem_shared>> -> memref<625x128xf32, #tpu.memory_space<vmem_shared>>
    %dma_wait3A_19 = arith.constant 0 : i32
    %dma_wait3A_20 = tpu.memref_slice %arg5[%mul3A_2, %dma_wait3A_19] : memref<10000x128xf32, #tpu.memory_space<hbm>> -> memref<625x128xf32, #tpu.memory_space<hbm>>
    tpu.wait_dma2 semaphore(%arg15 : memref<!tpu.dma_semaphore, #tpu.memory_space<semaphore_mem>>) src(%dma_wait3A_20 : memref<625x128xf32, #tpu.memory_space<hbm>>) dst(%dma_wait3A_18 : memref<625x128xf32, #tpu.memory_space<vmem_shared>>)
    %dma_wait3A_21 = arith.constant 0 : i32
    %dma_wait3A_22 = tpu.memref_slice %arg3[%mul3A_7, %dma_wait3A_21] : memref<8000x40xi32, #tpu.memory_space<hbm>> -> memref<250x40xi32, #tpu.memory_space<hbm>>
    %dma_wait3A_23 = arith.constant 0 : i32
    %dma_wait3A_24 = tpu.memref_slice %arg3[%mul3A_7, %dma_wait3A_23] : memref<8000x40xi32, #tpu.memory_space<hbm>> -> memref<250x40xi32, #tpu.memory_space<hbm>>
    tpu.wait_dma2 semaphore(%arg16 : memref<!tpu.dma_semaphore, #tpu.memory_space<semaphore_mem>>) src(%dma_wait3A_24 : memref<250x40xi32, #tpu.memory_space<hbm>>) dst(%arg7 : memref<250x40xi32, #tpu.memory_space<vmem>>)
    %dma_wait3A_25 = arith.constant 0 : i32
    %dma_wait3A_26 = tpu.memref_slice %arg4[%mul3A_13, %dma_wait3A_25] : memref<8000x40xi32, #tpu.memory_space<hbm>> -> memref<250x40xi32, #tpu.memory_space<hbm>>
    %dma_wait3A_27 = arith.constant 0 : i32
    %dma_wait3A_28 = tpu.memref_slice %arg4[%mul3A_13, %dma_wait3A_27] : memref<8000x40xi32, #tpu.memory_space<hbm>> -> memref<250x40xi32, #tpu.memory_space<hbm>>
    tpu.wait_dma2 semaphore(%arg17 : memref<!tpu.dma_semaphore, #tpu.memory_space<semaphore_mem>>) src(%dma_wait3A_28 : memref<250x40xi32, #tpu.memory_space<hbm>>) dst(%arg8 : memref<250x40xi32, #tpu.memory_space<vmem>>)
    %barrier3A = arith.constant 0 : index
    tpu.barrier barrier_id(%barrier3A)
    %scan3A = arith.constant 0 : i32
    %scan3A_29 = arith.constant 0 : i32
    %scan3A_30 = arith.constant 50 : i32
    %scan3A_31 = arith.addi %scan3A_29, %scan3A_30 : i32
    %scan3A_32 = arith.constant 1 : i32
    scf.for %scan3A_73 = %scan3A_29 to %scan3A_31 step %scan3A_32  : i32 {
      %mul3A_74 = arith.constant 5 : i32
      %mul3A_75 = arith.muli %scan3A_73, %mul3A_74 : i32
      %gt3A = arith.constant 0 : i32
      %gt3A_76 = arith.cmpi sgt, %scan3A_73, %gt3A : i32
      %convert_element_type3A = arith.extui %gt3A_76 : i1 to i32
      %cond3A = arith.constant 0 : i32
      %cond3A_77 = arith.cmpi ne, %convert_element_type3A, %cond3A : i32
      scf.if %cond3A_77 {
        %add3A_208 = arith.constant 0 : i32
        %add3A_209 = arith.addi %mul3A_75, %add3A_208 : i32
        %dma_wait3A_210 = arith.constant 0 : i32
        %dma_wait3A_211 = tpu.memref_slice %arg8[%add3A_209, %dma_wait3A_210] : memref<250x40xi32, #tpu.memory_space<vmem>> -> memref<1x40xi32, #tpu.memory_space<vmem>>
        %dma_wait3A_212 = tpu.memref_squeeze %dma_wait3A_211 : memref<1x40xi32, #tpu.memory_space<vmem>> -> memref<40xi32, #tpu.memory_space<vmem>>
        %dma_wait3A_213 = arith.constant 0 : i32
        %dma_wait3A_214 = arith.constant 0 : i32
        %dma_wait3A_215 = tpu.memref_slice %arg9[%dma_wait3A_213, %dma_wait3A_214] : memref<10000x128xf32, #tpu.memory_space<vmem_shared>> -> memref<10000x128xf32, #tpu.memory_space<vmem_shared>>
        tpu.wait_indirect_dma semaphore(%arg20 : memref<!tpu.dma_semaphore, #tpu.memory_space<semaphore_mem>>) src(%arg10 : memref<40x128xf32, #tpu.memory_space<vmem>>) dst(%dma_wait3A_215 : memref<10000x128xf32, #tpu.memory_space<vmem_shared>>)
      } else {
      }
      %add3A_78 = arith.constant 0 : i32
      %add3A_79 = arith.addi %mul3A_75, %add3A_78 : i32
      %dma_start3A_80 = arith.constant 0 : i32
      %dma_start3A_81 = tpu.memref_slice %arg7[%add3A_79, %dma_start3A_80] : memref<250x40xi32, #tpu.memory_space<vmem>> -> memref<1x40xi32, #tpu.memory_space<vmem>>
      %dma_start3A_82 = tpu.memref_squeeze %dma_start3A_81 : memref<1x40xi32, #tpu.memory_space<vmem>> -> memref<40xi32, #tpu.memory_space<vmem>>
      %dma_start3A_83 = arith.constant 0 : i32
      %dma_start3A_84 = arith.constant 0 : i32
      %dma_start3A_85 = tpu.memref_slice %arg2[%dma_start3A_83, %dma_start3A_84] : memref<10000x128xf32, #tpu.memory_space<hbm>> -> memref<10000x128xf32, #tpu.memory_space<hbm>>
      tpu.enqueue_indirect_dma source(%dma_start3A_85 : memref<10000x128xf32, #tpu.memory_space<hbm>>) target(%arg10 : memref<40x128xf32, #tpu.memory_space<vmem>>) offsets(%dma_start3A_82 : memref<40xi32, #tpu.memory_space<vmem>>) semaphore(%arg15 : memref<!tpu.dma_semaphore, #tpu.memory_space<semaphore_mem>>)
      %gt3A_86 = arith.constant 0 : i32
      %gt3A_87 = arith.cmpi sgt, %scan3A_73, %gt3A_86 : i32
      %convert_element_type3A_88 = arith.extui %gt3A_87 : i1 to i32
      %cond3A_89 = arith.constant 0 : i32
      %cond3A_90 = arith.cmpi ne, %convert_element_type3A_88, %cond3A_89 : i32
      scf.if %cond3A_90 {
        %add3A_208 = arith.constant 1 : i32
        %add3A_209 = arith.addi %mul3A_75, %add3A_208 : i32
        %dma_wait3A_210 = arith.constant 0 : i32
        %dma_wait3A_211 = tpu.memref_slice %arg8[%add3A_209, %dma_wait3A_210] : memref<250x40xi32, #tpu.memory_space<vmem>> -> memref<1x40xi32, #tpu.memory_space<vmem>>
        %dma_wait3A_212 = tpu.memref_squeeze %dma_wait3A_211 : memref<1x40xi32, #tpu.memory_space<vmem>> -> memref<40xi32, #tpu.memory_space<vmem>>
        %dma_wait3A_213 = arith.constant 0 : i32
        %dma_wait3A_214 = arith.constant 0 : i32
        %dma_wait3A_215 = tpu.memref_slice %arg9[%dma_wait3A_213, %dma_wait3A_214] : memref<10000x128xf32, #tpu.memory_space<vmem_shared>> -> memref<10000x128xf32, #tpu.memory_space<vmem_shared>>
        tpu.wait_indirect_dma semaphore(%arg21 : memref<!tpu.dma_semaphore, #tpu.memory_space<semaphore_mem>>) src(%arg11 : memref<40x128xf32, #tpu.memory_space<vmem>>) dst(%dma_wait3A_215 : memref<10000x128xf32, #tpu.memory_space<vmem_shared>>)
      } else {
      }
      %add3A_91 = arith.constant 1 : i32
      %add3A_92 = arith.addi %mul3A_75, %add3A_91 : i32
      %dma_start3A_93 = arith.constant 0 : i32
      %dma_start3A_94 = tpu.memref_slice %arg7[%add3A_92, %dma_start3A_93] : memref<250x40xi32, #tpu.memory_space<vmem>> -> memref<1x40xi32, #tpu.memory_space<vmem>>
      %dma_start3A_95 = tpu.memref_squeeze %dma_start3A_94 : memref<1x40xi32, #tpu.memory_space<vmem>> -> memref<40xi32, #tpu.memory_space<vmem>>
      %dma_start3A_96 = arith.constant 0 : i32
      %dma_start3A_97 = arith.constant 0 : i32
      %dma_start3A_98 = tpu.memref_slice %arg2[%dma_start3A_96, %dma_start3A_97] : memref<10000x128xf32, #tpu.memory_space<hbm>> -> memref<10000x128xf32, #tpu.memory_space<hbm>>
      tpu.enqueue_indirect_dma source(%dma_start3A_98 : memref<10000x128xf32, #tpu.memory_space<hbm>>) target(%arg11 : memref<40x128xf32, #tpu.memory_space<vmem>>) offsets(%dma_start3A_95 : memref<40xi32, #tpu.memory_space<vmem>>) semaphore(%arg16 : memref<!tpu.dma_semaphore, #tpu.memory_space<semaphore_mem>>)
      %gt3A_99 = arith.constant 0 : i32
      %gt3A_100 = arith.cmpi sgt, %scan3A_73, %gt3A_99 : i32
      %convert_element_type3A_101 = arith.extui %gt3A_100 : i1 to i32
      %cond3A_102 = arith.constant 0 : i32
      %cond3A_103 = arith.cmpi ne, %convert_element_type3A_101, %cond3A_102 : i32
      scf.if %cond3A_103 {
        %add3A_208 = arith.constant 2 : i32
        %add3A_209 = arith.addi %mul3A_75, %add3A_208 : i32
        %dma_wait3A_210 = arith.constant 0 : i32
        %dma_wait3A_211 = tpu.memref_slice %arg8[%add3A_209, %dma_wait3A_210] : memref<250x40xi32, #tpu.memory_space<vmem>> -> memref<1x40xi32, #tpu.memory_space<vmem>>
        %dma_wait3A_212 = tpu.memref_squeeze %dma_wait3A_211 : memref<1x40xi32, #tpu.memory_space<vmem>> -> memref<40xi32, #tpu.memory_space<vmem>>
        %dma_wait3A_213 = arith.constant 0 : i32
        %dma_wait3A_214 = arith.constant 0 : i32
        %dma_wait3A_215 = tpu.memref_slice %arg9[%dma_wait3A_213, %dma_wait3A_214] : memref<10000x128xf32, #tpu.memory_space<vmem_shared>> -> memref<10000x128xf32, #tpu.memory_space<vmem_shared>>
        tpu.wait_indirect_dma semaphore(%arg22 : memref<!tpu.dma_semaphore, #tpu.memory_space<semaphore_mem>>) src(%arg12 : memref<40x128xf32, #tpu.memory_space<vmem>>) dst(%dma_wait3A_215 : memref<10000x128xf32, #tpu.memory_space<vmem_shared>>)
      } else {
      }
      %add3A_104 = arith.constant 2 : i32
      %add3A_105 = arith.addi %mul3A_75, %add3A_104 : i32
      %dma_start3A_106 = arith.constant 0 : i32
      %dma_start3A_107 = tpu.memref_slice %arg7[%add3A_105, %dma_start3A_106] : memref<250x40xi32, #tpu.memory_space<vmem>> -> memref<1x40xi32, #tpu.memory_space<vmem>>
      %dma_start3A_108 = tpu.memref_squeeze %dma_start3A_107 : memref<1x40xi32, #tpu.memory_space<vmem>> -> memref<40xi32, #tpu.memory_space<vmem>>
      %dma_start3A_109 = arith.constant 0 : i32
      %dma_start3A_110 = arith.constant 0 : i32
      %dma_start3A_111 = tpu.memref_slice %arg2[%dma_start3A_109, %dma_start3A_110] : memref<10000x128xf32, #tpu.memory_space<hbm>> -> memref<10000x128xf32, #tpu.memory_space<hbm>>
      tpu.enqueue_indirect_dma source(%dma_start3A_111 : memref<10000x128xf32, #tpu.memory_space<hbm>>) target(%arg12 : memref<40x128xf32, #tpu.memory_space<vmem>>) offsets(%dma_start3A_108 : memref<40xi32, #tpu.memory_space<vmem>>) semaphore(%arg17 : memref<!tpu.dma_semaphore, #tpu.memory_space<semaphore_mem>>)
      %gt3A_112 = arith.constant 0 : i32
      %gt3A_113 = arith.cmpi sgt, %scan3A_73, %gt3A_112 : i32
      %convert_element_type3A_114 = arith.extui %gt3A_113 : i1 to i32
      %cond3A_115 = arith.constant 0 : i32
      %cond3A_116 = arith.cmpi ne, %convert_element_type3A_114, %cond3A_115 : i32
      scf.if %cond3A_116 {
        %add3A_208 = arith.constant 3 : i32
        %add3A_209 = arith.addi %mul3A_75, %add3A_208 : i32
        %dma_wait3A_210 = arith.constant 0 : i32
        %dma_wait3A_211 = tpu.memref_slice %arg8[%add3A_209, %dma_wait3A_210] : memref<250x40xi32, #tpu.memory_space<vmem>> -> memref<1x40xi32, #tpu.memory_space<vmem>>
        %dma_wait3A_212 = tpu.memref_squeeze %dma_wait3A_211 : memref<1x40xi32, #tpu.memory_space<vmem>> -> memref<40xi32, #tpu.memory_space<vmem>>
        %dma_wait3A_213 = arith.constant 0 : i32
        %dma_wait3A_214 = arith.constant 0 : i32
        %dma_wait3A_215 = tpu.memref_slice %arg9[%dma_wait3A_213, %dma_wait3A_214] : memref<10000x128xf32, #tpu.memory_space<vmem_shared>> -> memref<10000x128xf32, #tpu.memory_space<vmem_shared>>
        tpu.wait_indirect_dma semaphore(%arg23 : memref<!tpu.dma_semaphore, #tpu.memory_space<semaphore_mem>>) src(%arg13 : memref<40x128xf32, #tpu.memory_space<vmem>>) dst(%dma_wait3A_215 : memref<10000x128xf32, #tpu.memory_space<vmem_shared>>)
      } else {
      }
      %add3A_117 = arith.constant 3 : i32
      %add3A_118 = arith.addi %mul3A_75, %add3A_117 : i32
      %dma_start3A_119 = arith.constant 0 : i32
      %dma_start3A_120 = tpu.memref_slice %arg7[%add3A_118, %dma_start3A_119] : memref<250x40xi32, #tpu.memory_space<vmem>> -> memref<1x40xi32, #tpu.memory_space<vmem>>
      %dma_start3A_121 = tpu.memref_squeeze %dma_start3A_120 : memref<1x40xi32, #tpu.memory_space<vmem>> -> memref<40xi32, #tpu.memory_space<vmem>>
      %dma_start3A_122 = arith.constant 0 : i32
      %dma_start3A_123 = arith.constant 0 : i32
      %dma_start3A_124 = tpu.memref_slice %arg2[%dma_start3A_122, %dma_start3A_123] : memref<10000x128xf32, #tpu.memory_space<hbm>> -> memref<10000x128xf32, #tpu.memory_space<hbm>>
      tpu.enqueue_indirect_dma source(%dma_start3A_124 : memref<10000x128xf32, #tpu.memory_space<hbm>>) target(%arg13 : memref<40x128xf32, #tpu.memory_space<vmem>>) offsets(%dma_start3A_121 : memref<40xi32, #tpu.memory_space<vmem>>) semaphore(%arg18 : memref<!tpu.dma_semaphore, #tpu.memory_space<semaphore_mem>>)
      %gt3A_125 = arith.constant 0 : i32
      %gt3A_126 = arith.cmpi sgt, %scan3A_73, %gt3A_125 : i32
      %convert_element_type3A_127 = arith.extui %gt3A_126 : i1 to i32
      %cond3A_128 = arith.constant 0 : i32
      %cond3A_129 = arith.cmpi ne, %convert_element_type3A_127, %cond3A_128 : i32
      scf.if %cond3A_129 {
        %add3A_208 = arith.constant 4 : i32
        %add3A_209 = arith.addi %mul3A_75, %add3A_208 : i32
        %dma_wait3A_210 = arith.constant 0 : i32
        %dma_wait3A_211 = tpu.memref_slice %arg8[%add3A_209, %dma_wait3A_210] : memref<250x40xi32, #tpu.memory_space<vmem>> -> memref<1x40xi32, #tpu.memory_space<vmem>>
        %dma_wait3A_212 = tpu.memref_squeeze %dma_wait3A_211 : memref<1x40xi32, #tpu.memory_space<vmem>> -> memref<40xi32, #tpu.memory_space<vmem>>
        %dma_wait3A_213 = arith.constant 0 : i32
        %dma_wait3A_214 = arith.constant 0 : i32
        %dma_wait3A_215 = tpu.memref_slice %arg9[%dma_wait3A_213, %dma_wait3A_214] : memref<10000x128xf32, #tpu.memory_space<vmem_shared>> -> memref<10000x128xf32, #tpu.memory_space<vmem_shared>>
        tpu.wait_indirect_dma semaphore(%arg24 : memref<!tpu.dma_semaphore, #tpu.memory_space<semaphore_mem>>) src(%arg14 : memref<40x128xf32, #tpu.memory_space<vmem>>) dst(%dma_wait3A_215 : memref<10000x128xf32, #tpu.memory_space<vmem_shared>>)
      } else {
      }
      %add3A_130 = arith.constant 4 : i32
      %add3A_131 = arith.addi %mul3A_75, %add3A_130 : i32
      %dma_start3A_132 = arith.constant 0 : i32
      %dma_start3A_133 = tpu.memref_slice %arg7[%add3A_131, %dma_start3A_132] : memref<250x40xi32, #tpu.memory_space<vmem>> -> memref<1x40xi32, #tpu.memory_space<vmem>>
      %dma_start3A_134 = tpu.memref_squeeze %dma_start3A_133 : memref<1x40xi32, #tpu.memory_space<vmem>> -> memref<40xi32, #tpu.memory_space<vmem>>
      %dma_start3A_135 = arith.constant 0 : i32
      %dma_start3A_136 = arith.constant 0 : i32
      %dma_start3A_137 = tpu.memref_slice %arg2[%dma_start3A_135, %dma_start3A_136] : memref<10000x128xf32, #tpu.memory_space<hbm>> -> memref<10000x128xf32, #tpu.memory_space<hbm>>
      tpu.enqueue_indirect_dma source(%dma_start3A_137 : memref<10000x128xf32, #tpu.memory_space<hbm>>) target(%arg14 : memref<40x128xf32, #tpu.memory_space<vmem>>) offsets(%dma_start3A_134 : memref<40xi32, #tpu.memory_space<vmem>>) semaphore(%arg19 : memref<!tpu.dma_semaphore, #tpu.memory_space<semaphore_mem>>)
      %dma_wait3A_138 = arith.constant 0 : i32
      %dma_wait3A_139 = tpu.memref_slice %arg7[%add3A_79, %dma_wait3A_138] : memref<250x40xi32, #tpu.memory_space<vmem>> -> memref<1x40xi32, #tpu.memory_space<vmem>>
      %dma_wait3A_140 = tpu.memref_squeeze %dma_wait3A_139 : memref<1x40xi32, #tpu.memory_space<vmem>> -> memref<40xi32, #tpu.memory_space<vmem>>
      %dma_wait3A_141 = arith.constant 0 : i32
      %dma_wait3A_142 = arith.constant 0 : i32
      %dma_wait3A_143 = tpu.memref_slice %arg2[%dma_wait3A_141, %dma_wait3A_142] : memref<10000x128xf32, #tpu.memory_space<hbm>> -> memref<10000x128xf32, #tpu.memory_space<hbm>>
      tpu.wait_indirect_dma semaphore(%arg15 : memref<!tpu.dma_semaphore, #tpu.memory_space<semaphore_mem>>) src(%dma_wait3A_143 : memref<10000x128xf32, #tpu.memory_space<hbm>>) dst(%arg10 : memref<40x128xf32, #tpu.memory_space<vmem>>)
      %add3A_144 = arith.constant 0 : i32
      %add3A_145 = arith.addi %mul3A_75, %add3A_144 : i32
      %dma_start3A_146 = arith.constant 0 : i32
      %dma_start3A_147 = tpu.memref_slice %arg8[%add3A_145, %dma_start3A_146] : memref<250x40xi32, #tpu.memory_space<vmem>> -> memref<1x40xi32, #tpu.memory_space<vmem>>
      %dma_start3A_148 = tpu.memref_squeeze %dma_start3A_147 : memref<1x40xi32, #tpu.memory_space<vmem>> -> memref<40xi32, #tpu.memory_space<vmem>>
      %dma_start3A_149 = arith.constant 0 : i32
      %dma_start3A_150 = arith.constant 0 : i32
      %dma_start3A_151 = tpu.memref_slice %arg9[%dma_start3A_149, %dma_start3A_150] : memref<10000x128xf32, #tpu.memory_space<vmem_shared>> -> memref<10000x128xf32, #tpu.memory_space<vmem_shared>>
      tpu.enqueue_indirect_dma source(%arg10 : memref<40x128xf32, #tpu.memory_space<vmem>>) target(%dma_start3A_151 : memref<10000x128xf32, #tpu.memory_space<vmem_shared>>) offsets(%dma_start3A_148 : memref<40xi32, #tpu.memory_space<vmem>>) semaphore(%arg20 : memref<!tpu.dma_semaphore, #tpu.memory_space<semaphore_mem>>) {add = true}
      %dma_wait3A_152 = arith.constant 0 : i32
      %dma_wait3A_153 = tpu.memref_slice %arg7[%add3A_92, %dma_wait3A_152] : memref<250x40xi32, #tpu.memory_space<vmem>> -> memref<1x40xi32, #tpu.memory_space<vmem>>
      %dma_wait3A_154 = tpu.memref_squeeze %dma_wait3A_153 : memref<1x40xi32, #tpu.memory_space<vmem>> -> memref<40xi32, #tpu.memory_space<vmem>>
      %dma_wait3A_155 = arith.constant 0 : i32
      %dma_wait3A_156 = arith.constant 0 : i32
      %dma_wait3A_157 = tpu.memref_slice %arg2[%dma_wait3A_155, %dma_wait3A_156] : memref<10000x128xf32, #tpu.memory_space<hbm>> -> memref<10000x128xf32, #tpu.memory_space<hbm>>
      tpu.wait_indirect_dma semaphore(%arg16 : memref<!tpu.dma_semaphore, #tpu.memory_space<semaphore_mem>>) src(%dma_wait3A_157 : memref<10000x128xf32, #tpu.memory_space<hbm>>) dst(%arg11 : memref<40x128xf32, #tpu.memory_space<vmem>>)
      %add3A_158 = arith.constant 1 : i32
      %add3A_159 = arith.addi %mul3A_75, %add3A_158 : i32
      %dma_start3A_160 = arith.constant 0 : i32
      %dma_start3A_161 = tpu.memref_slice %arg8[%add3A_159, %dma_start3A_160] : memref<250x40xi32, #tpu.memory_space<vmem>> -> memref<1x40xi32, #tpu.memory_space<vmem>>
      %dma_start3A_162 = tpu.memref_squeeze %dma_start3A_161 : memref<1x40xi32, #tpu.memory_space<vmem>> -> memref<40xi32, #tpu.memory_space<vmem>>
      %dma_start3A_163 = arith.constant 0 : i32
      %dma_start3A_164 = arith.constant 0 : i32
      %dma_start3A_165 = tpu.memref_slice %arg9[%dma_start3A_163, %dma_start3A_164] : memref<10000x128xf32, #tpu.memory_space<vmem_shared>> -> memref<10000x128xf32, #tpu.memory_space<vmem_shared>>
      tpu.enqueue_indirect_dma source(%arg11 : memref<40x128xf32, #tpu.memory_space<vmem>>) target(%dma_start3A_165 : memref<10000x128xf32, #tpu.memory_space<vmem_shared>>) offsets(%dma_start3A_162 : memref<40xi32, #tpu.memory_space<vmem>>) semaphore(%arg21 : memref<!tpu.dma_semaphore, #tpu.memory_space<semaphore_mem>>) {add = true}
      %dma_wait3A_166 = arith.constant 0 : i32
      %dma_wait3A_167 = tpu.memref_slice %arg7[%add3A_105, %dma_wait3A_166] : memref<250x40xi32, #tpu.memory_space<vmem>> -> memref<1x40xi32, #tpu.memory_space<vmem>>
      %dma_wait3A_168 = tpu.memref_squeeze %dma_wait3A_167 : memref<1x40xi32, #tpu.memory_space<vmem>> -> memref<40xi32, #tpu.memory_space<vmem>>
      %dma_wait3A_169 = arith.constant 0 : i32
      %dma_wait3A_170 = arith.constant 0 : i32
      %dma_wait3A_171 = tpu.memref_slice %arg2[%dma_wait3A_169, %dma_wait3A_170] : memref<10000x128xf32, #tpu.memory_space<hbm>> -> memref<10000x128xf32, #tpu.memory_space<hbm>>
      tpu.wait_indirect_dma semaphore(%arg17 : memref<!tpu.dma_semaphore, #tpu.memory_space<semaphore_mem>>) src(%dma_wait3A_171 : memref<10000x128xf32, #tpu.memory_space<hbm>>) dst(%arg12 : memref<40x128xf32, #tpu.memory_space<vmem>>)
      %add3A_172 = arith.constant 2 : i32
      %add3A_173 = arith.addi %mul3A_75, %add3A_172 : i32
      %dma_start3A_174 = arith.constant 0 : i32
      %dma_start3A_175 = tpu.memref_slice %arg8[%add3A_173, %dma_start3A_174] : memref<250x40xi32, #tpu.memory_space<vmem>> -> memref<1x40xi32, #tpu.memory_space<vmem>>
      %dma_start3A_176 = tpu.memref_squeeze %dma_start3A_175 : memref<1x40xi32, #tpu.memory_space<vmem>> -> memref<40xi32, #tpu.memory_space<vmem>>
      %dma_start3A_177 = arith.constant 0 : i32
      %dma_start3A_178 = arith.constant 0 : i32
      %dma_start3A_179 = tpu.memref_slice %arg9[%dma_start3A_177, %dma_start3A_178] : memref<10000x128xf32, #tpu.memory_space<vmem_shared>> -> memref<10000x128xf32, #tpu.memory_space<vmem_shared>>
      tpu.enqueue_indirect_dma source(%arg12 : memref<40x128xf32, #tpu.memory_space<vmem>>) target(%dma_start3A_179 : memref<10000x128xf32, #tpu.memory_space<vmem_shared>>) offsets(%dma_start3A_176 : memref<40xi32, #tpu.memory_space<vmem>>) semaphore(%arg22 : memref<!tpu.dma_semaphore, #tpu.memory_space<semaphore_mem>>) {add = true}
      %dma_wait3A_180 = arith.constant 0 : i32
      %dma_wait3A_181 = tpu.memref_slice %arg7[%add3A_118, %dma_wait3A_180] : memref<250x40xi32, #tpu.memory_space<vmem>> -> memref<1x40xi32, #tpu.memory_space<vmem>>
      %dma_wait3A_182 = tpu.memref_squeeze %dma_wait3A_181 : memref<1x40xi32, #tpu.memory_space<vmem>> -> memref<40xi32, #tpu.memory_space<vmem>>
      %dma_wait3A_183 = arith.constant 0 : i32
      %dma_wait3A_184 = arith.constant 0 : i32
      %dma_wait3A_185 = tpu.memref_slice %arg2[%dma_wait3A_183, %dma_wait3A_184] : memref<10000x128xf32, #tpu.memory_space<hbm>> -> memref<10000x128xf32, #tpu.memory_space<hbm>>
      tpu.wait_indirect_dma semaphore(%arg18 : memref<!tpu.dma_semaphore, #tpu.memory_space<semaphore_mem>>) src(%dma_wait3A_185 : memref<10000x128xf32, #tpu.memory_space<hbm>>) dst(%arg13 : memref<40x128xf32, #tpu.memory_space<vmem>>)
      %add3A_186 = arith.constant 3 : i32
      %add3A_187 = arith.addi %mul3A_75, %add3A_186 : i32
      %dma_start3A_188 = arith.constant 0 : i32
      %dma_start3A_189 = tpu.memref_slice %arg8[%add3A_187, %dma_start3A_188] : memref<250x40xi32, #tpu.memory_space<vmem>> -> memref<1x40xi32, #tpu.memory_space<vmem>>
      %dma_start3A_190 = tpu.memref_squeeze %dma_start3A_189 : memref<1x40xi32, #tpu.memory_space<vmem>> -> memref<40xi32, #tpu.memory_space<vmem>>
      %dma_start3A_191 = arith.constant 0 : i32
      %dma_start3A_192 = arith.constant 0 : i32
      %dma_start3A_193 = tpu.memref_slice %arg9[%dma_start3A_191, %dma_start3A_192] : memref<10000x128xf32, #tpu.memory_space<vmem_shared>> -> memref<10000x128xf32, #tpu.memory_space<vmem_shared>>
      tpu.enqueue_indirect_dma source(%arg13 : memref<40x128xf32, #tpu.memory_space<vmem>>) target(%dma_start3A_193 : memref<10000x128xf32, #tpu.memory_space<vmem_shared>>) offsets(%dma_start3A_190 : memref<40xi32, #tpu.memory_space<vmem>>) semaphore(%arg23 : memref<!tpu.dma_semaphore, #tpu.memory_space<semaphore_mem>>) {add = true}
      %dma_wait3A_194 = arith.constant 0 : i32
      %dma_wait3A_195 = tpu.memref_slice %arg7[%add3A_131, %dma_wait3A_194] : memref<250x40xi32, #tpu.memory_space<vmem>> -> memref<1x40xi32, #tpu.memory_space<vmem>>
      %dma_wait3A_196 = tpu.memref_squeeze %dma_wait3A_195 : memref<1x40xi32, #tpu.memory_space<vmem>> -> memref<40xi32, #tpu.memory_space<vmem>>
      %dma_wait3A_197 = arith.constant 0 : i32
      %dma_wait3A_198 = arith.constant 0 : i32
      %dma_wait3A_199 = tpu.memref_slice %arg2[%dma_wait3A_197, %dma_wait3A_198] : memref<10000x128xf32, #tpu.memory_space<hbm>> -> memref<10000x128xf32, #tpu.memory_space<hbm>>
      tpu.wait_indirect_dma semaphore(%arg19 : memref<!tpu.dma_semaphore, #tpu.memory_space<semaphore_mem>>) src(%dma_wait3A_199 : memref<10000x128xf32, #tpu.memory_space<hbm>>) dst(%arg14 : memref<40x128xf32, #tpu.memory_space<vmem>>)
      %add3A_200 = arith.constant 4 : i32
      %add3A_201 = arith.addi %mul3A_75, %add3A_200 : i32
      %dma_start3A_202 = arith.constant 0 : i32
      %dma_start3A_203 = tpu.memref_slice %arg8[%add3A_201, %dma_start3A_202] : memref<250x40xi32, #tpu.memory_space<vmem>> -> memref<1x40xi32, #tpu.memory_space<vmem>>
      %dma_start3A_204 = tpu.memref_squeeze %dma_start3A_203 : memref<1x40xi32, #tpu.memory_space<vmem>> -> memref<40xi32, #tpu.memory_space<vmem>>
      %dma_start3A_205 = arith.constant 0 : i32
      %dma_start3A_206 = arith.constant 0 : i32
      %dma_start3A_207 = tpu.memref_slice %arg9[%dma_start3A_205, %dma_start3A_206] : memref<10000x128xf32, #tpu.memory_space<vmem_shared>> -> memref<10000x128xf32, #tpu.memory_space<vmem_shared>>
      tpu.enqueue_indirect_dma source(%arg14 : memref<40x128xf32, #tpu.memory_space<vmem>>) target(%dma_start3A_207 : memref<10000x128xf32, #tpu.memory_space<vmem_shared>>) offsets(%dma_start3A_204 : memref<40xi32, #tpu.memory_space<vmem>>) semaphore(%arg24 : memref<!tpu.dma_semaphore, #tpu.memory_space<semaphore_mem>>) {add = true}
    }
    %scan3A_33 = arith.constant 50 : i32
    %dma_wait3A_34 = arith.constant 0 : i32
    %dma_wait3A_35 = arith.constant 0 : i32
    %dma_wait3A_36 = tpu.memref_slice %arg8[%dma_wait3A_34, %dma_wait3A_35] : memref<250x40xi32, #tpu.memory_space<vmem>> -> memref<1x40xi32, #tpu.memory_space<vmem>>
    %dma_wait3A_37 = tpu.memref_squeeze %dma_wait3A_36 : memref<1x40xi32, #tpu.memory_space<vmem>> -> memref<40xi32, #tpu.memory_space<vmem>>
    %dma_wait3A_38 = arith.constant 0 : i32
    %dma_wait3A_39 = arith.constant 0 : i32
    %dma_wait3A_40 = tpu.memref_slice %arg9[%dma_wait3A_38, %dma_wait3A_39] : memref<10000x128xf32, #tpu.memory_space<vmem_shared>> -> memref<10000x128xf32, #tpu.memory_space<vmem_shared>>
    tpu.wait_indirect_dma semaphore(%arg20 : memref<!tpu.dma_semaphore, #tpu.memory_space<semaphore_mem>>) src(%arg10 : memref<40x128xf32, #tpu.memory_space<vmem>>) dst(%dma_wait3A_40 : memref<10000x128xf32, #tpu.memory_space<vmem_shared>>)
    %dma_wait3A_41 = arith.constant 1 : i32
    %dma_wait3A_42 = arith.constant 0 : i32
    %dma_wait3A_43 = tpu.memref_slice %arg8[%dma_wait3A_41, %dma_wait3A_42] : memref<250x40xi32, #tpu.memory_space<vmem>> -> memref<1x40xi32, #tpu.memory_space<vmem>>
    %dma_wait3A_44 = tpu.memref_squeeze %dma_wait3A_43 : memref<1x40xi32, #tpu.memory_space<vmem>> -> memref<40xi32, #tpu.memory_space<vmem>>
    %dma_wait3A_45 = arith.constant 0 : i32
    %dma_wait3A_46 = arith.constant 0 : i32
    %dma_wait3A_47 = tpu.memref_slice %arg9[%dma_wait3A_45, %dma_wait3A_46] : memref<10000x128xf32, #tpu.memory_space<vmem_shared>> -> memref<10000x128xf32, #tpu.memory_space<vmem_shared>>
    tpu.wait_indirect_dma semaphore(%arg21 : memref<!tpu.dma_semaphore, #tpu.memory_space<semaphore_mem>>) src(%arg11 : memref<40x128xf32, #tpu.memory_space<vmem>>) dst(%dma_wait3A_47 : memref<10000x128xf32, #tpu.memory_space<vmem_shared>>)
    %dma_wait3A_48 = arith.constant 2 : i32
    %dma_wait3A_49 = arith.constant 0 : i32
    %dma_wait3A_50 = tpu.memref_slice %arg8[%dma_wait3A_48, %dma_wait3A_49] : memref<250x40xi32, #tpu.memory_space<vmem>> -> memref<1x40xi32, #tpu.memory_space<vmem>>
    %dma_wait3A_51 = tpu.memref_squeeze %dma_wait3A_50 : memref<1x40xi32, #tpu.memory_space<vmem>> -> memref<40xi32, #tpu.memory_space<vmem>>
    %dma_wait3A_52 = arith.constant 0 : i32
    %dma_wait3A_53 = arith.constant 0 : i32
    %dma_wait3A_54 = tpu.memref_slice %arg9[%dma_wait3A_52, %dma_wait3A_53] : memref<10000x128xf32, #tpu.memory_space<vmem_shared>> -> memref<10000x128xf32, #tpu.memory_space<vmem_shared>>
    tpu.wait_indirect_dma semaphore(%arg22 : memref<!tpu.dma_semaphore, #tpu.memory_space<semaphore_mem>>) src(%arg12 : memref<40x128xf32, #tpu.memory_space<vmem>>) dst(%dma_wait3A_54 : memref<10000x128xf32, #tpu.memory_space<vmem_shared>>)
    %dma_wait3A_55 = arith.constant 3 : i32
    %dma_wait3A_56 = arith.constant 0 : i32
    %dma_wait3A_57 = tpu.memref_slice %arg8[%dma_wait3A_55, %dma_wait3A_56] : memref<250x40xi32, #tpu.memory_space<vmem>> -> memref<1x40xi32, #tpu.memory_space<vmem>>
    %dma_wait3A_58 = tpu.memref_squeeze %dma_wait3A_57 : memref<1x40xi32, #tpu.memory_space<vmem>> -> memref<40xi32, #tpu.memory_space<vmem>>
    %dma_wait3A_59 = arith.constant 0 : i32
    %dma_wait3A_60 = arith.constant 0 : i32
    %dma_wait3A_61 = tpu.memref_slice %arg9[%dma_wait3A_59, %dma_wait3A_60] : memref<10000x128xf32, #tpu.memory_space<vmem_shared>> -> memref<10000x128xf32, #tpu.memory_space<vmem_shared>>
    tpu.wait_indirect_dma semaphore(%arg23 : memref<!tpu.dma_semaphore, #tpu.memory_space<semaphore_mem>>) src(%arg13 : memref<40x128xf32, #tpu.memory_space<vmem>>) dst(%dma_wait3A_61 : memref<10000x128xf32, #tpu.memory_space<vmem_shared>>)
    %dma_wait3A_62 = arith.constant 4 : i32
    %dma_wait3A_63 = arith.constant 0 : i32
    %dma_wait3A_64 = tpu.memref_slice %arg8[%dma_wait3A_62, %dma_wait3A_63] : memref<250x40xi32, #tpu.memory_space<vmem>> -> memref<1x40xi32, #tpu.memory_space<vmem>>
    %dma_wait3A_65 = tpu.memref_squeeze %dma_wait3A_64 : memref<1x40xi32, #tpu.memory_space<vmem>> -> memref<40xi32, #tpu.memory_space<vmem>>
    %dma_wait3A_66 = arith.constant 0 : i32
    %dma_wait3A_67 = arith.constant 0 : i32
    %dma_wait3A_68 = tpu.memref_slice %arg9[%dma_wait3A_66, %dma_wait3A_67] : memref<10000x128xf32, #tpu.memory_space<vmem_shared>> -> memref<10000x128xf32, #tpu.memory_space<vmem_shared>>
    tpu.wait_indirect_dma semaphore(%arg24 : memref<!tpu.dma_semaphore, #tpu.memory_space<semaphore_mem>>) src(%arg14 : memref<40x128xf32, #tpu.memory_space<vmem>>) dst(%dma_wait3A_68 : memref<10000x128xf32, #tpu.memory_space<vmem_shared>>)
    %barrier3A_69 = arith.constant 0 : index
    tpu.barrier barrier_id(%barrier3A_69)
    %mul3A_70 = arith.constant 10000 : i32
    %mul3A_71 = arith.muli %arg0, %mul3A_70 : i32
    %add3A_72 = arith.addi %mul3A_71, %mul3A_2 : i32
    "tpu.region"() ({
      %run_scoped3A = tpu.sem_alloc : memref<!tpu.dma_semaphore, #tpu.memory_space<semaphore_mem>>
      %dma_start3A_73 = arith.constant 0 : i32
      %dma_start3A_74 = tpu.memref_slice %arg6[%add3A_72, %dma_start3A_73] : memref<20000x128xf32, #tpu.memory_space<hbm>> -> memref<625x128xf32, #tpu.memory_space<hbm>>
      %dma_start3A_75 = arith.constant 0 : i32
      %dma_start3A_76 = tpu.memref_slice %arg9[%mul3A_2, %dma_start3A_75] : memref<10000x128xf32, #tpu.memory_space<vmem_shared>> -> memref<625x128xf32, #tpu.memory_space<vmem_shared>>
      tpu.enqueue_dma source(%dma_start3A_76 : memref<625x128xf32, #tpu.memory_space<vmem_shared>>) target(%dma_start3A_74 : memref<625x128xf32, #tpu.memory_space<hbm>>) target_semaphore(%run_scoped3A : memref<!tpu.dma_semaphore, #tpu.memory_space<semaphore_mem>>)
      %dma_wait3A_77 = arith.constant 0 : i32
      %dma_wait3A_78 = tpu.memref_slice %arg6[%add3A_72, %dma_wait3A_77] : memref<20000x128xf32, #tpu.memory_space<hbm>> -> memref<625x128xf32, #tpu.memory_space<hbm>>
      %dma_wait3A_79 = arith.constant 0 : i32
      %dma_wait3A_80 = tpu.memref_slice %arg9[%mul3A_2, %dma_wait3A_79] : memref<10000x128xf32, #tpu.memory_space<vmem_shared>> -> memref<625x128xf32, #tpu.memory_space<vmem_shared>>
      tpu.wait_dma2 semaphore(%run_scoped3A : memref<!tpu.dma_semaphore, #tpu.memory_space<semaphore_mem>>) src(%dma_wait3A_80 : memref<625x128xf32, #tpu.memory_space<vmem_shared>>) dst(%dma_wait3A_78 : memref<625x128xf32, #tpu.memory_space<hbm>>)
      tpu.yield
    }) : () -> ()
    return
  }
}

#map = affine_map<(d0, d1) -> (0, 0)>
module attributes {stable_mosaic.version = 14 : i64} {
  func.func @sc_agg(%arg0: i32, %arg1: i32, %arg2: memref<10000x64xf32, #tpu.memory_space<hbm>>, %arg3: memref<8000x40xi32, #tpu.memory_space<hbm>>, %arg4: memref<8000x40xi32, #tpu.memory_space<hbm>>, %arg5: memref<10000x64xf32, #tpu.memory_space<hbm>>, %arg6: memref<20000x64xf32, #tpu.memory_space<hbm>>, %arg7: memref<250x40xi32, #tpu.memory_space<vmem>>, %arg8: memref<250x40xi32, #tpu.memory_space<vmem>>, %arg9: memref<10000x64xf32, #tpu.memory_space<vmem_shared>>, %arg10: memref<40x64xf32, #tpu.memory_space<vmem>>, %arg11: memref<40x64xf32, #tpu.memory_space<vmem>>, %arg12: memref<40x64xf32, #tpu.memory_space<vmem>>, %arg13: memref<40x64xf32, #tpu.memory_space<vmem>>, %arg14: memref<40x64xf32, #tpu.memory_space<vmem>>, %arg15: memref<!tpu.dma_semaphore, #tpu.memory_space<semaphore_mem>>, %arg16: memref<!tpu.dma_semaphore, #tpu.memory_space<semaphore_mem>>, %arg17: memref<!tpu.dma_semaphore, #tpu.memory_space<semaphore_mem>>, %arg18: memref<!tpu.dma_semaphore, #tpu.memory_space<semaphore_mem>>, %arg19: memref<!tpu.dma_semaphore, #tpu.memory_space<semaphore_mem>>, %arg20: memref<!tpu.dma_semaphore, #tpu.memory_space<semaphore_mem>>, %arg21: memref<!tpu.dma_semaphore, #tpu.memory_space<semaphore_mem>>, %arg22: memref<!tpu.dma_semaphore, #tpu.memory_space<semaphore_mem>>, %arg23: memref<!tpu.dma_semaphore, #tpu.memory_space<semaphore_mem>>, %arg24: memref<!tpu.dma_semaphore, #tpu.memory_space<semaphore_mem>>) attributes {dimension_semantics = [#tpu.dimension_semantics<core_parallel>, #tpu.dimension_semantics<subcore_parallel>], iteration_bounds = array<i64: 2, 16>, scalar_prefetch = 0 : i64, scratch_operands = 18 : i64, tpu.core_type = #tpu.core_type<sc_vector_subcore>, window_params = [{transform_indices = #map}, {transform_indices = #map}, {transform_indices = #map}, {transform_indices = #map}, {transform_indices = #map}]} {
    %mul3A = arith.constant 16 : i32
    %mul3A_0 = arith.muli %arg0, %mul3A : i32
    %add3A = arith.addi %mul3A_0, %arg1 : i32
    %mul3A_1 = arith.constant 625 : i32
    %mul3A_2 = arith.muli %arg1, %mul3A_1 : i32
    %dma_start3A = arith.constant 0 : i32
    %dma_start3A_3 = tpu.memref_slice %arg9[%mul3A_2, %dma_start3A] : memref<10000x64xf32, #tpu.memory_space<vmem_shared>> -> memref<625x64xf32, #tpu.memory_space<vmem_shared>>
    %dma_start3A_4 = arith.constant 0 : i32
    %dma_start3A_5 = tpu.memref_slice %arg5[%mul3A_2, %dma_start3A_4] : memref<10000x64xf32, #tpu.memory_space<hbm>> -> memref<625x64xf32, #tpu.memory_space<hbm>>
    tpu.enqueue_dma source(%dma_start3A_5 : memref<625x64xf32, #tpu.memory_space<hbm>>) target(%dma_start3A_3 : memref<625x64xf32, #tpu.memory_space<vmem_shared>>) target_semaphore(%arg15 : memref<!tpu.dma_semaphore, #tpu.memory_space<semaphore_mem>>)
    %mul3A_6 = arith.constant 250 : i32
    %mul3A_7 = arith.muli %add3A, %mul3A_6 : i32
    %dma_start3A_8 = arith.constant 0 : i32
    %dma_start3A_9 = tpu.memref_slice %arg3[%mul3A_7, %dma_start3A_8] : memref<8000x40xi32, #tpu.memory_space<hbm>> -> memref<250x40xi32, #tpu.memory_space<hbm>>
    %dma_start3A_10 = arith.constant 0 : i32
    %dma_start3A_11 = tpu.memref_slice %arg3[%mul3A_7, %dma_start3A_10] : memref<8000x40xi32, #tpu.memory_space<hbm>> -> memref<250x40xi32, #tpu.memory_space<hbm>>
    tpu.enqueue_dma source(%dma_start3A_11 : memref<250x40xi32, #tpu.memory_space<hbm>>) target(%arg7 : memref<250x40xi32, #tpu.memory_space<vmem>>) target_semaphore(%arg16 : memref<!tpu.dma_semaphore, #tpu.memory_space<semaphore_mem>>)
    %mul3A_12 = arith.constant 250 : i32
    %mul3A_13 = arith.muli %add3A, %mul3A_12 : i32
    %dma_start3A_14 = arith.constant 0 : i32
    %dma_start3A_15 = tpu.memref_slice %arg4[%mul3A_13, %dma_start3A_14] : memref<8000x40xi32, #tpu.memory_space<hbm>> -> memref<250x40xi32, #tpu.memory_space<hbm>>
    %dma_start3A_16 = arith.constant 0 : i32
    %dma_start3A_17 = tpu.memref_slice %arg4[%mul3A_13, %dma_start3A_16] : memref<8000x40xi32, #tpu.memory_space<hbm>> -> memref<250x40xi32, #tpu.memory_space<hbm>>
    tpu.enqueue_dma source(%dma_start3A_17 : memref<250x40xi32, #tpu.memory_space<hbm>>) target(%arg8 : memref<250x40xi32, #tpu.memory_space<vmem>>) target_semaphore(%arg17 : memref<!tpu.dma_semaphore, #tpu.memory_space<semaphore_mem>>)
    %dma_wait3A = arith.constant 0 : i32
    %dma_wait3A_18 = tpu.memref_slice %arg9[%mul3A_2, %dma_wait3A] : memref<10000x64xf32, #tpu.memory_space<vmem_shared>> -> memref<625x64xf32, #tpu.memory_space<vmem_shared>>
    %dma_wait3A_19 = arith.constant 0 : i32
    %dma_wait3A_20 = tpu.memref_slice %arg5[%mul3A_2, %dma_wait3A_19] : memref<10000x64xf32, #tpu.memory_space<hbm>> -> memref<625x64xf32, #tpu.memory_space<hbm>>
    tpu.wait_dma2 semaphore(%arg15 : memref<!tpu.dma_semaphore, #tpu.memory_space<semaphore_mem>>) src(%dma_wait3A_20 : memref<625x64xf32, #tpu.memory_space<hbm>>) dst(%dma_wait3A_18 : memref<625x64xf32, #tpu.memory_space<vmem_shared>>)
    %dma_wait3A_21 = arith.constant 0 : i32
    %dma_wait3A_22 = tpu.memref_slice %arg3[%mul3A_7, %dma_wait3A_21] : memref<8000x40xi32, #tpu.memory_space<hbm>> -> memref<250x40xi32, #tpu.memory_space<hbm>>
    %dma_wait3A_23 = arith.constant 0 : i32
    %dma_wait3A_24 = tpu.memref_slice %arg3[%mul3A_7, %dma_wait3A_23] : memref<8000x40xi32, #tpu.memory_space<hbm>> -> memref<250x40xi32, #tpu.memory_space<hbm>>
    tpu.wait_dma2 semaphore(%arg16 : memref<!tpu.dma_semaphore, #tpu.memory_space<semaphore_mem>>) src(%dma_wait3A_24 : memref<250x40xi32, #tpu.memory_space<hbm>>) dst(%arg7 : memref<250x40xi32, #tpu.memory_space<vmem>>)
    %dma_wait3A_25 = arith.constant 0 : i32
    %dma_wait3A_26 = tpu.memref_slice %arg4[%mul3A_13, %dma_wait3A_25] : memref<8000x40xi32, #tpu.memory_space<hbm>> -> memref<250x40xi32, #tpu.memory_space<hbm>>
    %dma_wait3A_27 = arith.constant 0 : i32
    %dma_wait3A_28 = tpu.memref_slice %arg4[%mul3A_13, %dma_wait3A_27] : memref<8000x40xi32, #tpu.memory_space<hbm>> -> memref<250x40xi32, #tpu.memory_space<hbm>>
    tpu.wait_dma2 semaphore(%arg17 : memref<!tpu.dma_semaphore, #tpu.memory_space<semaphore_mem>>) src(%dma_wait3A_28 : memref<250x40xi32, #tpu.memory_space<hbm>>) dst(%arg8 : memref<250x40xi32, #tpu.memory_space<vmem>>)
    %barrier3A = arith.constant 0 : index
    tpu.barrier barrier_id(%barrier3A)
    %scan3A = arith.constant 0 : i32
    %scan3A_29 = arith.constant 0 : i32
    %scan3A_30 = arith.constant 50 : i32
    %scan3A_31 = arith.addi %scan3A_29, %scan3A_30 : i32
    %scan3A_32 = arith.constant 1 : i32
    scf.for %scan3A_73 = %scan3A_29 to %scan3A_31 step %scan3A_32  : i32 {
      %mul3A_74 = arith.constant 5 : i32
      %mul3A_75 = arith.muli %scan3A_73, %mul3A_74 : i32
      %gt3A = arith.constant 0 : i32
      %gt3A_76 = arith.cmpi sgt, %scan3A_73, %gt3A : i32
      %convert_element_type3A = arith.extui %gt3A_76 : i1 to i32
      %cond3A = arith.constant 0 : i32
      %cond3A_77 = arith.cmpi ne, %convert_element_type3A, %cond3A : i32
      scf.if %cond3A_77 {
        %add3A_208 = arith.constant 0 : i32
        %add3A_209 = arith.addi %mul3A_75, %add3A_208 : i32
        %dma_wait3A_210 = arith.constant 0 : i32
        %dma_wait3A_211 = tpu.memref_slice %arg8[%add3A_209, %dma_wait3A_210] : memref<250x40xi32, #tpu.memory_space<vmem>> -> memref<1x40xi32, #tpu.memory_space<vmem>>
        %dma_wait3A_212 = tpu.memref_squeeze %dma_wait3A_211 : memref<1x40xi32, #tpu.memory_space<vmem>> -> memref<40xi32, #tpu.memory_space<vmem>>
        %dma_wait3A_213 = arith.constant 0 : i32
        %dma_wait3A_214 = arith.constant 0 : i32
        %dma_wait3A_215 = tpu.memref_slice %arg9[%dma_wait3A_213, %dma_wait3A_214] : memref<10000x64xf32, #tpu.memory_space<vmem_shared>> -> memref<10000x64xf32, #tpu.memory_space<vmem_shared>>
        tpu.wait_indirect_dma semaphore(%arg20 : memref<!tpu.dma_semaphore, #tpu.memory_space<semaphore_mem>>) src(%arg10 : memref<40x64xf32, #tpu.memory_space<vmem>>) dst(%dma_wait3A_215 : memref<10000x64xf32, #tpu.memory_space<vmem_shared>>)
      } else {
      }
      %add3A_78 = arith.constant 0 : i32
      %add3A_79 = arith.addi %mul3A_75, %add3A_78 : i32
      %dma_start3A_80 = arith.constant 0 : i32
      %dma_start3A_81 = tpu.memref_slice %arg7[%add3A_79, %dma_start3A_80] : memref<250x40xi32, #tpu.memory_space<vmem>> -> memref<1x40xi32, #tpu.memory_space<vmem>>
      %dma_start3A_82 = tpu.memref_squeeze %dma_start3A_81 : memref<1x40xi32, #tpu.memory_space<vmem>> -> memref<40xi32, #tpu.memory_space<vmem>>
      %dma_start3A_83 = arith.constant 0 : i32
      %dma_start3A_84 = arith.constant 0 : i32
      %dma_start3A_85 = tpu.memref_slice %arg2[%dma_start3A_83, %dma_start3A_84] : memref<10000x64xf32, #tpu.memory_space<hbm>> -> memref<10000x64xf32, #tpu.memory_space<hbm>>
      tpu.enqueue_indirect_dma source(%dma_start3A_85 : memref<10000x64xf32, #tpu.memory_space<hbm>>) target(%arg10 : memref<40x64xf32, #tpu.memory_space<vmem>>) offsets(%dma_start3A_82 : memref<40xi32, #tpu.memory_space<vmem>>) semaphore(%arg15 : memref<!tpu.dma_semaphore, #tpu.memory_space<semaphore_mem>>)
      %gt3A_86 = arith.constant 0 : i32
      %gt3A_87 = arith.cmpi sgt, %scan3A_73, %gt3A_86 : i32
      %convert_element_type3A_88 = arith.extui %gt3A_87 : i1 to i32
      %cond3A_89 = arith.constant 0 : i32
      %cond3A_90 = arith.cmpi ne, %convert_element_type3A_88, %cond3A_89 : i32
      scf.if %cond3A_90 {
        %add3A_208 = arith.constant 1 : i32
        %add3A_209 = arith.addi %mul3A_75, %add3A_208 : i32
        %dma_wait3A_210 = arith.constant 0 : i32
        %dma_wait3A_211 = tpu.memref_slice %arg8[%add3A_209, %dma_wait3A_210] : memref<250x40xi32, #tpu.memory_space<vmem>> -> memref<1x40xi32, #tpu.memory_space<vmem>>
        %dma_wait3A_212 = tpu.memref_squeeze %dma_wait3A_211 : memref<1x40xi32, #tpu.memory_space<vmem>> -> memref<40xi32, #tpu.memory_space<vmem>>
        %dma_wait3A_213 = arith.constant 0 : i32
        %dma_wait3A_214 = arith.constant 0 : i32
        %dma_wait3A_215 = tpu.memref_slice %arg9[%dma_wait3A_213, %dma_wait3A_214] : memref<10000x64xf32, #tpu.memory_space<vmem_shared>> -> memref<10000x64xf32, #tpu.memory_space<vmem_shared>>
        tpu.wait_indirect_dma semaphore(%arg21 : memref<!tpu.dma_semaphore, #tpu.memory_space<semaphore_mem>>) src(%arg11 : memref<40x64xf32, #tpu.memory_space<vmem>>) dst(%dma_wait3A_215 : memref<10000x64xf32, #tpu.memory_space<vmem_shared>>)
      } else {
      }
      %add3A_91 = arith.constant 1 : i32
      %add3A_92 = arith.addi %mul3A_75, %add3A_91 : i32
      %dma_start3A_93 = arith.constant 0 : i32
      %dma_start3A_94 = tpu.memref_slice %arg7[%add3A_92, %dma_start3A_93] : memref<250x40xi32, #tpu.memory_space<vmem>> -> memref<1x40xi32, #tpu.memory_space<vmem>>
      %dma_start3A_95 = tpu.memref_squeeze %dma_start3A_94 : memref<1x40xi32, #tpu.memory_space<vmem>> -> memref<40xi32, #tpu.memory_space<vmem>>
      %dma_start3A_96 = arith.constant 0 : i32
      %dma_start3A_97 = arith.constant 0 : i32
      %dma_start3A_98 = tpu.memref_slice %arg2[%dma_start3A_96, %dma_start3A_97] : memref<10000x64xf32, #tpu.memory_space<hbm>> -> memref<10000x64xf32, #tpu.memory_space<hbm>>
      tpu.enqueue_indirect_dma source(%dma_start3A_98 : memref<10000x64xf32, #tpu.memory_space<hbm>>) target(%arg11 : memref<40x64xf32, #tpu.memory_space<vmem>>) offsets(%dma_start3A_95 : memref<40xi32, #tpu.memory_space<vmem>>) semaphore(%arg16 : memref<!tpu.dma_semaphore, #tpu.memory_space<semaphore_mem>>)
      %gt3A_99 = arith.constant 0 : i32
      %gt3A_100 = arith.cmpi sgt, %scan3A_73, %gt3A_99 : i32
      %convert_element_type3A_101 = arith.extui %gt3A_100 : i1 to i32
      %cond3A_102 = arith.constant 0 : i32
      %cond3A_103 = arith.cmpi ne, %convert_element_type3A_101, %cond3A_102 : i32
      scf.if %cond3A_103 {
        %add3A_208 = arith.constant 2 : i32
        %add3A_209 = arith.addi %mul3A_75, %add3A_208 : i32
        %dma_wait3A_210 = arith.constant 0 : i32
        %dma_wait3A_211 = tpu.memref_slice %arg8[%add3A_209, %dma_wait3A_210] : memref<250x40xi32, #tpu.memory_space<vmem>> -> memref<1x40xi32, #tpu.memory_space<vmem>>
        %dma_wait3A_212 = tpu.memref_squeeze %dma_wait3A_211 : memref<1x40xi32, #tpu.memory_space<vmem>> -> memref<40xi32, #tpu.memory_space<vmem>>
        %dma_wait3A_213 = arith.constant 0 : i32
        %dma_wait3A_214 = arith.constant 0 : i32
        %dma_wait3A_215 = tpu.memref_slice %arg9[%dma_wait3A_213, %dma_wait3A_214] : memref<10000x64xf32, #tpu.memory_space<vmem_shared>> -> memref<10000x64xf32, #tpu.memory_space<vmem_shared>>
        tpu.wait_indirect_dma semaphore(%arg22 : memref<!tpu.dma_semaphore, #tpu.memory_space<semaphore_mem>>) src(%arg12 : memref<40x64xf32, #tpu.memory_space<vmem>>) dst(%dma_wait3A_215 : memref<10000x64xf32, #tpu.memory_space<vmem_shared>>)
      } else {
      }
      %add3A_104 = arith.constant 2 : i32
      %add3A_105 = arith.addi %mul3A_75, %add3A_104 : i32
      %dma_start3A_106 = arith.constant 0 : i32
      %dma_start3A_107 = tpu.memref_slice %arg7[%add3A_105, %dma_start3A_106] : memref<250x40xi32, #tpu.memory_space<vmem>> -> memref<1x40xi32, #tpu.memory_space<vmem>>
      %dma_start3A_108 = tpu.memref_squeeze %dma_start3A_107 : memref<1x40xi32, #tpu.memory_space<vmem>> -> memref<40xi32, #tpu.memory_space<vmem>>
      %dma_start3A_109 = arith.constant 0 : i32
      %dma_start3A_110 = arith.constant 0 : i32
      %dma_start3A_111 = tpu.memref_slice %arg2[%dma_start3A_109, %dma_start3A_110] : memref<10000x64xf32, #tpu.memory_space<hbm>> -> memref<10000x64xf32, #tpu.memory_space<hbm>>
      tpu.enqueue_indirect_dma source(%dma_start3A_111 : memref<10000x64xf32, #tpu.memory_space<hbm>>) target(%arg12 : memref<40x64xf32, #tpu.memory_space<vmem>>) offsets(%dma_start3A_108 : memref<40xi32, #tpu.memory_space<vmem>>) semaphore(%arg17 : memref<!tpu.dma_semaphore, #tpu.memory_space<semaphore_mem>>)
      %gt3A_112 = arith.constant 0 : i32
      %gt3A_113 = arith.cmpi sgt, %scan3A_73, %gt3A_112 : i32
      %convert_element_type3A_114 = arith.extui %gt3A_113 : i1 to i32
      %cond3A_115 = arith.constant 0 : i32
      %cond3A_116 = arith.cmpi ne, %convert_element_type3A_114, %cond3A_115 : i32
      scf.if %cond3A_116 {
        %add3A_208 = arith.constant 3 : i32
        %add3A_209 = arith.addi %mul3A_75, %add3A_208 : i32
        %dma_wait3A_210 = arith.constant 0 : i32
        %dma_wait3A_211 = tpu.memref_slice %arg8[%add3A_209, %dma_wait3A_210] : memref<250x40xi32, #tpu.memory_space<vmem>> -> memref<1x40xi32, #tpu.memory_space<vmem>>
        %dma_wait3A_212 = tpu.memref_squeeze %dma_wait3A_211 : memref<1x40xi32, #tpu.memory_space<vmem>> -> memref<40xi32, #tpu.memory_space<vmem>>
        %dma_wait3A_213 = arith.constant 0 : i32
        %dma_wait3A_214 = arith.constant 0 : i32
        %dma_wait3A_215 = tpu.memref_slice %arg9[%dma_wait3A_213, %dma_wait3A_214] : memref<10000x64xf32, #tpu.memory_space<vmem_shared>> -> memref<10000x64xf32, #tpu.memory_space<vmem_shared>>
        tpu.wait_indirect_dma semaphore(%arg23 : memref<!tpu.dma_semaphore, #tpu.memory_space<semaphore_mem>>) src(%arg13 : memref<40x64xf32, #tpu.memory_space<vmem>>) dst(%dma_wait3A_215 : memref<10000x64xf32, #tpu.memory_space<vmem_shared>>)
      } else {
      }
      %add3A_117 = arith.constant 3 : i32
      %add3A_118 = arith.addi %mul3A_75, %add3A_117 : i32
      %dma_start3A_119 = arith.constant 0 : i32
      %dma_start3A_120 = tpu.memref_slice %arg7[%add3A_118, %dma_start3A_119] : memref<250x40xi32, #tpu.memory_space<vmem>> -> memref<1x40xi32, #tpu.memory_space<vmem>>
      %dma_start3A_121 = tpu.memref_squeeze %dma_start3A_120 : memref<1x40xi32, #tpu.memory_space<vmem>> -> memref<40xi32, #tpu.memory_space<vmem>>
      %dma_start3A_122 = arith.constant 0 : i32
      %dma_start3A_123 = arith.constant 0 : i32
      %dma_start3A_124 = tpu.memref_slice %arg2[%dma_start3A_122, %dma_start3A_123] : memref<10000x64xf32, #tpu.memory_space<hbm>> -> memref<10000x64xf32, #tpu.memory_space<hbm>>
      tpu.enqueue_indirect_dma source(%dma_start3A_124 : memref<10000x64xf32, #tpu.memory_space<hbm>>) target(%arg13 : memref<40x64xf32, #tpu.memory_space<vmem>>) offsets(%dma_start3A_121 : memref<40xi32, #tpu.memory_space<vmem>>) semaphore(%arg18 : memref<!tpu.dma_semaphore, #tpu.memory_space<semaphore_mem>>)
      %gt3A_125 = arith.constant 0 : i32
      %gt3A_126 = arith.cmpi sgt, %scan3A_73, %gt3A_125 : i32
      %convert_element_type3A_127 = arith.extui %gt3A_126 : i1 to i32
      %cond3A_128 = arith.constant 0 : i32
      %cond3A_129 = arith.cmpi ne, %convert_element_type3A_127, %cond3A_128 : i32
      scf.if %cond3A_129 {
        %add3A_208 = arith.constant 4 : i32
        %add3A_209 = arith.addi %mul3A_75, %add3A_208 : i32
        %dma_wait3A_210 = arith.constant 0 : i32
        %dma_wait3A_211 = tpu.memref_slice %arg8[%add3A_209, %dma_wait3A_210] : memref<250x40xi32, #tpu.memory_space<vmem>> -> memref<1x40xi32, #tpu.memory_space<vmem>>
        %dma_wait3A_212 = tpu.memref_squeeze %dma_wait3A_211 : memref<1x40xi32, #tpu.memory_space<vmem>> -> memref<40xi32, #tpu.memory_space<vmem>>
        %dma_wait3A_213 = arith.constant 0 : i32
        %dma_wait3A_214 = arith.constant 0 : i32
        %dma_wait3A_215 = tpu.memref_slice %arg9[%dma_wait3A_213, %dma_wait3A_214] : memref<10000x64xf32, #tpu.memory_space<vmem_shared>> -> memref<10000x64xf32, #tpu.memory_space<vmem_shared>>
        tpu.wait_indirect_dma semaphore(%arg24 : memref<!tpu.dma_semaphore, #tpu.memory_space<semaphore_mem>>) src(%arg14 : memref<40x64xf32, #tpu.memory_space<vmem>>) dst(%dma_wait3A_215 : memref<10000x64xf32, #tpu.memory_space<vmem_shared>>)
      } else {
      }
      %add3A_130 = arith.constant 4 : i32
      %add3A_131 = arith.addi %mul3A_75, %add3A_130 : i32
      %dma_start3A_132 = arith.constant 0 : i32
      %dma_start3A_133 = tpu.memref_slice %arg7[%add3A_131, %dma_start3A_132] : memref<250x40xi32, #tpu.memory_space<vmem>> -> memref<1x40xi32, #tpu.memory_space<vmem>>
      %dma_start3A_134 = tpu.memref_squeeze %dma_start3A_133 : memref<1x40xi32, #tpu.memory_space<vmem>> -> memref<40xi32, #tpu.memory_space<vmem>>
      %dma_start3A_135 = arith.constant 0 : i32
      %dma_start3A_136 = arith.constant 0 : i32
      %dma_start3A_137 = tpu.memref_slice %arg2[%dma_start3A_135, %dma_start3A_136] : memref<10000x64xf32, #tpu.memory_space<hbm>> -> memref<10000x64xf32, #tpu.memory_space<hbm>>
      tpu.enqueue_indirect_dma source(%dma_start3A_137 : memref<10000x64xf32, #tpu.memory_space<hbm>>) target(%arg14 : memref<40x64xf32, #tpu.memory_space<vmem>>) offsets(%dma_start3A_134 : memref<40xi32, #tpu.memory_space<vmem>>) semaphore(%arg19 : memref<!tpu.dma_semaphore, #tpu.memory_space<semaphore_mem>>)
      %dma_wait3A_138 = arith.constant 0 : i32
      %dma_wait3A_139 = tpu.memref_slice %arg7[%add3A_79, %dma_wait3A_138] : memref<250x40xi32, #tpu.memory_space<vmem>> -> memref<1x40xi32, #tpu.memory_space<vmem>>
      %dma_wait3A_140 = tpu.memref_squeeze %dma_wait3A_139 : memref<1x40xi32, #tpu.memory_space<vmem>> -> memref<40xi32, #tpu.memory_space<vmem>>
      %dma_wait3A_141 = arith.constant 0 : i32
      %dma_wait3A_142 = arith.constant 0 : i32
      %dma_wait3A_143 = tpu.memref_slice %arg2[%dma_wait3A_141, %dma_wait3A_142] : memref<10000x64xf32, #tpu.memory_space<hbm>> -> memref<10000x64xf32, #tpu.memory_space<hbm>>
      tpu.wait_indirect_dma semaphore(%arg15 : memref<!tpu.dma_semaphore, #tpu.memory_space<semaphore_mem>>) src(%dma_wait3A_143 : memref<10000x64xf32, #tpu.memory_space<hbm>>) dst(%arg10 : memref<40x64xf32, #tpu.memory_space<vmem>>)
      %add3A_144 = arith.constant 0 : i32
      %add3A_145 = arith.addi %mul3A_75, %add3A_144 : i32
      %dma_start3A_146 = arith.constant 0 : i32
      %dma_start3A_147 = tpu.memref_slice %arg8[%add3A_145, %dma_start3A_146] : memref<250x40xi32, #tpu.memory_space<vmem>> -> memref<1x40xi32, #tpu.memory_space<vmem>>
      %dma_start3A_148 = tpu.memref_squeeze %dma_start3A_147 : memref<1x40xi32, #tpu.memory_space<vmem>> -> memref<40xi32, #tpu.memory_space<vmem>>
      %dma_start3A_149 = arith.constant 0 : i32
      %dma_start3A_150 = arith.constant 0 : i32
      %dma_start3A_151 = tpu.memref_slice %arg9[%dma_start3A_149, %dma_start3A_150] : memref<10000x64xf32, #tpu.memory_space<vmem_shared>> -> memref<10000x64xf32, #tpu.memory_space<vmem_shared>>
      tpu.enqueue_indirect_dma source(%arg10 : memref<40x64xf32, #tpu.memory_space<vmem>>) target(%dma_start3A_151 : memref<10000x64xf32, #tpu.memory_space<vmem_shared>>) offsets(%dma_start3A_148 : memref<40xi32, #tpu.memory_space<vmem>>) semaphore(%arg20 : memref<!tpu.dma_semaphore, #tpu.memory_space<semaphore_mem>>) {add = true}
      %dma_wait3A_152 = arith.constant 0 : i32
      %dma_wait3A_153 = tpu.memref_slice %arg7[%add3A_92, %dma_wait3A_152] : memref<250x40xi32, #tpu.memory_space<vmem>> -> memref<1x40xi32, #tpu.memory_space<vmem>>
      %dma_wait3A_154 = tpu.memref_squeeze %dma_wait3A_153 : memref<1x40xi32, #tpu.memory_space<vmem>> -> memref<40xi32, #tpu.memory_space<vmem>>
      %dma_wait3A_155 = arith.constant 0 : i32
      %dma_wait3A_156 = arith.constant 0 : i32
      %dma_wait3A_157 = tpu.memref_slice %arg2[%dma_wait3A_155, %dma_wait3A_156] : memref<10000x64xf32, #tpu.memory_space<hbm>> -> memref<10000x64xf32, #tpu.memory_space<hbm>>
      tpu.wait_indirect_dma semaphore(%arg16 : memref<!tpu.dma_semaphore, #tpu.memory_space<semaphore_mem>>) src(%dma_wait3A_157 : memref<10000x64xf32, #tpu.memory_space<hbm>>) dst(%arg11 : memref<40x64xf32, #tpu.memory_space<vmem>>)
      %add3A_158 = arith.constant 1 : i32
      %add3A_159 = arith.addi %mul3A_75, %add3A_158 : i32
      %dma_start3A_160 = arith.constant 0 : i32
      %dma_start3A_161 = tpu.memref_slice %arg8[%add3A_159, %dma_start3A_160] : memref<250x40xi32, #tpu.memory_space<vmem>> -> memref<1x40xi32, #tpu.memory_space<vmem>>
      %dma_start3A_162 = tpu.memref_squeeze %dma_start3A_161 : memref<1x40xi32, #tpu.memory_space<vmem>> -> memref<40xi32, #tpu.memory_space<vmem>>
      %dma_start3A_163 = arith.constant 0 : i32
      %dma_start3A_164 = arith.constant 0 : i32
      %dma_start3A_165 = tpu.memref_slice %arg9[%dma_start3A_163, %dma_start3A_164] : memref<10000x64xf32, #tpu.memory_space<vmem_shared>> -> memref<10000x64xf32, #tpu.memory_space<vmem_shared>>
      tpu.enqueue_indirect_dma source(%arg11 : memref<40x64xf32, #tpu.memory_space<vmem>>) target(%dma_start3A_165 : memref<10000x64xf32, #tpu.memory_space<vmem_shared>>) offsets(%dma_start3A_162 : memref<40xi32, #tpu.memory_space<vmem>>) semaphore(%arg21 : memref<!tpu.dma_semaphore, #tpu.memory_space<semaphore_mem>>) {add = true}
      %dma_wait3A_166 = arith.constant 0 : i32
      %dma_wait3A_167 = tpu.memref_slice %arg7[%add3A_105, %dma_wait3A_166] : memref<250x40xi32, #tpu.memory_space<vmem>> -> memref<1x40xi32, #tpu.memory_space<vmem>>
      %dma_wait3A_168 = tpu.memref_squeeze %dma_wait3A_167 : memref<1x40xi32, #tpu.memory_space<vmem>> -> memref<40xi32, #tpu.memory_space<vmem>>
      %dma_wait3A_169 = arith.constant 0 : i32
      %dma_wait3A_170 = arith.constant 0 : i32
      %dma_wait3A_171 = tpu.memref_slice %arg2[%dma_wait3A_169, %dma_wait3A_170] : memref<10000x64xf32, #tpu.memory_space<hbm>> -> memref<10000x64xf32, #tpu.memory_space<hbm>>
      tpu.wait_indirect_dma semaphore(%arg17 : memref<!tpu.dma_semaphore, #tpu.memory_space<semaphore_mem>>) src(%dma_wait3A_171 : memref<10000x64xf32, #tpu.memory_space<hbm>>) dst(%arg12 : memref<40x64xf32, #tpu.memory_space<vmem>>)
      %add3A_172 = arith.constant 2 : i32
      %add3A_173 = arith.addi %mul3A_75, %add3A_172 : i32
      %dma_start3A_174 = arith.constant 0 : i32
      %dma_start3A_175 = tpu.memref_slice %arg8[%add3A_173, %dma_start3A_174] : memref<250x40xi32, #tpu.memory_space<vmem>> -> memref<1x40xi32, #tpu.memory_space<vmem>>
      %dma_start3A_176 = tpu.memref_squeeze %dma_start3A_175 : memref<1x40xi32, #tpu.memory_space<vmem>> -> memref<40xi32, #tpu.memory_space<vmem>>
      %dma_start3A_177 = arith.constant 0 : i32
      %dma_start3A_178 = arith.constant 0 : i32
      %dma_start3A_179 = tpu.memref_slice %arg9[%dma_start3A_177, %dma_start3A_178] : memref<10000x64xf32, #tpu.memory_space<vmem_shared>> -> memref<10000x64xf32, #tpu.memory_space<vmem_shared>>
      tpu.enqueue_indirect_dma source(%arg12 : memref<40x64xf32, #tpu.memory_space<vmem>>) target(%dma_start3A_179 : memref<10000x64xf32, #tpu.memory_space<vmem_shared>>) offsets(%dma_start3A_176 : memref<40xi32, #tpu.memory_space<vmem>>) semaphore(%arg22 : memref<!tpu.dma_semaphore, #tpu.memory_space<semaphore_mem>>) {add = true}
      %dma_wait3A_180 = arith.constant 0 : i32
      %dma_wait3A_181 = tpu.memref_slice %arg7[%add3A_118, %dma_wait3A_180] : memref<250x40xi32, #tpu.memory_space<vmem>> -> memref<1x40xi32, #tpu.memory_space<vmem>>
      %dma_wait3A_182 = tpu.memref_squeeze %dma_wait3A_181 : memref<1x40xi32, #tpu.memory_space<vmem>> -> memref<40xi32, #tpu.memory_space<vmem>>
      %dma_wait3A_183 = arith.constant 0 : i32
      %dma_wait3A_184 = arith.constant 0 : i32
      %dma_wait3A_185 = tpu.memref_slice %arg2[%dma_wait3A_183, %dma_wait3A_184] : memref<10000x64xf32, #tpu.memory_space<hbm>> -> memref<10000x64xf32, #tpu.memory_space<hbm>>
      tpu.wait_indirect_dma semaphore(%arg18 : memref<!tpu.dma_semaphore, #tpu.memory_space<semaphore_mem>>) src(%dma_wait3A_185 : memref<10000x64xf32, #tpu.memory_space<hbm>>) dst(%arg13 : memref<40x64xf32, #tpu.memory_space<vmem>>)
      %add3A_186 = arith.constant 3 : i32
      %add3A_187 = arith.addi %mul3A_75, %add3A_186 : i32
      %dma_start3A_188 = arith.constant 0 : i32
      %dma_start3A_189 = tpu.memref_slice %arg8[%add3A_187, %dma_start3A_188] : memref<250x40xi32, #tpu.memory_space<vmem>> -> memref<1x40xi32, #tpu.memory_space<vmem>>
      %dma_start3A_190 = tpu.memref_squeeze %dma_start3A_189 : memref<1x40xi32, #tpu.memory_space<vmem>> -> memref<40xi32, #tpu.memory_space<vmem>>
      %dma_start3A_191 = arith.constant 0 : i32
      %dma_start3A_192 = arith.constant 0 : i32
      %dma_start3A_193 = tpu.memref_slice %arg9[%dma_start3A_191, %dma_start3A_192] : memref<10000x64xf32, #tpu.memory_space<vmem_shared>> -> memref<10000x64xf32, #tpu.memory_space<vmem_shared>>
      tpu.enqueue_indirect_dma source(%arg13 : memref<40x64xf32, #tpu.memory_space<vmem>>) target(%dma_start3A_193 : memref<10000x64xf32, #tpu.memory_space<vmem_shared>>) offsets(%dma_start3A_190 : memref<40xi32, #tpu.memory_space<vmem>>) semaphore(%arg23 : memref<!tpu.dma_semaphore, #tpu.memory_space<semaphore_mem>>) {add = true}
      %dma_wait3A_194 = arith.constant 0 : i32
      %dma_wait3A_195 = tpu.memref_slice %arg7[%add3A_131, %dma_wait3A_194] : memref<250x40xi32, #tpu.memory_space<vmem>> -> memref<1x40xi32, #tpu.memory_space<vmem>>
      %dma_wait3A_196 = tpu.memref_squeeze %dma_wait3A_195 : memref<1x40xi32, #tpu.memory_space<vmem>> -> memref<40xi32, #tpu.memory_space<vmem>>
      %dma_wait3A_197 = arith.constant 0 : i32
      %dma_wait3A_198 = arith.constant 0 : i32
      %dma_wait3A_199 = tpu.memref_slice %arg2[%dma_wait3A_197, %dma_wait3A_198] : memref<10000x64xf32, #tpu.memory_space<hbm>> -> memref<10000x64xf32, #tpu.memory_space<hbm>>
      tpu.wait_indirect_dma semaphore(%arg19 : memref<!tpu.dma_semaphore, #tpu.memory_space<semaphore_mem>>) src(%dma_wait3A_199 : memref<10000x64xf32, #tpu.memory_space<hbm>>) dst(%arg14 : memref<40x64xf32, #tpu.memory_space<vmem>>)
      %add3A_200 = arith.constant 4 : i32
      %add3A_201 = arith.addi %mul3A_75, %add3A_200 : i32
      %dma_start3A_202 = arith.constant 0 : i32
      %dma_start3A_203 = tpu.memref_slice %arg8[%add3A_201, %dma_start3A_202] : memref<250x40xi32, #tpu.memory_space<vmem>> -> memref<1x40xi32, #tpu.memory_space<vmem>>
      %dma_start3A_204 = tpu.memref_squeeze %dma_start3A_203 : memref<1x40xi32, #tpu.memory_space<vmem>> -> memref<40xi32, #tpu.memory_space<vmem>>
      %dma_start3A_205 = arith.constant 0 : i32
      %dma_start3A_206 = arith.constant 0 : i32
      %dma_start3A_207 = tpu.memref_slice %arg9[%dma_start3A_205, %dma_start3A_206] : memref<10000x64xf32, #tpu.memory_space<vmem_shared>> -> memref<10000x64xf32, #tpu.memory_space<vmem_shared>>
      tpu.enqueue_indirect_dma source(%arg14 : memref<40x64xf32, #tpu.memory_space<vmem>>) target(%dma_start3A_207 : memref<10000x64xf32, #tpu.memory_space<vmem_shared>>) offsets(%dma_start3A_204 : memref<40xi32, #tpu.memory_space<vmem>>) semaphore(%arg24 : memref<!tpu.dma_semaphore, #tpu.memory_space<semaphore_mem>>) {add = true}
    }
    %scan3A_33 = arith.constant 50 : i32
    %dma_wait3A_34 = arith.constant 0 : i32
    %dma_wait3A_35 = arith.constant 0 : i32
    %dma_wait3A_36 = tpu.memref_slice %arg8[%dma_wait3A_34, %dma_wait3A_35] : memref<250x40xi32, #tpu.memory_space<vmem>> -> memref<1x40xi32, #tpu.memory_space<vmem>>
    %dma_wait3A_37 = tpu.memref_squeeze %dma_wait3A_36 : memref<1x40xi32, #tpu.memory_space<vmem>> -> memref<40xi32, #tpu.memory_space<vmem>>
    %dma_wait3A_38 = arith.constant 0 : i32
    %dma_wait3A_39 = arith.constant 0 : i32
    %dma_wait3A_40 = tpu.memref_slice %arg9[%dma_wait3A_38, %dma_wait3A_39] : memref<10000x64xf32, #tpu.memory_space<vmem_shared>> -> memref<10000x64xf32, #tpu.memory_space<vmem_shared>>
    tpu.wait_indirect_dma semaphore(%arg20 : memref<!tpu.dma_semaphore, #tpu.memory_space<semaphore_mem>>) src(%arg10 : memref<40x64xf32, #tpu.memory_space<vmem>>) dst(%dma_wait3A_40 : memref<10000x64xf32, #tpu.memory_space<vmem_shared>>)
    %dma_wait3A_41 = arith.constant 1 : i32
    %dma_wait3A_42 = arith.constant 0 : i32
    %dma_wait3A_43 = tpu.memref_slice %arg8[%dma_wait3A_41, %dma_wait3A_42] : memref<250x40xi32, #tpu.memory_space<vmem>> -> memref<1x40xi32, #tpu.memory_space<vmem>>
    %dma_wait3A_44 = tpu.memref_squeeze %dma_wait3A_43 : memref<1x40xi32, #tpu.memory_space<vmem>> -> memref<40xi32, #tpu.memory_space<vmem>>
    %dma_wait3A_45 = arith.constant 0 : i32
    %dma_wait3A_46 = arith.constant 0 : i32
    %dma_wait3A_47 = tpu.memref_slice %arg9[%dma_wait3A_45, %dma_wait3A_46] : memref<10000x64xf32, #tpu.memory_space<vmem_shared>> -> memref<10000x64xf32, #tpu.memory_space<vmem_shared>>
    tpu.wait_indirect_dma semaphore(%arg21 : memref<!tpu.dma_semaphore, #tpu.memory_space<semaphore_mem>>) src(%arg11 : memref<40x64xf32, #tpu.memory_space<vmem>>) dst(%dma_wait3A_47 : memref<10000x64xf32, #tpu.memory_space<vmem_shared>>)
    %dma_wait3A_48 = arith.constant 2 : i32
    %dma_wait3A_49 = arith.constant 0 : i32
    %dma_wait3A_50 = tpu.memref_slice %arg8[%dma_wait3A_48, %dma_wait3A_49] : memref<250x40xi32, #tpu.memory_space<vmem>> -> memref<1x40xi32, #tpu.memory_space<vmem>>
    %dma_wait3A_51 = tpu.memref_squeeze %dma_wait3A_50 : memref<1x40xi32, #tpu.memory_space<vmem>> -> memref<40xi32, #tpu.memory_space<vmem>>
    %dma_wait3A_52 = arith.constant 0 : i32
    %dma_wait3A_53 = arith.constant 0 : i32
    %dma_wait3A_54 = tpu.memref_slice %arg9[%dma_wait3A_52, %dma_wait3A_53] : memref<10000x64xf32, #tpu.memory_space<vmem_shared>> -> memref<10000x64xf32, #tpu.memory_space<vmem_shared>>
    tpu.wait_indirect_dma semaphore(%arg22 : memref<!tpu.dma_semaphore, #tpu.memory_space<semaphore_mem>>) src(%arg12 : memref<40x64xf32, #tpu.memory_space<vmem>>) dst(%dma_wait3A_54 : memref<10000x64xf32, #tpu.memory_space<vmem_shared>>)
    %dma_wait3A_55 = arith.constant 3 : i32
    %dma_wait3A_56 = arith.constant 0 : i32
    %dma_wait3A_57 = tpu.memref_slice %arg8[%dma_wait3A_55, %dma_wait3A_56] : memref<250x40xi32, #tpu.memory_space<vmem>> -> memref<1x40xi32, #tpu.memory_space<vmem>>
    %dma_wait3A_58 = tpu.memref_squeeze %dma_wait3A_57 : memref<1x40xi32, #tpu.memory_space<vmem>> -> memref<40xi32, #tpu.memory_space<vmem>>
    %dma_wait3A_59 = arith.constant 0 : i32
    %dma_wait3A_60 = arith.constant 0 : i32
    %dma_wait3A_61 = tpu.memref_slice %arg9[%dma_wait3A_59, %dma_wait3A_60] : memref<10000x64xf32, #tpu.memory_space<vmem_shared>> -> memref<10000x64xf32, #tpu.memory_space<vmem_shared>>
    tpu.wait_indirect_dma semaphore(%arg23 : memref<!tpu.dma_semaphore, #tpu.memory_space<semaphore_mem>>) src(%arg13 : memref<40x64xf32, #tpu.memory_space<vmem>>) dst(%dma_wait3A_61 : memref<10000x64xf32, #tpu.memory_space<vmem_shared>>)
    %dma_wait3A_62 = arith.constant 4 : i32
    %dma_wait3A_63 = arith.constant 0 : i32
    %dma_wait3A_64 = tpu.memref_slice %arg8[%dma_wait3A_62, %dma_wait3A_63] : memref<250x40xi32, #tpu.memory_space<vmem>> -> memref<1x40xi32, #tpu.memory_space<vmem>>
    %dma_wait3A_65 = tpu.memref_squeeze %dma_wait3A_64 : memref<1x40xi32, #tpu.memory_space<vmem>> -> memref<40xi32, #tpu.memory_space<vmem>>
    %dma_wait3A_66 = arith.constant 0 : i32
    %dma_wait3A_67 = arith.constant 0 : i32
    %dma_wait3A_68 = tpu.memref_slice %arg9[%dma_wait3A_66, %dma_wait3A_67] : memref<10000x64xf32, #tpu.memory_space<vmem_shared>> -> memref<10000x64xf32, #tpu.memory_space<vmem_shared>>
    tpu.wait_indirect_dma semaphore(%arg24 : memref<!tpu.dma_semaphore, #tpu.memory_space<semaphore_mem>>) src(%arg14 : memref<40x64xf32, #tpu.memory_space<vmem>>) dst(%dma_wait3A_68 : memref<10000x64xf32, #tpu.memory_space<vmem_shared>>)
    %barrier3A_69 = arith.constant 0 : index
    tpu.barrier barrier_id(%barrier3A_69)
    %mul3A_70 = arith.constant 10000 : i32
    %mul3A_71 = arith.muli %arg0, %mul3A_70 : i32
    %add3A_72 = arith.addi %mul3A_71, %mul3A_2 : i32
    "tpu.region"() ({
      %run_scoped3A = tpu.sem_alloc : memref<!tpu.dma_semaphore, #tpu.memory_space<semaphore_mem>>
      %dma_start3A_73 = arith.constant 0 : i32
      %dma_start3A_74 = tpu.memref_slice %arg6[%add3A_72, %dma_start3A_73] : memref<20000x64xf32, #tpu.memory_space<hbm>> -> memref<625x64xf32, #tpu.memory_space<hbm>>
      %dma_start3A_75 = arith.constant 0 : i32
      %dma_start3A_76 = tpu.memref_slice %arg9[%mul3A_2, %dma_start3A_75] : memref<10000x64xf32, #tpu.memory_space<vmem_shared>> -> memref<625x64xf32, #tpu.memory_space<vmem_shared>>
      tpu.enqueue_dma source(%dma_start3A_76 : memref<625x64xf32, #tpu.memory_space<vmem_shared>>) target(%dma_start3A_74 : memref<625x64xf32, #tpu.memory_space<hbm>>) target_semaphore(%run_scoped3A : memref<!tpu.dma_semaphore, #tpu.memory_space<semaphore_mem>>)
      %dma_wait3A_77 = arith.constant 0 : i32
      %dma_wait3A_78 = tpu.memref_slice %arg6[%add3A_72, %dma_wait3A_77] : memref<20000x64xf32, #tpu.memory_space<hbm>> -> memref<625x64xf32, #tpu.memory_space<hbm>>
      %dma_wait3A_79 = arith.constant 0 : i32
      %dma_wait3A_80 = tpu.memref_slice %arg9[%mul3A_2, %dma_wait3A_79] : memref<10000x64xf32, #tpu.memory_space<vmem_shared>> -> memref<625x64xf32, #tpu.memory_space<vmem_shared>>
      tpu.wait_dma2 semaphore(%run_scoped3A : memref<!tpu.dma_semaphore, #tpu.memory_space<semaphore_mem>>) src(%dma_wait3A_80 : memref<625x64xf32, #tpu.memory_space<vmem_shared>>) dst(%dma_wait3A_78 : memref<625x64xf32, #tpu.memory_space<hbm>>)
      tpu.yield
    }) : () -> ()
    return
  }
}

#map = affine_map<(d0, d1) -> (0, 0)>
module attributes {stable_mosaic.version = 14 : i64} {
  func.func @sc_agg(%arg0: i32, %arg1: i32, %arg2: memref<10000x128xf32, #tpu.memory_space<hbm>>, %arg3: memref<8000x40xi32, #tpu.memory_space<hbm>>, %arg4: memref<8000x40xi32, #tpu.memory_space<hbm>>, %arg5: memref<10000x128xf32, #tpu.memory_space<hbm>>, %arg6: memref<20000x128xf32, #tpu.memory_space<hbm>>, %arg7: memref<250x40xi32, #tpu.memory_space<vmem>>, %arg8: memref<250x40xi32, #tpu.memory_space<vmem>>, %arg9: memref<10000x128xf32, #tpu.memory_space<vmem_shared>>, %arg10: memref<40x128xf32, #tpu.memory_space<vmem>>, %arg11: memref<40x128xf32, #tpu.memory_space<vmem>>, %arg12: memref<40x128xf32, #tpu.memory_space<vmem>>, %arg13: memref<40x128xf32, #tpu.memory_space<vmem>>, %arg14: memref<40x128xf32, #tpu.memory_space<vmem>>, %arg15: memref<!tpu.dma_semaphore, #tpu.memory_space<semaphore_mem>>, %arg16: memref<!tpu.dma_semaphore, #tpu.memory_space<semaphore_mem>>, %arg17: memref<!tpu.dma_semaphore, #tpu.memory_space<semaphore_mem>>, %arg18: memref<!tpu.dma_semaphore, #tpu.memory_space<semaphore_mem>>, %arg19: memref<!tpu.dma_semaphore, #tpu.memory_space<semaphore_mem>>, %arg20: memref<!tpu.dma_semaphore, #tpu.memory_space<semaphore_mem>>, %arg21: memref<!tpu.dma_semaphore, #tpu.memory_space<semaphore_mem>>, %arg22: memref<!tpu.dma_semaphore, #tpu.memory_space<semaphore_mem>>, %arg23: memref<!tpu.dma_semaphore, #tpu.memory_space<semaphore_mem>>, %arg24: memref<!tpu.dma_semaphore, #tpu.memory_space<semaphore_mem>>) attributes {dimension_semantics = [#tpu.dimension_semantics<core_parallel>, #tpu.dimension_semantics<subcore_parallel>], iteration_bounds = array<i64: 2, 16>, scalar_prefetch = 0 : i64, scratch_operands = 18 : i64, tpu.core_type = #tpu.core_type<sc_vector_subcore>, window_params = [{transform_indices = #map}, {transform_indices = #map}, {transform_indices = #map}, {transform_indices = #map}, {transform_indices = #map}]} {
    %mul3A = arith.constant 16 : i32
    %mul3A_0 = arith.muli %arg0, %mul3A : i32
    %add3A = arith.addi %mul3A_0, %arg1 : i32
    %mul3A_1 = arith.constant 625 : i32
    %mul3A_2 = arith.muli %arg1, %mul3A_1 : i32
    %dma_start3A = arith.constant 0 : i32
    %dma_start3A_3 = tpu.memref_slice %arg9[%mul3A_2, %dma_start3A] : memref<10000x128xf32, #tpu.memory_space<vmem_shared>> -> memref<625x128xf32, #tpu.memory_space<vmem_shared>>
    %dma_start3A_4 = arith.constant 0 : i32
    %dma_start3A_5 = tpu.memref_slice %arg5[%mul3A_2, %dma_start3A_4] : memref<10000x128xf32, #tpu.memory_space<hbm>> -> memref<625x128xf32, #tpu.memory_space<hbm>>
    tpu.enqueue_dma source(%dma_start3A_5 : memref<625x128xf32, #tpu.memory_space<hbm>>) target(%dma_start3A_3 : memref<625x128xf32, #tpu.memory_space<vmem_shared>>) target_semaphore(%arg15 : memref<!tpu.dma_semaphore, #tpu.memory_space<semaphore_mem>>)
    %mul3A_6 = arith.constant 250 : i32
    %mul3A_7 = arith.muli %add3A, %mul3A_6 : i32
    %dma_start3A_8 = arith.constant 0 : i32
    %dma_start3A_9 = tpu.memref_slice %arg3[%mul3A_7, %dma_start3A_8] : memref<8000x40xi32, #tpu.memory_space<hbm>> -> memref<250x40xi32, #tpu.memory_space<hbm>>
    %dma_start3A_10 = arith.constant 0 : i32
    %dma_start3A_11 = tpu.memref_slice %arg3[%mul3A_7, %dma_start3A_10] : memref<8000x40xi32, #tpu.memory_space<hbm>> -> memref<250x40xi32, #tpu.memory_space<hbm>>
    tpu.enqueue_dma source(%dma_start3A_11 : memref<250x40xi32, #tpu.memory_space<hbm>>) target(%arg7 : memref<250x40xi32, #tpu.memory_space<vmem>>) target_semaphore(%arg16 : memref<!tpu.dma_semaphore, #tpu.memory_space<semaphore_mem>>)
    %mul3A_12 = arith.constant 250 : i32
    %mul3A_13 = arith.muli %add3A, %mul3A_12 : i32
    %dma_start3A_14 = arith.constant 0 : i32
    %dma_start3A_15 = tpu.memref_slice %arg4[%mul3A_13, %dma_start3A_14] : memref<8000x40xi32, #tpu.memory_space<hbm>> -> memref<250x40xi32, #tpu.memory_space<hbm>>
    %dma_start3A_16 = arith.constant 0 : i32
    %dma_start3A_17 = tpu.memref_slice %arg4[%mul3A_13, %dma_start3A_16] : memref<8000x40xi32, #tpu.memory_space<hbm>> -> memref<250x40xi32, #tpu.memory_space<hbm>>
    tpu.enqueue_dma source(%dma_start3A_17 : memref<250x40xi32, #tpu.memory_space<hbm>>) target(%arg8 : memref<250x40xi32, #tpu.memory_space<vmem>>) target_semaphore(%arg17 : memref<!tpu.dma_semaphore, #tpu.memory_space<semaphore_mem>>)
    %dma_wait3A = arith.constant 0 : i32
    %dma_wait3A_18 = tpu.memref_slice %arg9[%mul3A_2, %dma_wait3A] : memref<10000x128xf32, #tpu.memory_space<vmem_shared>> -> memref<625x128xf32, #tpu.memory_space<vmem_shared>>
    %dma_wait3A_19 = arith.constant 0 : i32
    %dma_wait3A_20 = tpu.memref_slice %arg5[%mul3A_2, %dma_wait3A_19] : memref<10000x128xf32, #tpu.memory_space<hbm>> -> memref<625x128xf32, #tpu.memory_space<hbm>>
    tpu.wait_dma2 semaphore(%arg15 : memref<!tpu.dma_semaphore, #tpu.memory_space<semaphore_mem>>) src(%dma_wait3A_20 : memref<625x128xf32, #tpu.memory_space<hbm>>) dst(%dma_wait3A_18 : memref<625x128xf32, #tpu.memory_space<vmem_shared>>)
    %dma_wait3A_21 = arith.constant 0 : i32
    %dma_wait3A_22 = tpu.memref_slice %arg3[%mul3A_7, %dma_wait3A_21] : memref<8000x40xi32, #tpu.memory_space<hbm>> -> memref<250x40xi32, #tpu.memory_space<hbm>>
    %dma_wait3A_23 = arith.constant 0 : i32
    %dma_wait3A_24 = tpu.memref_slice %arg3[%mul3A_7, %dma_wait3A_23] : memref<8000x40xi32, #tpu.memory_space<hbm>> -> memref<250x40xi32, #tpu.memory_space<hbm>>
    tpu.wait_dma2 semaphore(%arg16 : memref<!tpu.dma_semaphore, #tpu.memory_space<semaphore_mem>>) src(%dma_wait3A_24 : memref<250x40xi32, #tpu.memory_space<hbm>>) dst(%arg7 : memref<250x40xi32, #tpu.memory_space<vmem>>)
    %dma_wait3A_25 = arith.constant 0 : i32
    %dma_wait3A_26 = tpu.memref_slice %arg4[%mul3A_13, %dma_wait3A_25] : memref<8000x40xi32, #tpu.memory_space<hbm>> -> memref<250x40xi32, #tpu.memory_space<hbm>>
    %dma_wait3A_27 = arith.constant 0 : i32
    %dma_wait3A_28 = tpu.memref_slice %arg4[%mul3A_13, %dma_wait3A_27] : memref<8000x40xi32, #tpu.memory_space<hbm>> -> memref<250x40xi32, #tpu.memory_space<hbm>>
    tpu.wait_dma2 semaphore(%arg17 : memref<!tpu.dma_semaphore, #tpu.memory_space<semaphore_mem>>) src(%dma_wait3A_28 : memref<250x40xi32, #tpu.memory_space<hbm>>) dst(%arg8 : memref<250x40xi32, #tpu.memory_space<vmem>>)
    %barrier3A = arith.constant 0 : index
    tpu.barrier barrier_id(%barrier3A)
    %scan3A = arith.constant 0 : i32
    %scan3A_29 = arith.constant 0 : i32
    %scan3A_30 = arith.constant 50 : i32
    %scan3A_31 = arith.addi %scan3A_29, %scan3A_30 : i32
    %scan3A_32 = arith.constant 1 : i32
    scf.for %scan3A_73 = %scan3A_29 to %scan3A_31 step %scan3A_32  : i32 {
      %mul3A_74 = arith.constant 5 : i32
      %mul3A_75 = arith.muli %scan3A_73, %mul3A_74 : i32
      %gt3A = arith.constant 0 : i32
      %gt3A_76 = arith.cmpi sgt, %scan3A_73, %gt3A : i32
      %convert_element_type3A = arith.extui %gt3A_76 : i1 to i32
      %cond3A = arith.constant 0 : i32
      %cond3A_77 = arith.cmpi ne, %convert_element_type3A, %cond3A : i32
      scf.if %cond3A_77 {
        %add3A_208 = arith.constant 0 : i32
        %add3A_209 = arith.addi %mul3A_75, %add3A_208 : i32
        %dma_wait3A_210 = arith.constant 0 : i32
        %dma_wait3A_211 = tpu.memref_slice %arg8[%add3A_209, %dma_wait3A_210] : memref<250x40xi32, #tpu.memory_space<vmem>> -> memref<1x40xi32, #tpu.memory_space<vmem>>
        %dma_wait3A_212 = tpu.memref_squeeze %dma_wait3A_211 : memref<1x40xi32, #tpu.memory_space<vmem>> -> memref<40xi32, #tpu.memory_space<vmem>>
        %dma_wait3A_213 = arith.constant 0 : i32
        %dma_wait3A_214 = arith.constant 0 : i32
        %dma_wait3A_215 = tpu.memref_slice %arg9[%dma_wait3A_213, %dma_wait3A_214] : memref<10000x128xf32, #tpu.memory_space<vmem_shared>> -> memref<10000x128xf32, #tpu.memory_space<vmem_shared>>
        tpu.wait_indirect_dma semaphore(%arg20 : memref<!tpu.dma_semaphore, #tpu.memory_space<semaphore_mem>>) src(%arg10 : memref<40x128xf32, #tpu.memory_space<vmem>>) dst(%dma_wait3A_215 : memref<10000x128xf32, #tpu.memory_space<vmem_shared>>)
      } else {
      }
      %add3A_78 = arith.constant 0 : i32
      %add3A_79 = arith.addi %mul3A_75, %add3A_78 : i32
      %dma_start3A_80 = arith.constant 0 : i32
      %dma_start3A_81 = tpu.memref_slice %arg7[%add3A_79, %dma_start3A_80] : memref<250x40xi32, #tpu.memory_space<vmem>> -> memref<1x40xi32, #tpu.memory_space<vmem>>
      %dma_start3A_82 = tpu.memref_squeeze %dma_start3A_81 : memref<1x40xi32, #tpu.memory_space<vmem>> -> memref<40xi32, #tpu.memory_space<vmem>>
      %dma_start3A_83 = arith.constant 0 : i32
      %dma_start3A_84 = arith.constant 0 : i32
      %dma_start3A_85 = tpu.memref_slice %arg2[%dma_start3A_83, %dma_start3A_84] : memref<10000x128xf32, #tpu.memory_space<hbm>> -> memref<10000x128xf32, #tpu.memory_space<hbm>>
      tpu.enqueue_indirect_dma source(%dma_start3A_85 : memref<10000x128xf32, #tpu.memory_space<hbm>>) target(%arg10 : memref<40x128xf32, #tpu.memory_space<vmem>>) offsets(%dma_start3A_82 : memref<40xi32, #tpu.memory_space<vmem>>) semaphore(%arg15 : memref<!tpu.dma_semaphore, #tpu.memory_space<semaphore_mem>>)
      %gt3A_86 = arith.constant 0 : i32
      %gt3A_87 = arith.cmpi sgt, %scan3A_73, %gt3A_86 : i32
      %convert_element_type3A_88 = arith.extui %gt3A_87 : i1 to i32
      %cond3A_89 = arith.constant 0 : i32
      %cond3A_90 = arith.cmpi ne, %convert_element_type3A_88, %cond3A_89 : i32
      scf.if %cond3A_90 {
        %add3A_208 = arith.constant 1 : i32
        %add3A_209 = arith.addi %mul3A_75, %add3A_208 : i32
        %dma_wait3A_210 = arith.constant 0 : i32
        %dma_wait3A_211 = tpu.memref_slice %arg8[%add3A_209, %dma_wait3A_210] : memref<250x40xi32, #tpu.memory_space<vmem>> -> memref<1x40xi32, #tpu.memory_space<vmem>>
        %dma_wait3A_212 = tpu.memref_squeeze %dma_wait3A_211 : memref<1x40xi32, #tpu.memory_space<vmem>> -> memref<40xi32, #tpu.memory_space<vmem>>
        %dma_wait3A_213 = arith.constant 0 : i32
        %dma_wait3A_214 = arith.constant 0 : i32
        %dma_wait3A_215 = tpu.memref_slice %arg9[%dma_wait3A_213, %dma_wait3A_214] : memref<10000x128xf32, #tpu.memory_space<vmem_shared>> -> memref<10000x128xf32, #tpu.memory_space<vmem_shared>>
        tpu.wait_indirect_dma semaphore(%arg21 : memref<!tpu.dma_semaphore, #tpu.memory_space<semaphore_mem>>) src(%arg11 : memref<40x128xf32, #tpu.memory_space<vmem>>) dst(%dma_wait3A_215 : memref<10000x128xf32, #tpu.memory_space<vmem_shared>>)
      } else {
      }
      %add3A_91 = arith.constant 1 : i32
      %add3A_92 = arith.addi %mul3A_75, %add3A_91 : i32
      %dma_start3A_93 = arith.constant 0 : i32
      %dma_start3A_94 = tpu.memref_slice %arg7[%add3A_92, %dma_start3A_93] : memref<250x40xi32, #tpu.memory_space<vmem>> -> memref<1x40xi32, #tpu.memory_space<vmem>>
      %dma_start3A_95 = tpu.memref_squeeze %dma_start3A_94 : memref<1x40xi32, #tpu.memory_space<vmem>> -> memref<40xi32, #tpu.memory_space<vmem>>
      %dma_start3A_96 = arith.constant 0 : i32
      %dma_start3A_97 = arith.constant 0 : i32
      %dma_start3A_98 = tpu.memref_slice %arg2[%dma_start3A_96, %dma_start3A_97] : memref<10000x128xf32, #tpu.memory_space<hbm>> -> memref<10000x128xf32, #tpu.memory_space<hbm>>
      tpu.enqueue_indirect_dma source(%dma_start3A_98 : memref<10000x128xf32, #tpu.memory_space<hbm>>) target(%arg11 : memref<40x128xf32, #tpu.memory_space<vmem>>) offsets(%dma_start3A_95 : memref<40xi32, #tpu.memory_space<vmem>>) semaphore(%arg16 : memref<!tpu.dma_semaphore, #tpu.memory_space<semaphore_mem>>)
      %gt3A_99 = arith.constant 0 : i32
      %gt3A_100 = arith.cmpi sgt, %scan3A_73, %gt3A_99 : i32
      %convert_element_type3A_101 = arith.extui %gt3A_100 : i1 to i32
      %cond3A_102 = arith.constant 0 : i32
      %cond3A_103 = arith.cmpi ne, %convert_element_type3A_101, %cond3A_102 : i32
      scf.if %cond3A_103 {
        %add3A_208 = arith.constant 2 : i32
        %add3A_209 = arith.addi %mul3A_75, %add3A_208 : i32
        %dma_wait3A_210 = arith.constant 0 : i32
        %dma_wait3A_211 = tpu.memref_slice %arg8[%add3A_209, %dma_wait3A_210] : memref<250x40xi32, #tpu.memory_space<vmem>> -> memref<1x40xi32, #tpu.memory_space<vmem>>
        %dma_wait3A_212 = tpu.memref_squeeze %dma_wait3A_211 : memref<1x40xi32, #tpu.memory_space<vmem>> -> memref<40xi32, #tpu.memory_space<vmem>>
        %dma_wait3A_213 = arith.constant 0 : i32
        %dma_wait3A_214 = arith.constant 0 : i32
        %dma_wait3A_215 = tpu.memref_slice %arg9[%dma_wait3A_213, %dma_wait3A_214] : memref<10000x128xf32, #tpu.memory_space<vmem_shared>> -> memref<10000x128xf32, #tpu.memory_space<vmem_shared>>
        tpu.wait_indirect_dma semaphore(%arg22 : memref<!tpu.dma_semaphore, #tpu.memory_space<semaphore_mem>>) src(%arg12 : memref<40x128xf32, #tpu.memory_space<vmem>>) dst(%dma_wait3A_215 : memref<10000x128xf32, #tpu.memory_space<vmem_shared>>)
      } else {
      }
      %add3A_104 = arith.constant 2 : i32
      %add3A_105 = arith.addi %mul3A_75, %add3A_104 : i32
      %dma_start3A_106 = arith.constant 0 : i32
      %dma_start3A_107 = tpu.memref_slice %arg7[%add3A_105, %dma_start3A_106] : memref<250x40xi32, #tpu.memory_space<vmem>> -> memref<1x40xi32, #tpu.memory_space<vmem>>
      %dma_start3A_108 = tpu.memref_squeeze %dma_start3A_107 : memref<1x40xi32, #tpu.memory_space<vmem>> -> memref<40xi32, #tpu.memory_space<vmem>>
      %dma_start3A_109 = arith.constant 0 : i32
      %dma_start3A_110 = arith.constant 0 : i32
      %dma_start3A_111 = tpu.memref_slice %arg2[%dma_start3A_109, %dma_start3A_110] : memref<10000x128xf32, #tpu.memory_space<hbm>> -> memref<10000x128xf32, #tpu.memory_space<hbm>>
      tpu.enqueue_indirect_dma source(%dma_start3A_111 : memref<10000x128xf32, #tpu.memory_space<hbm>>) target(%arg12 : memref<40x128xf32, #tpu.memory_space<vmem>>) offsets(%dma_start3A_108 : memref<40xi32, #tpu.memory_space<vmem>>) semaphore(%arg17 : memref<!tpu.dma_semaphore, #tpu.memory_space<semaphore_mem>>)
      %gt3A_112 = arith.constant 0 : i32
      %gt3A_113 = arith.cmpi sgt, %scan3A_73, %gt3A_112 : i32
      %convert_element_type3A_114 = arith.extui %gt3A_113 : i1 to i32
      %cond3A_115 = arith.constant 0 : i32
      %cond3A_116 = arith.cmpi ne, %convert_element_type3A_114, %cond3A_115 : i32
      scf.if %cond3A_116 {
        %add3A_208 = arith.constant 3 : i32
        %add3A_209 = arith.addi %mul3A_75, %add3A_208 : i32
        %dma_wait3A_210 = arith.constant 0 : i32
        %dma_wait3A_211 = tpu.memref_slice %arg8[%add3A_209, %dma_wait3A_210] : memref<250x40xi32, #tpu.memory_space<vmem>> -> memref<1x40xi32, #tpu.memory_space<vmem>>
        %dma_wait3A_212 = tpu.memref_squeeze %dma_wait3A_211 : memref<1x40xi32, #tpu.memory_space<vmem>> -> memref<40xi32, #tpu.memory_space<vmem>>
        %dma_wait3A_213 = arith.constant 0 : i32
        %dma_wait3A_214 = arith.constant 0 : i32
        %dma_wait3A_215 = tpu.memref_slice %arg9[%dma_wait3A_213, %dma_wait3A_214] : memref<10000x128xf32, #tpu.memory_space<vmem_shared>> -> memref<10000x128xf32, #tpu.memory_space<vmem_shared>>
        tpu.wait_indirect_dma semaphore(%arg23 : memref<!tpu.dma_semaphore, #tpu.memory_space<semaphore_mem>>) src(%arg13 : memref<40x128xf32, #tpu.memory_space<vmem>>) dst(%dma_wait3A_215 : memref<10000x128xf32, #tpu.memory_space<vmem_shared>>)
      } else {
      }
      %add3A_117 = arith.constant 3 : i32
      %add3A_118 = arith.addi %mul3A_75, %add3A_117 : i32
      %dma_start3A_119 = arith.constant 0 : i32
      %dma_start3A_120 = tpu.memref_slice %arg7[%add3A_118, %dma_start3A_119] : memref<250x40xi32, #tpu.memory_space<vmem>> -> memref<1x40xi32, #tpu.memory_space<vmem>>
      %dma_start3A_121 = tpu.memref_squeeze %dma_start3A_120 : memref<1x40xi32, #tpu.memory_space<vmem>> -> memref<40xi32, #tpu.memory_space<vmem>>
      %dma_start3A_122 = arith.constant 0 : i32
      %dma_start3A_123 = arith.constant 0 : i32
      %dma_start3A_124 = tpu.memref_slice %arg2[%dma_start3A_122, %dma_start3A_123] : memref<10000x128xf32, #tpu.memory_space<hbm>> -> memref<10000x128xf32, #tpu.memory_space<hbm>>
      tpu.enqueue_indirect_dma source(%dma_start3A_124 : memref<10000x128xf32, #tpu.memory_space<hbm>>) target(%arg13 : memref<40x128xf32, #tpu.memory_space<vmem>>) offsets(%dma_start3A_121 : memref<40xi32, #tpu.memory_space<vmem>>) semaphore(%arg18 : memref<!tpu.dma_semaphore, #tpu.memory_space<semaphore_mem>>)
      %gt3A_125 = arith.constant 0 : i32
      %gt3A_126 = arith.cmpi sgt, %scan3A_73, %gt3A_125 : i32
      %convert_element_type3A_127 = arith.extui %gt3A_126 : i1 to i32
      %cond3A_128 = arith.constant 0 : i32
      %cond3A_129 = arith.cmpi ne, %convert_element_type3A_127, %cond3A_128 : i32
      scf.if %cond3A_129 {
        %add3A_208 = arith.constant 4 : i32
        %add3A_209 = arith.addi %mul3A_75, %add3A_208 : i32
        %dma_wait3A_210 = arith.constant 0 : i32
        %dma_wait3A_211 = tpu.memref_slice %arg8[%add3A_209, %dma_wait3A_210] : memref<250x40xi32, #tpu.memory_space<vmem>> -> memref<1x40xi32, #tpu.memory_space<vmem>>
        %dma_wait3A_212 = tpu.memref_squeeze %dma_wait3A_211 : memref<1x40xi32, #tpu.memory_space<vmem>> -> memref<40xi32, #tpu.memory_space<vmem>>
        %dma_wait3A_213 = arith.constant 0 : i32
        %dma_wait3A_214 = arith.constant 0 : i32
        %dma_wait3A_215 = tpu.memref_slice %arg9[%dma_wait3A_213, %dma_wait3A_214] : memref<10000x128xf32, #tpu.memory_space<vmem_shared>> -> memref<10000x128xf32, #tpu.memory_space<vmem_shared>>
        tpu.wait_indirect_dma semaphore(%arg24 : memref<!tpu.dma_semaphore, #tpu.memory_space<semaphore_mem>>) src(%arg14 : memref<40x128xf32, #tpu.memory_space<vmem>>) dst(%dma_wait3A_215 : memref<10000x128xf32, #tpu.memory_space<vmem_shared>>)
      } else {
      }
      %add3A_130 = arith.constant 4 : i32
      %add3A_131 = arith.addi %mul3A_75, %add3A_130 : i32
      %dma_start3A_132 = arith.constant 0 : i32
      %dma_start3A_133 = tpu.memref_slice %arg7[%add3A_131, %dma_start3A_132] : memref<250x40xi32, #tpu.memory_space<vmem>> -> memref<1x40xi32, #tpu.memory_space<vmem>>
      %dma_start3A_134 = tpu.memref_squeeze %dma_start3A_133 : memref<1x40xi32, #tpu.memory_space<vmem>> -> memref<40xi32, #tpu.memory_space<vmem>>
      %dma_start3A_135 = arith.constant 0 : i32
      %dma_start3A_136 = arith.constant 0 : i32
      %dma_start3A_137 = tpu.memref_slice %arg2[%dma_start3A_135, %dma_start3A_136] : memref<10000x128xf32, #tpu.memory_space<hbm>> -> memref<10000x128xf32, #tpu.memory_space<hbm>>
      tpu.enqueue_indirect_dma source(%dma_start3A_137 : memref<10000x128xf32, #tpu.memory_space<hbm>>) target(%arg14 : memref<40x128xf32, #tpu.memory_space<vmem>>) offsets(%dma_start3A_134 : memref<40xi32, #tpu.memory_space<vmem>>) semaphore(%arg19 : memref<!tpu.dma_semaphore, #tpu.memory_space<semaphore_mem>>)
      %dma_wait3A_138 = arith.constant 0 : i32
      %dma_wait3A_139 = tpu.memref_slice %arg7[%add3A_79, %dma_wait3A_138] : memref<250x40xi32, #tpu.memory_space<vmem>> -> memref<1x40xi32, #tpu.memory_space<vmem>>
      %dma_wait3A_140 = tpu.memref_squeeze %dma_wait3A_139 : memref<1x40xi32, #tpu.memory_space<vmem>> -> memref<40xi32, #tpu.memory_space<vmem>>
      %dma_wait3A_141 = arith.constant 0 : i32
      %dma_wait3A_142 = arith.constant 0 : i32
      %dma_wait3A_143 = tpu.memref_slice %arg2[%dma_wait3A_141, %dma_wait3A_142] : memref<10000x128xf32, #tpu.memory_space<hbm>> -> memref<10000x128xf32, #tpu.memory_space<hbm>>
      tpu.wait_indirect_dma semaphore(%arg15 : memref<!tpu.dma_semaphore, #tpu.memory_space<semaphore_mem>>) src(%dma_wait3A_143 : memref<10000x128xf32, #tpu.memory_space<hbm>>) dst(%arg10 : memref<40x128xf32, #tpu.memory_space<vmem>>)
      %add3A_144 = arith.constant 0 : i32
      %add3A_145 = arith.addi %mul3A_75, %add3A_144 : i32
      %dma_start3A_146 = arith.constant 0 : i32
      %dma_start3A_147 = tpu.memref_slice %arg8[%add3A_145, %dma_start3A_146] : memref<250x40xi32, #tpu.memory_space<vmem>> -> memref<1x40xi32, #tpu.memory_space<vmem>>
      %dma_start3A_148 = tpu.memref_squeeze %dma_start3A_147 : memref<1x40xi32, #tpu.memory_space<vmem>> -> memref<40xi32, #tpu.memory_space<vmem>>
      %dma_start3A_149 = arith.constant 0 : i32
      %dma_start3A_150 = arith.constant 0 : i32
      %dma_start3A_151 = tpu.memref_slice %arg9[%dma_start3A_149, %dma_start3A_150] : memref<10000x128xf32, #tpu.memory_space<vmem_shared>> -> memref<10000x128xf32, #tpu.memory_space<vmem_shared>>
      tpu.enqueue_indirect_dma source(%arg10 : memref<40x128xf32, #tpu.memory_space<vmem>>) target(%dma_start3A_151 : memref<10000x128xf32, #tpu.memory_space<vmem_shared>>) offsets(%dma_start3A_148 : memref<40xi32, #tpu.memory_space<vmem>>) semaphore(%arg20 : memref<!tpu.dma_semaphore, #tpu.memory_space<semaphore_mem>>) {add = true}
      %dma_wait3A_152 = arith.constant 0 : i32
      %dma_wait3A_153 = tpu.memref_slice %arg7[%add3A_92, %dma_wait3A_152] : memref<250x40xi32, #tpu.memory_space<vmem>> -> memref<1x40xi32, #tpu.memory_space<vmem>>
      %dma_wait3A_154 = tpu.memref_squeeze %dma_wait3A_153 : memref<1x40xi32, #tpu.memory_space<vmem>> -> memref<40xi32, #tpu.memory_space<vmem>>
      %dma_wait3A_155 = arith.constant 0 : i32
      %dma_wait3A_156 = arith.constant 0 : i32
      %dma_wait3A_157 = tpu.memref_slice %arg2[%dma_wait3A_155, %dma_wait3A_156] : memref<10000x128xf32, #tpu.memory_space<hbm>> -> memref<10000x128xf32, #tpu.memory_space<hbm>>
      tpu.wait_indirect_dma semaphore(%arg16 : memref<!tpu.dma_semaphore, #tpu.memory_space<semaphore_mem>>) src(%dma_wait3A_157 : memref<10000x128xf32, #tpu.memory_space<hbm>>) dst(%arg11 : memref<40x128xf32, #tpu.memory_space<vmem>>)
      %add3A_158 = arith.constant 1 : i32
      %add3A_159 = arith.addi %mul3A_75, %add3A_158 : i32
      %dma_start3A_160 = arith.constant 0 : i32
      %dma_start3A_161 = tpu.memref_slice %arg8[%add3A_159, %dma_start3A_160] : memref<250x40xi32, #tpu.memory_space<vmem>> -> memref<1x40xi32, #tpu.memory_space<vmem>>
      %dma_start3A_162 = tpu.memref_squeeze %dma_start3A_161 : memref<1x40xi32, #tpu.memory_space<vmem>> -> memref<40xi32, #tpu.memory_space<vmem>>
      %dma_start3A_163 = arith.constant 0 : i32
      %dma_start3A_164 = arith.constant 0 : i32
      %dma_start3A_165 = tpu.memref_slice %arg9[%dma_start3A_163, %dma_start3A_164] : memref<10000x128xf32, #tpu.memory_space<vmem_shared>> -> memref<10000x128xf32, #tpu.memory_space<vmem_shared>>
      tpu.enqueue_indirect_dma source(%arg11 : memref<40x128xf32, #tpu.memory_space<vmem>>) target(%dma_start3A_165 : memref<10000x128xf32, #tpu.memory_space<vmem_shared>>) offsets(%dma_start3A_162 : memref<40xi32, #tpu.memory_space<vmem>>) semaphore(%arg21 : memref<!tpu.dma_semaphore, #tpu.memory_space<semaphore_mem>>) {add = true}
      %dma_wait3A_166 = arith.constant 0 : i32
      %dma_wait3A_167 = tpu.memref_slice %arg7[%add3A_105, %dma_wait3A_166] : memref<250x40xi32, #tpu.memory_space<vmem>> -> memref<1x40xi32, #tpu.memory_space<vmem>>
      %dma_wait3A_168 = tpu.memref_squeeze %dma_wait3A_167 : memref<1x40xi32, #tpu.memory_space<vmem>> -> memref<40xi32, #tpu.memory_space<vmem>>
      %dma_wait3A_169 = arith.constant 0 : i32
      %dma_wait3A_170 = arith.constant 0 : i32
      %dma_wait3A_171 = tpu.memref_slice %arg2[%dma_wait3A_169, %dma_wait3A_170] : memref<10000x128xf32, #tpu.memory_space<hbm>> -> memref<10000x128xf32, #tpu.memory_space<hbm>>
      tpu.wait_indirect_dma semaphore(%arg17 : memref<!tpu.dma_semaphore, #tpu.memory_space<semaphore_mem>>) src(%dma_wait3A_171 : memref<10000x128xf32, #tpu.memory_space<hbm>>) dst(%arg12 : memref<40x128xf32, #tpu.memory_space<vmem>>)
      %add3A_172 = arith.constant 2 : i32
      %add3A_173 = arith.addi %mul3A_75, %add3A_172 : i32
      %dma_start3A_174 = arith.constant 0 : i32
      %dma_start3A_175 = tpu.memref_slice %arg8[%add3A_173, %dma_start3A_174] : memref<250x40xi32, #tpu.memory_space<vmem>> -> memref<1x40xi32, #tpu.memory_space<vmem>>
      %dma_start3A_176 = tpu.memref_squeeze %dma_start3A_175 : memref<1x40xi32, #tpu.memory_space<vmem>> -> memref<40xi32, #tpu.memory_space<vmem>>
      %dma_start3A_177 = arith.constant 0 : i32
      %dma_start3A_178 = arith.constant 0 : i32
      %dma_start3A_179 = tpu.memref_slice %arg9[%dma_start3A_177, %dma_start3A_178] : memref<10000x128xf32, #tpu.memory_space<vmem_shared>> -> memref<10000x128xf32, #tpu.memory_space<vmem_shared>>
      tpu.enqueue_indirect_dma source(%arg12 : memref<40x128xf32, #tpu.memory_space<vmem>>) target(%dma_start3A_179 : memref<10000x128xf32, #tpu.memory_space<vmem_shared>>) offsets(%dma_start3A_176 : memref<40xi32, #tpu.memory_space<vmem>>) semaphore(%arg22 : memref<!tpu.dma_semaphore, #tpu.memory_space<semaphore_mem>>) {add = true}
      %dma_wait3A_180 = arith.constant 0 : i32
      %dma_wait3A_181 = tpu.memref_slice %arg7[%add3A_118, %dma_wait3A_180] : memref<250x40xi32, #tpu.memory_space<vmem>> -> memref<1x40xi32, #tpu.memory_space<vmem>>
      %dma_wait3A_182 = tpu.memref_squeeze %dma_wait3A_181 : memref<1x40xi32, #tpu.memory_space<vmem>> -> memref<40xi32, #tpu.memory_space<vmem>>
      %dma_wait3A_183 = arith.constant 0 : i32
      %dma_wait3A_184 = arith.constant 0 : i32
      %dma_wait3A_185 = tpu.memref_slice %arg2[%dma_wait3A_183, %dma_wait3A_184] : memref<10000x128xf32, #tpu.memory_space<hbm>> -> memref<10000x128xf32, #tpu.memory_space<hbm>>
      tpu.wait_indirect_dma semaphore(%arg18 : memref<!tpu.dma_semaphore, #tpu.memory_space<semaphore_mem>>) src(%dma_wait3A_185 : memref<10000x128xf32, #tpu.memory_space<hbm>>) dst(%arg13 : memref<40x128xf32, #tpu.memory_space<vmem>>)
      %add3A_186 = arith.constant 3 : i32
      %add3A_187 = arith.addi %mul3A_75, %add3A_186 : i32
      %dma_start3A_188 = arith.constant 0 : i32
      %dma_start3A_189 = tpu.memref_slice %arg8[%add3A_187, %dma_start3A_188] : memref<250x40xi32, #tpu.memory_space<vmem>> -> memref<1x40xi32, #tpu.memory_space<vmem>>
      %dma_start3A_190 = tpu.memref_squeeze %dma_start3A_189 : memref<1x40xi32, #tpu.memory_space<vmem>> -> memref<40xi32, #tpu.memory_space<vmem>>
      %dma_start3A_191 = arith.constant 0 : i32
      %dma_start3A_192 = arith.constant 0 : i32
      %dma_start3A_193 = tpu.memref_slice %arg9[%dma_start3A_191, %dma_start3A_192] : memref<10000x128xf32, #tpu.memory_space<vmem_shared>> -> memref<10000x128xf32, #tpu.memory_space<vmem_shared>>
      tpu.enqueue_indirect_dma source(%arg13 : memref<40x128xf32, #tpu.memory_space<vmem>>) target(%dma_start3A_193 : memref<10000x128xf32, #tpu.memory_space<vmem_shared>>) offsets(%dma_start3A_190 : memref<40xi32, #tpu.memory_space<vmem>>) semaphore(%arg23 : memref<!tpu.dma_semaphore, #tpu.memory_space<semaphore_mem>>) {add = true}
      %dma_wait3A_194 = arith.constant 0 : i32
      %dma_wait3A_195 = tpu.memref_slice %arg7[%add3A_131, %dma_wait3A_194] : memref<250x40xi32, #tpu.memory_space<vmem>> -> memref<1x40xi32, #tpu.memory_space<vmem>>
      %dma_wait3A_196 = tpu.memref_squeeze %dma_wait3A_195 : memref<1x40xi32, #tpu.memory_space<vmem>> -> memref<40xi32, #tpu.memory_space<vmem>>
      %dma_wait3A_197 = arith.constant 0 : i32
      %dma_wait3A_198 = arith.constant 0 : i32
      %dma_wait3A_199 = tpu.memref_slice %arg2[%dma_wait3A_197, %dma_wait3A_198] : memref<10000x128xf32, #tpu.memory_space<hbm>> -> memref<10000x128xf32, #tpu.memory_space<hbm>>
      tpu.wait_indirect_dma semaphore(%arg19 : memref<!tpu.dma_semaphore, #tpu.memory_space<semaphore_mem>>) src(%dma_wait3A_199 : memref<10000x128xf32, #tpu.memory_space<hbm>>) dst(%arg14 : memref<40x128xf32, #tpu.memory_space<vmem>>)
      %add3A_200 = arith.constant 4 : i32
      %add3A_201 = arith.addi %mul3A_75, %add3A_200 : i32
      %dma_start3A_202 = arith.constant 0 : i32
      %dma_start3A_203 = tpu.memref_slice %arg8[%add3A_201, %dma_start3A_202] : memref<250x40xi32, #tpu.memory_space<vmem>> -> memref<1x40xi32, #tpu.memory_space<vmem>>
      %dma_start3A_204 = tpu.memref_squeeze %dma_start3A_203 : memref<1x40xi32, #tpu.memory_space<vmem>> -> memref<40xi32, #tpu.memory_space<vmem>>
      %dma_start3A_205 = arith.constant 0 : i32
      %dma_start3A_206 = arith.constant 0 : i32
      %dma_start3A_207 = tpu.memref_slice %arg9[%dma_start3A_205, %dma_start3A_206] : memref<10000x128xf32, #tpu.memory_space<vmem_shared>> -> memref<10000x128xf32, #tpu.memory_space<vmem_shared>>
      tpu.enqueue_indirect_dma source(%arg14 : memref<40x128xf32, #tpu.memory_space<vmem>>) target(%dma_start3A_207 : memref<10000x128xf32, #tpu.memory_space<vmem_shared>>) offsets(%dma_start3A_204 : memref<40xi32, #tpu.memory_space<vmem>>) semaphore(%arg24 : memref<!tpu.dma_semaphore, #tpu.memory_space<semaphore_mem>>) {add = true}
    }
    %scan3A_33 = arith.constant 50 : i32
    %dma_wait3A_34 = arith.constant 0 : i32
    %dma_wait3A_35 = arith.constant 0 : i32
    %dma_wait3A_36 = tpu.memref_slice %arg8[%dma_wait3A_34, %dma_wait3A_35] : memref<250x40xi32, #tpu.memory_space<vmem>> -> memref<1x40xi32, #tpu.memory_space<vmem>>
    %dma_wait3A_37 = tpu.memref_squeeze %dma_wait3A_36 : memref<1x40xi32, #tpu.memory_space<vmem>> -> memref<40xi32, #tpu.memory_space<vmem>>
    %dma_wait3A_38 = arith.constant 0 : i32
    %dma_wait3A_39 = arith.constant 0 : i32
    %dma_wait3A_40 = tpu.memref_slice %arg9[%dma_wait3A_38, %dma_wait3A_39] : memref<10000x128xf32, #tpu.memory_space<vmem_shared>> -> memref<10000x128xf32, #tpu.memory_space<vmem_shared>>
    tpu.wait_indirect_dma semaphore(%arg20 : memref<!tpu.dma_semaphore, #tpu.memory_space<semaphore_mem>>) src(%arg10 : memref<40x128xf32, #tpu.memory_space<vmem>>) dst(%dma_wait3A_40 : memref<10000x128xf32, #tpu.memory_space<vmem_shared>>)
    %dma_wait3A_41 = arith.constant 1 : i32
    %dma_wait3A_42 = arith.constant 0 : i32
    %dma_wait3A_43 = tpu.memref_slice %arg8[%dma_wait3A_41, %dma_wait3A_42] : memref<250x40xi32, #tpu.memory_space<vmem>> -> memref<1x40xi32, #tpu.memory_space<vmem>>
    %dma_wait3A_44 = tpu.memref_squeeze %dma_wait3A_43 : memref<1x40xi32, #tpu.memory_space<vmem>> -> memref<40xi32, #tpu.memory_space<vmem>>
    %dma_wait3A_45 = arith.constant 0 : i32
    %dma_wait3A_46 = arith.constant 0 : i32
    %dma_wait3A_47 = tpu.memref_slice %arg9[%dma_wait3A_45, %dma_wait3A_46] : memref<10000x128xf32, #tpu.memory_space<vmem_shared>> -> memref<10000x128xf32, #tpu.memory_space<vmem_shared>>
    tpu.wait_indirect_dma semaphore(%arg21 : memref<!tpu.dma_semaphore, #tpu.memory_space<semaphore_mem>>) src(%arg11 : memref<40x128xf32, #tpu.memory_space<vmem>>) dst(%dma_wait3A_47 : memref<10000x128xf32, #tpu.memory_space<vmem_shared>>)
    %dma_wait3A_48 = arith.constant 2 : i32
    %dma_wait3A_49 = arith.constant 0 : i32
    %dma_wait3A_50 = tpu.memref_slice %arg8[%dma_wait3A_48, %dma_wait3A_49] : memref<250x40xi32, #tpu.memory_space<vmem>> -> memref<1x40xi32, #tpu.memory_space<vmem>>
    %dma_wait3A_51 = tpu.memref_squeeze %dma_wait3A_50 : memref<1x40xi32, #tpu.memory_space<vmem>> -> memref<40xi32, #tpu.memory_space<vmem>>
    %dma_wait3A_52 = arith.constant 0 : i32
    %dma_wait3A_53 = arith.constant 0 : i32
    %dma_wait3A_54 = tpu.memref_slice %arg9[%dma_wait3A_52, %dma_wait3A_53] : memref<10000x128xf32, #tpu.memory_space<vmem_shared>> -> memref<10000x128xf32, #tpu.memory_space<vmem_shared>>
    tpu.wait_indirect_dma semaphore(%arg22 : memref<!tpu.dma_semaphore, #tpu.memory_space<semaphore_mem>>) src(%arg12 : memref<40x128xf32, #tpu.memory_space<vmem>>) dst(%dma_wait3A_54 : memref<10000x128xf32, #tpu.memory_space<vmem_shared>>)
    %dma_wait3A_55 = arith.constant 3 : i32
    %dma_wait3A_56 = arith.constant 0 : i32
    %dma_wait3A_57 = tpu.memref_slice %arg8[%dma_wait3A_55, %dma_wait3A_56] : memref<250x40xi32, #tpu.memory_space<vmem>> -> memref<1x40xi32, #tpu.memory_space<vmem>>
    %dma_wait3A_58 = tpu.memref_squeeze %dma_wait3A_57 : memref<1x40xi32, #tpu.memory_space<vmem>> -> memref<40xi32, #tpu.memory_space<vmem>>
    %dma_wait3A_59 = arith.constant 0 : i32
    %dma_wait3A_60 = arith.constant 0 : i32
    %dma_wait3A_61 = tpu.memref_slice %arg9[%dma_wait3A_59, %dma_wait3A_60] : memref<10000x128xf32, #tpu.memory_space<vmem_shared>> -> memref<10000x128xf32, #tpu.memory_space<vmem_shared>>
    tpu.wait_indirect_dma semaphore(%arg23 : memref<!tpu.dma_semaphore, #tpu.memory_space<semaphore_mem>>) src(%arg13 : memref<40x128xf32, #tpu.memory_space<vmem>>) dst(%dma_wait3A_61 : memref<10000x128xf32, #tpu.memory_space<vmem_shared>>)
    %dma_wait3A_62 = arith.constant 4 : i32
    %dma_wait3A_63 = arith.constant 0 : i32
    %dma_wait3A_64 = tpu.memref_slice %arg8[%dma_wait3A_62, %dma_wait3A_63] : memref<250x40xi32, #tpu.memory_space<vmem>> -> memref<1x40xi32, #tpu.memory_space<vmem>>
    %dma_wait3A_65 = tpu.memref_squeeze %dma_wait3A_64 : memref<1x40xi32, #tpu.memory_space<vmem>> -> memref<40xi32, #tpu.memory_space<vmem>>
    %dma_wait3A_66 = arith.constant 0 : i32
    %dma_wait3A_67 = arith.constant 0 : i32
    %dma_wait3A_68 = tpu.memref_slice %arg9[%dma_wait3A_66, %dma_wait3A_67] : memref<10000x128xf32, #tpu.memory_space<vmem_shared>> -> memref<10000x128xf32, #tpu.memory_space<vmem_shared>>
    tpu.wait_indirect_dma semaphore(%arg24 : memref<!tpu.dma_semaphore, #tpu.memory_space<semaphore_mem>>) src(%arg14 : memref<40x128xf32, #tpu.memory_space<vmem>>) dst(%dma_wait3A_68 : memref<10000x128xf32, #tpu.memory_space<vmem_shared>>)
    %barrier3A_69 = arith.constant 0 : index
    tpu.barrier barrier_id(%barrier3A_69)
    %mul3A_70 = arith.constant 10000 : i32
    %mul3A_71 = arith.muli %arg0, %mul3A_70 : i32
    %add3A_72 = arith.addi %mul3A_71, %mul3A_2 : i32
    "tpu.region"() ({
      %run_scoped3A = tpu.sem_alloc : memref<!tpu.dma_semaphore, #tpu.memory_space<semaphore_mem>>
      %dma_start3A_73 = arith.constant 0 : i32
      %dma_start3A_74 = tpu.memref_slice %arg6[%add3A_72, %dma_start3A_73] : memref<20000x128xf32, #tpu.memory_space<hbm>> -> memref<625x128xf32, #tpu.memory_space<hbm>>
      %dma_start3A_75 = arith.constant 0 : i32
      %dma_start3A_76 = tpu.memref_slice %arg9[%mul3A_2, %dma_start3A_75] : memref<10000x128xf32, #tpu.memory_space<vmem_shared>> -> memref<625x128xf32, #tpu.memory_space<vmem_shared>>
      tpu.enqueue_dma source(%dma_start3A_76 : memref<625x128xf32, #tpu.memory_space<vmem_shared>>) target(%dma_start3A_74 : memref<625x128xf32, #tpu.memory_space<hbm>>) target_semaphore(%run_scoped3A : memref<!tpu.dma_semaphore, #tpu.memory_space<semaphore_mem>>)
      %dma_wait3A_77 = arith.constant 0 : i32
      %dma_wait3A_78 = tpu.memref_slice %arg6[%add3A_72, %dma_wait3A_77] : memref<20000x128xf32, #tpu.memory_space<hbm>> -> memref<625x128xf32, #tpu.memory_space<hbm>>
      %dma_wait3A_79 = arith.constant 0 : i32
      %dma_wait3A_80 = tpu.memref_slice %arg9[%mul3A_2, %dma_wait3A_79] : memref<10000x128xf32, #tpu.memory_space<vmem_shared>> -> memref<625x128xf32, #tpu.memory_space<vmem_shared>>
      tpu.wait_dma2 semaphore(%run_scoped3A : memref<!tpu.dma_semaphore, #tpu.memory_space<semaphore_mem>>) src(%dma_wait3A_80 : memref<625x128xf32, #tpu.memory_space<vmem_shared>>) dst(%dma_wait3A_78 : memref<625x128xf32, #tpu.memory_space<hbm>>)
      tpu.yield
    }) : () -> ()
    return
  }
}

module attributes {stable_mosaic.version = 14 : i64} {
  func.func @body(%arg0: i32, %arg1: memref<1000x128xf32, #tpu.memory_space<vmem>>, %arg2: memref<128x128xf32, #tpu.memory_space<vmem>>, %arg3: memref<128x128xf32, #tpu.memory_space<vmem>>, %arg4: memref<1x128xf32, #tpu.memory_space<vmem>>, %arg5: memref<1000x128xf32, #tpu.memory_space<vmem>>, %arg6: memref<1000x128xf32, #tpu.memory_space<vmem>>) attributes {dimension_semantics = [#tpu.dimension_semantics<arbitrary>], iteration_bounds = array<i64: 10>, scalar_prefetch = 0 : i64, scratch_operands = 0 : i64, tpu.core_type = #tpu.core_type<tc>, window_params = [{transform_indices = @transform_0, window_bounds = array<i64: 1000, 128>}, {pipeline_mode = #tpu.pipeline_mode<synchronous>, transform_indices = @transform_1, window_bounds = array<i64: 128, 128>}, {pipeline_mode = #tpu.pipeline_mode<synchronous>, transform_indices = @transform_2, window_bounds = array<i64: 128, 128>}, {pipeline_mode = #tpu.pipeline_mode<synchronous>, transform_indices = @transform_3, window_bounds = array<i64: 1, 128>}, {transform_indices = @transform_4, window_bounds = array<i64: 1000, 128>}, {transform_indices = @transform_5, window_bounds = array<i64: 1000, 128>}]} {
    %get3A = arith.constant 0 : index
    %get3A_0 = arith.constant 0 : index
    %get3A_1 = vector.load %arg1[%get3A, %get3A_0] : memref<1000x128xf32, #tpu.memory_space<vmem>>, vector<1000x128xf32>
    %get3A_2 = arith.constant 0 : index
    %get3A_3 = arith.constant 0 : index
    %get3A_4 = vector.load %arg2[%get3A_2, %get3A_3] : memref<128x128xf32, #tpu.memory_space<vmem>>, vector<128x128xf32>
    %dot_general3A = arith.constant dense<0.000000e+00> : vector<1000x128xf32>
    %dot_general3A_5 = tpu.matmul %get3A_1, %get3A_4, %dot_general3A {dimension_numbers = #tpu.dot_dimension_numbers<[1], [0], [0], [1], [0, 0, 1, 1], [], []>, transpose_lhs_hint = false} : vector<1000x128xf32>, vector<128x128xf32>, vector<1000x128xf32> -> vector<1000x128xf32>
    %get3A_6 = arith.constant 0 : index
    %get3A_7 = arith.constant 0 : index
    %get3A_8 = vector.load %arg4[%get3A_6, %get3A_7] : memref<1x128xf32, #tpu.memory_space<vmem>>, vector<1x128xf32>
    %add3A = vector.broadcast %get3A_8 : vector<1x128xf32> to vector<1000x128xf32>
    %add3A_9 = arith.addf %dot_general3A_5, %add3A : vector<1000x128xf32>
    %swap3A = arith.constant 0 : index
    %swap3A_10 = arith.constant 0 : index
    %swap3A_11 = vector.load %arg5[%swap3A, %swap3A_10] : memref<1000x128xf32, #tpu.memory_space<vmem>>, vector<1000x128xf32>
    tpu.vector_store %arg5[%swap3A, %swap3A_10], %add3A_9 {strides = array<i32>} : memref<1000x128xf32, #tpu.memory_space<vmem>>, vector<1000x128xf32>,
    %get3A_12 = arith.constant 0 : index
    %get3A_13 = arith.constant 0 : index
    %get3A_14 = vector.load %arg3[%get3A_12, %get3A_13] : memref<128x128xf32, #tpu.memory_space<vmem>>, vector<128x128xf32>
    %dot_general3A_15 = arith.constant dense<0.000000e+00> : vector<1000x128xf32>
    %dot_general3A_16 = tpu.matmul %get3A_1, %get3A_14, %dot_general3A_15 {dimension_numbers = #tpu.dot_dimension_numbers<[1], [0], [0], [1], [0, 0, 1, 1], [], []>, transpose_lhs_hint = false} : vector<1000x128xf32>, vector<128x128xf32>, vector<1000x128xf32> -> vector<1000x128xf32>
    %swap3A_17 = arith.constant 0 : index
    %swap3A_18 = arith.constant 0 : index
    %swap3A_19 = vector.load %arg6[%swap3A_17, %swap3A_18] : memref<1000x128xf32, #tpu.memory_space<vmem>>, vector<1000x128xf32>
    tpu.vector_store %arg6[%swap3A_17, %swap3A_18], %dot_general3A_16 {strides = array<i32>} : memref<1000x128xf32, #tpu.memory_space<vmem>>, vector<1000x128xf32>,
    return
  }
  func.func @transform_0(%arg0: i32) -> (i32, i32) {
    %c0_i32 = arith.constant 0 : i32
    %c0_i32_0 = arith.constant 0 : i32
    return %arg0, %c0_i32 : i32, i32
  }
  func.func @transform_1(%arg0: i32) -> (i32, i32) {
    %c0_i32 = arith.constant 0 : i32
    %c0_i32_0 = arith.constant 0 : i32
    %c0_i32_1 = arith.constant 0 : i32
    return %c0_i32, %c0_i32_0 : i32, i32
  }
  func.func @transform_2(%arg0: i32) -> (i32, i32) {
    %c0_i32 = arith.constant 0 : i32
    %c0_i32_0 = arith.constant 0 : i32
    %c0_i32_1 = arith.constant 0 : i32
    return %c0_i32, %c0_i32_0 : i32, i32
  }
  func.func @transform_3(%arg0: i32) -> (i32, i32) {
    %c0_i32 = arith.constant 0 : i32
    %c0_i32_0 = arith.constant 0 : i32
    %c0_i32_1 = arith.constant 0 : i32
    return %c0_i32, %c0_i32_0 : i32, i32
  }
  func.func @transform_4(%arg0: i32) -> (i32, i32) {
    %c0_i32 = arith.constant 0 : i32
    %c0_i32_0 = arith.constant 0 : i32
    return %arg0, %c0_i32 : i32, i32
  }
  func.func @transform_5(%arg0: i32) -> (i32, i32) {
    %c0_i32 = arith.constant 0 : i32
    %c0_i32_0 = arith.constant 0 : i32
    return %arg0, %c0_i32 : i32, i32
  }
}

module attributes {stable_mosaic.version = 14 : i64} {
  func.func @body(%arg0: i32, %arg1: memref<1000x128xf32, #tpu.memory_space<vmem>>, %arg2: memref<1000x128xf32, #tpu.memory_space<vmem>>, %arg3: memref<1000x128xf32, #tpu.memory_space<vmem>>, %arg4: memref<1000x1xf32, #tpu.memory_space<vmem>>, %arg5: memref<128x128xf32, #tpu.memory_space<vmem>>, %arg6: memref<128x128xf32, #tpu.memory_space<vmem>>, %arg7: memref<1x128xf32, #tpu.memory_space<vmem>>, %arg8: memref<1000x128xf32, #tpu.memory_space<vmem>>, %arg9: memref<1000x128xf32, #tpu.memory_space<vmem>>) attributes {dimension_semantics = [#tpu.dimension_semantics<arbitrary>], iteration_bounds = array<i64: 10>, scalar_prefetch = 0 : i64, scratch_operands = 0 : i64, tpu.core_type = #tpu.core_type<tc>, window_params = [{transform_indices = @transform_0, window_bounds = array<i64: 1000, 128>}, {transform_indices = @transform_1, window_bounds = array<i64: 1000, 128>}, {transform_indices = @transform_2, window_bounds = array<i64: 1000, 128>}, {transform_indices = @transform_3, window_bounds = array<i64: 1000, 1>}, {pipeline_mode = #tpu.pipeline_mode<synchronous>, transform_indices = @transform_4, window_bounds = array<i64: 128, 128>}, {pipeline_mode = #tpu.pipeline_mode<synchronous>, transform_indices = @transform_5, window_bounds = array<i64: 128, 128>}, {pipeline_mode = #tpu.pipeline_mode<synchronous>, transform_indices = @transform_6, window_bounds = array<i64: 1, 128>}, {transform_indices = @transform_7, window_bounds = array<i64: 1000, 128>}, {transform_indices = @transform_8, window_bounds = array<i64: 1000, 128>}]} {
    %get3A = arith.constant 0 : index
    %get3A_0 = arith.constant 0 : index
    %get3A_1 = vector.load %arg1[%get3A, %get3A_0] : memref<1000x128xf32, #tpu.memory_space<vmem>>, vector<1000x128xf32>
    %get3A_2 = arith.constant 0 : index
    %get3A_3 = arith.constant 0 : index
    %get3A_4 = vector.load %arg2[%get3A_2, %get3A_3] : memref<1000x128xf32, #tpu.memory_space<vmem>>, vector<1000x128xf32>
    %get3A_5 = arith.constant 0 : index
    %get3A_6 = arith.constant 0 : index
    %get3A_7 = vector.load %arg3[%get3A_5, %get3A_6] : memref<1000x128xf32, #tpu.memory_space<vmem>>, vector<1000x128xf32>
    %add3A = arith.addf %get3A_4, %get3A_7 : vector<1000x128xf32>
    %get3A_8 = arith.constant 0 : index
    %get3A_9 = arith.constant 0 : index
    %get3A_10 = vector.load %arg4[%get3A_8, %get3A_9] : memref<1000x1xf32, #tpu.memory_space<vmem>>, vector<1000x1xf32>
    %div3A = vector.broadcast %get3A_10 : vector<1000x1xf32> to vector<1000x128xf32>
    %div3A_11 = arith.divf %add3A, %div3A : vector<1000x128xf32>
    %add3A_12 = arith.addf %get3A_1, %div3A_11 : vector<1000x128xf32>
    %max3A = arith.constant 0.000000e+00 : f32
    %max3A_13 = vector.broadcast %max3A : f32 to vector<1000x128xf32>
    %max3A_14 = arith.maximumf %add3A_12, %max3A_13 : vector<1000x128xf32>
    %get3A_15 = arith.constant 0 : index
    %get3A_16 = arith.constant 0 : index
    %get3A_17 = vector.load %arg5[%get3A_15, %get3A_16] : memref<128x128xf32, #tpu.memory_space<vmem>>, vector<128x128xf32>
    %dot_general3A = arith.constant dense<0.000000e+00> : vector<1000x128xf32>
    %dot_general3A_18 = tpu.matmul %max3A_14, %get3A_17, %dot_general3A {dimension_numbers = #tpu.dot_dimension_numbers<[1], [0], [0], [1], [0, 0, 1, 1], [], []>, transpose_lhs_hint = false} : vector<1000x128xf32>, vector<128x128xf32>, vector<1000x128xf32> -> vector<1000x128xf32>
    %get3A_19 = arith.constant 0 : index
    %get3A_20 = arith.constant 0 : index
    %get3A_21 = vector.load %arg7[%get3A_19, %get3A_20] : memref<1x128xf32, #tpu.memory_space<vmem>>, vector<1x128xf32>
    %add3A_22 = vector.broadcast %get3A_21 : vector<1x128xf32> to vector<1000x128xf32>
    %add3A_23 = arith.addf %dot_general3A_18, %add3A_22 : vector<1000x128xf32>
    %swap3A = arith.constant 0 : index
    %swap3A_24 = arith.constant 0 : index
    %swap3A_25 = vector.load %arg8[%swap3A, %swap3A_24] : memref<1000x128xf32, #tpu.memory_space<vmem>>, vector<1000x128xf32>
    tpu.vector_store %arg8[%swap3A, %swap3A_24], %add3A_23 {strides = array<i32>} : memref<1000x128xf32, #tpu.memory_space<vmem>>, vector<1000x128xf32>,
    %get3A_26 = arith.constant 0 : index
    %get3A_27 = arith.constant 0 : index
    %get3A_28 = vector.load %arg6[%get3A_26, %get3A_27] : memref<128x128xf32, #tpu.memory_space<vmem>>, vector<128x128xf32>
    %dot_general3A_29 = arith.constant dense<0.000000e+00> : vector<1000x128xf32>
    %dot_general3A_30 = tpu.matmul %max3A_14, %get3A_28, %dot_general3A_29 {dimension_numbers = #tpu.dot_dimension_numbers<[1], [0], [0], [1], [0, 0, 1, 1], [], []>, transpose_lhs_hint = false} : vector<1000x128xf32>, vector<128x128xf32>, vector<1000x128xf32> -> vector<1000x128xf32>
    %swap3A_31 = arith.constant 0 : index
    %swap3A_32 = arith.constant 0 : index
    %swap3A_33 = vector.load %arg9[%swap3A_31, %swap3A_32] : memref<1000x128xf32, #tpu.memory_space<vmem>>, vector<1000x128xf32>
    tpu.vector_store %arg9[%swap3A_31, %swap3A_32], %dot_general3A_30 {strides = array<i32>} : memref<1000x128xf32, #tpu.memory_space<vmem>>, vector<1000x128xf32>,
    return
  }
  func.func @transform_0(%arg0: i32) -> (i32, i32) {
    %c0_i32 = arith.constant 0 : i32
    %c0_i32_0 = arith.constant 0 : i32
    return %arg0, %c0_i32 : i32, i32
  }
  func.func @transform_1(%arg0: i32) -> (i32, i32) {
    %c0_i32 = arith.constant 0 : i32
    %c0_i32_0 = arith.constant 0 : i32
    return %arg0, %c0_i32 : i32, i32
  }
  func.func @transform_2(%arg0: i32) -> (i32, i32) {
    %add3A = arith.constant 10 : i32
    %add3A_0 = arith.addi %arg0, %add3A : i32
    %c0_i32 = arith.constant 0 : i32
    %c0_i32_1 = arith.constant 0 : i32
    return %add3A_0, %c0_i32 : i32, i32
  }
  func.func @transform_3(%arg0: i32) -> (i32, i32) {
    %c0_i32 = arith.constant 0 : i32
    %c0_i32_0 = arith.constant 0 : i32
    return %arg0, %c0_i32 : i32, i32
  }
  func.func @transform_4(%arg0: i32) -> (i32, i32) {
    %c0_i32 = arith.constant 0 : i32
    %c0_i32_0 = arith.constant 0 : i32
    %c0_i32_1 = arith.constant 0 : i32
    return %c0_i32, %c0_i32_0 : i32, i32
  }
  func.func @transform_5(%arg0: i32) -> (i32, i32) {
    %c0_i32 = arith.constant 0 : i32
    %c0_i32_0 = arith.constant 0 : i32
    %c0_i32_1 = arith.constant 0 : i32
    return %c0_i32, %c0_i32_0 : i32, i32
  }
  func.func @transform_6(%arg0: i32) -> (i32, i32) {
    %c0_i32 = arith.constant 0 : i32
    %c0_i32_0 = arith.constant 0 : i32
    %c0_i32_1 = arith.constant 0 : i32
    return %c0_i32, %c0_i32_0 : i32, i32
  }
  func.func @transform_7(%arg0: i32) -> (i32, i32) {
    %c0_i32 = arith.constant 0 : i32
    %c0_i32_0 = arith.constant 0 : i32
    return %arg0, %c0_i32 : i32, i32
  }
  func.func @transform_8(%arg0: i32) -> (i32, i32) {
    %c0_i32 = arith.constant 0 : i32
    %c0_i32_0 = arith.constant 0 : i32
    return %arg0, %c0_i32 : i32, i32
  }
}

module attributes {stable_mosaic.version = 14 : i64} {
  func.func @body(%arg0: i32, %arg1: memref<1000x128xf32, #tpu.memory_space<vmem>>, %arg2: memref<1000x128xf32, #tpu.memory_space<vmem>>, %arg3: memref<1000x128xf32, #tpu.memory_space<vmem>>, %arg4: memref<1000x1xf32, #tpu.memory_space<vmem>>, %arg5: memref<128x64xf32, #tpu.memory_space<vmem>>, %arg6: memref<128x64xf32, #tpu.memory_space<vmem>>, %arg7: memref<1x64xf32, #tpu.memory_space<vmem>>, %arg8: memref<1000x64xf32, #tpu.memory_space<vmem>>, %arg9: memref<1000x64xf32, #tpu.memory_space<vmem>>) attributes {dimension_semantics = [#tpu.dimension_semantics<arbitrary>], iteration_bounds = array<i64: 10>, scalar_prefetch = 0 : i64, scratch_operands = 0 : i64, tpu.core_type = #tpu.core_type<tc>, window_params = [{transform_indices = @transform_0, window_bounds = array<i64: 1000, 128>}, {transform_indices = @transform_1, window_bounds = array<i64: 1000, 128>}, {transform_indices = @transform_2, window_bounds = array<i64: 1000, 128>}, {transform_indices = @transform_3, window_bounds = array<i64: 1000, 1>}, {pipeline_mode = #tpu.pipeline_mode<synchronous>, transform_indices = @transform_4, window_bounds = array<i64: 128, 64>}, {pipeline_mode = #tpu.pipeline_mode<synchronous>, transform_indices = @transform_5, window_bounds = array<i64: 128, 64>}, {pipeline_mode = #tpu.pipeline_mode<synchronous>, transform_indices = @transform_6, window_bounds = array<i64: 1, 64>}, {transform_indices = @transform_7, window_bounds = array<i64: 1000, 64>}, {transform_indices = @transform_8, window_bounds = array<i64: 1000, 64>}]} {
    %get3A = arith.constant 0 : index
    %get3A_0 = arith.constant 0 : index
    %get3A_1 = vector.load %arg1[%get3A, %get3A_0] : memref<1000x128xf32, #tpu.memory_space<vmem>>, vector<1000x128xf32>
    %get3A_2 = arith.constant 0 : index
    %get3A_3 = arith.constant 0 : index
    %get3A_4 = vector.load %arg2[%get3A_2, %get3A_3] : memref<1000x128xf32, #tpu.memory_space<vmem>>, vector<1000x128xf32>
    %get3A_5 = arith.constant 0 : index
    %get3A_6 = arith.constant 0 : index
    %get3A_7 = vector.load %arg3[%get3A_5, %get3A_6] : memref<1000x128xf32, #tpu.memory_space<vmem>>, vector<1000x128xf32>
    %add3A = arith.addf %get3A_4, %get3A_7 : vector<1000x128xf32>
    %get3A_8 = arith.constant 0 : index
    %get3A_9 = arith.constant 0 : index
    %get3A_10 = vector.load %arg4[%get3A_8, %get3A_9] : memref<1000x1xf32, #tpu.memory_space<vmem>>, vector<1000x1xf32>
    %div3A = vector.broadcast %get3A_10 : vector<1000x1xf32> to vector<1000x128xf32>
    %div3A_11 = arith.divf %add3A, %div3A : vector<1000x128xf32>
    %add3A_12 = arith.addf %get3A_1, %div3A_11 : vector<1000x128xf32>
    %max3A = arith.constant 0.000000e+00 : f32
    %max3A_13 = vector.broadcast %max3A : f32 to vector<1000x128xf32>
    %max3A_14 = arith.maximumf %add3A_12, %max3A_13 : vector<1000x128xf32>
    %get3A_15 = arith.constant 0 : index
    %get3A_16 = arith.constant 0 : index
    %get3A_17 = vector.load %arg5[%get3A_15, %get3A_16] : memref<128x64xf32, #tpu.memory_space<vmem>>, vector<128x64xf32>
    %dot_general3A = arith.constant dense<0.000000e+00> : vector<1000x64xf32>
    %dot_general3A_18 = tpu.matmul %max3A_14, %get3A_17, %dot_general3A {dimension_numbers = #tpu.dot_dimension_numbers<[1], [0], [0], [1], [0, 0, 1, 1], [], []>, transpose_lhs_hint = false} : vector<1000x128xf32>, vector<128x64xf32>, vector<1000x64xf32> -> vector<1000x64xf32>
    %get3A_19 = arith.constant 0 : index
    %get3A_20 = arith.constant 0 : index
    %get3A_21 = vector.load %arg7[%get3A_19, %get3A_20] : memref<1x64xf32, #tpu.memory_space<vmem>>, vector<1x64xf32>
    %add3A_22 = vector.broadcast %get3A_21 : vector<1x64xf32> to vector<1000x64xf32>
    %add3A_23 = arith.addf %dot_general3A_18, %add3A_22 : vector<1000x64xf32>
    %swap3A = arith.constant 0 : index
    %swap3A_24 = arith.constant 0 : index
    %swap3A_25 = vector.load %arg8[%swap3A, %swap3A_24] : memref<1000x64xf32, #tpu.memory_space<vmem>>, vector<1000x64xf32>
    tpu.vector_store %arg8[%swap3A, %swap3A_24], %add3A_23 {strides = array<i32>} : memref<1000x64xf32, #tpu.memory_space<vmem>>, vector<1000x64xf32>,
    %get3A_26 = arith.constant 0 : index
    %get3A_27 = arith.constant 0 : index
    %get3A_28 = vector.load %arg6[%get3A_26, %get3A_27] : memref<128x64xf32, #tpu.memory_space<vmem>>, vector<128x64xf32>
    %dot_general3A_29 = arith.constant dense<0.000000e+00> : vector<1000x64xf32>
    %dot_general3A_30 = tpu.matmul %max3A_14, %get3A_28, %dot_general3A_29 {dimension_numbers = #tpu.dot_dimension_numbers<[1], [0], [0], [1], [0, 0, 1, 1], [], []>, transpose_lhs_hint = false} : vector<1000x128xf32>, vector<128x64xf32>, vector<1000x64xf32> -> vector<1000x64xf32>
    %swap3A_31 = arith.constant 0 : index
    %swap3A_32 = arith.constant 0 : index
    %swap3A_33 = vector.load %arg9[%swap3A_31, %swap3A_32] : memref<1000x64xf32, #tpu.memory_space<vmem>>, vector<1000x64xf32>
    tpu.vector_store %arg9[%swap3A_31, %swap3A_32], %dot_general3A_30 {strides = array<i32>} : memref<1000x64xf32, #tpu.memory_space<vmem>>, vector<1000x64xf32>,
    return
  }
  func.func @transform_0(%arg0: i32) -> (i32, i32) {
    %c0_i32 = arith.constant 0 : i32
    %c0_i32_0 = arith.constant 0 : i32
    return %arg0, %c0_i32 : i32, i32
  }
  func.func @transform_1(%arg0: i32) -> (i32, i32) {
    %c0_i32 = arith.constant 0 : i32
    %c0_i32_0 = arith.constant 0 : i32
    return %arg0, %c0_i32 : i32, i32
  }
  func.func @transform_2(%arg0: i32) -> (i32, i32) {
    %add3A = arith.constant 10 : i32
    %add3A_0 = arith.addi %arg0, %add3A : i32
    %c0_i32 = arith.constant 0 : i32
    %c0_i32_1 = arith.constant 0 : i32
    return %add3A_0, %c0_i32 : i32, i32
  }
  func.func @transform_3(%arg0: i32) -> (i32, i32) {
    %c0_i32 = arith.constant 0 : i32
    %c0_i32_0 = arith.constant 0 : i32
    return %arg0, %c0_i32 : i32, i32
  }
  func.func @transform_4(%arg0: i32) -> (i32, i32) {
    %c0_i32 = arith.constant 0 : i32
    %c0_i32_0 = arith.constant 0 : i32
    %c0_i32_1 = arith.constant 0 : i32
    return %c0_i32, %c0_i32_0 : i32, i32
  }
  func.func @transform_5(%arg0: i32) -> (i32, i32) {
    %c0_i32 = arith.constant 0 : i32
    %c0_i32_0 = arith.constant 0 : i32
    %c0_i32_1 = arith.constant 0 : i32
    return %c0_i32, %c0_i32_0 : i32, i32
  }
  func.func @transform_6(%arg0: i32) -> (i32, i32) {
    %c0_i32 = arith.constant 0 : i32
    %c0_i32_0 = arith.constant 0 : i32
    %c0_i32_1 = arith.constant 0 : i32
    return %c0_i32, %c0_i32_0 : i32, i32
  }
  func.func @transform_7(%arg0: i32) -> (i32, i32) {
    %c0_i32 = arith.constant 0 : i32
    %c0_i32_0 = arith.constant 0 : i32
    return %arg0, %c0_i32 : i32, i32
  }
  func.func @transform_8(%arg0: i32) -> (i32, i32) {
    %c0_i32 = arith.constant 0 : i32
    %c0_i32_0 = arith.constant 0 : i32
    return %arg0, %c0_i32 : i32, i32
  }
}

module attributes {stable_mosaic.version = 14 : i64} {
  func.func @body(%arg0: i32, %arg1: memref<1000x64xf32, #tpu.memory_space<vmem>>, %arg2: memref<1000x64xf32, #tpu.memory_space<vmem>>, %arg3: memref<1000x64xf32, #tpu.memory_space<vmem>>, %arg4: memref<1000x1xf32, #tpu.memory_space<vmem>>, %arg5: memref<1000x47xf32, #tpu.memory_space<vmem>>) attributes {dimension_semantics = [#tpu.dimension_semantics<arbitrary>], iteration_bounds = array<i64: 10>, scalar_prefetch = 0 : i64, scratch_operands = 0 : i64, tpu.core_type = #tpu.core_type<tc>, window_params = [{transform_indices = @transform_0, window_bounds = array<i64: 1000, 64>}, {transform_indices = @transform_1, window_bounds = array<i64: 1000, 64>}, {transform_indices = @transform_2, window_bounds = array<i64: 1000, 64>}, {transform_indices = @transform_3, window_bounds = array<i64: 1000, 1>}, {transform_indices = @transform_4, window_bounds = array<i64: 1000, 47>}]} {
    %get3A = arith.constant 0 : index
    %get3A_0 = arith.constant 0 : index
    %get3A_1 = vector.load %arg1[%get3A, %get3A_0] : memref<1000x64xf32, #tpu.memory_space<vmem>>, vector<1000x64xf32>
    %get3A_2 = arith.constant 0 : index
    %get3A_3 = arith.constant 0 : index
    %get3A_4 = vector.load %arg2[%get3A_2, %get3A_3] : memref<1000x64xf32, #tpu.memory_space<vmem>>, vector<1000x64xf32>
    %get3A_5 = arith.constant 0 : index
    %get3A_6 = arith.constant 0 : index
    %get3A_7 = vector.load %arg3[%get3A_5, %get3A_6] : memref<1000x64xf32, #tpu.memory_space<vmem>>, vector<1000x64xf32>
    %add3A = arith.addf %get3A_4, %get3A_7 : vector<1000x64xf32>
    %get3A_8 = arith.constant 0 : index
    %get3A_9 = arith.constant 0 : index
    %get3A_10 = vector.load %arg4[%get3A_8, %get3A_9] : memref<1000x1xf32, #tpu.memory_space<vmem>>, vector<1000x1xf32>
    %div3A = vector.broadcast %get3A_10 : vector<1000x1xf32> to vector<1000x64xf32>
    %div3A_11 = arith.divf %add3A, %div3A : vector<1000x64xf32>
    %add3A_12 = arith.addf %get3A_1, %div3A_11 : vector<1000x64xf32>
    %slice3A = vector.extract_strided_slice %add3A_12 {offsets = [0, 0], sizes = [1000, 47], strides = [1, 1]} : vector<1000x64xf32> to vector<1000x47xf32>
    %swap3A = arith.constant 0 : index
    %swap3A_13 = arith.constant 0 : index
    %swap3A_14 = vector.load %arg5[%swap3A, %swap3A_13] : memref<1000x47xf32, #tpu.memory_space<vmem>>, vector<1000x47xf32>
    tpu.vector_store %arg5[%swap3A, %swap3A_13], %slice3A {strides = array<i32>} : memref<1000x47xf32, #tpu.memory_space<vmem>>, vector<1000x47xf32>,
    return
  }
  func.func @transform_0(%arg0: i32) -> (i32, i32) {
    %c0_i32 = arith.constant 0 : i32
    %c0_i32_0 = arith.constant 0 : i32
    return %arg0, %c0_i32 : i32, i32
  }
  func.func @transform_1(%arg0: i32) -> (i32, i32) {
    %c0_i32 = arith.constant 0 : i32
    %c0_i32_0 = arith.constant 0 : i32
    return %arg0, %c0_i32 : i32, i32
  }
  func.func @transform_2(%arg0: i32) -> (i32, i32) {
    %add3A = arith.constant 10 : i32
    %add3A_0 = arith.addi %arg0, %add3A : i32
    %c0_i32 = arith.constant 0 : i32
    %c0_i32_1 = arith.constant 0 : i32
    return %add3A_0, %c0_i32 : i32, i32
  }
  func.func @transform_3(%arg0: i32) -> (i32, i32) {
    %c0_i32 = arith.constant 0 : i32
    %c0_i32_0 = arith.constant 0 : i32
    return %arg0, %c0_i32 : i32, i32
  }
  func.func @transform_4(%arg0: i32) -> (i32, i32) {
    %c0_i32 = arith.constant 0 : i32
    %c0_i32_0 = arith.constant 0 : i32
    return %arg0, %c0_i32 : i32, i32
  }
}

</mosaic_0001>

<sc_bundles>
// kernel: kernel.12.cloned.1.call-start
scs
__scs_entry_jumppad:
0x0: {  	(pc) =	sbr.rel $0x88, $3  }
0x1: {  	(tag) =	ssettag $0x0;
	lr =	simm.s32 $0x1  }
0x2: {  	[smem:$0x3F95] =	sst lr;
	_ =	strace $0xD0000000  }
0x3: {  	_ = 	snop  }
0x4: {  	_ = 	snop  }
0x5: {  	_ = 	snop  }
0x6: {  	_ = 	snop  }
0x7: {  	_ = 	snop  }
__scs_overlays_trampoline_lowered:
0x8: {  	[smem:$0x3FA4] =	sst s0  }
0x9: {  	[smem:$0x3FA5] =	sst s1  }
0xa: {  	[smem:$0x3FA6] =	sst s2  }
0xb: {  	[smem:$0x3FA7] =	sst s3  }
0xc: {  	[smem:$0x3FA8] =	sst s4  }
0xd: {  	[smem:$0x3FA9] =	sst s5  }
0xe: {  	[smem:$0x3FAA] =	sst s6  }
0xf: {  	[smem:$0x3FAB] =	sst s7  }
0x10: {  	[smem:$0x3FAC] =	sst s8  }
0x11: {  	[smem:$0x3FAD] =	sst s9;
	s0 =	simm.s32 @!p0 $0x0  }
0x12: {  	s1 =	sld [smem:$0x3F93];
	s0 =	simm.s32 @p0 $0x1  }
0x13: {  	[smem:$0x3FAE] =	sst s0;
	s0 =	simm.s32 @!p1 $0x0  }
0x14: {  	s2 =	sld [smem:$0x3F92];
	s0 =	simm.s32 @p1 $0x1  }
0x15: {  	[smem:$0x3FAF] =	sst s0;
	s0 =	simm.s32 @!p2 $0x0  }
0x16: {  	s3 =	sld [smem:$0x3FDB];
	s0 =	simm.s32 @p2 $0x1  }
0x17: {  	s4 =	simm.s32 $0x1BF5;
	[smem:$0x3FB1] =	sst s0  }
0x18: {  	s0 =	sld [smem:$0x3F94];
	_ =	swait.ge [sflag:s4], $0x0  }
0x19: {  	s7 =	sld [smem:$0x3F95]  }
0x1a: {  	s8 =	sadd.s32 $0xFFFFE003, lr  }
0x1b: {  	s9 =	sadd.s32 $0xFFFFFEF7, lr;
	s5 =	simm.s32 $0xFFFFFFFF;
	p2 =	slt.u32 s8, $0xFFFFF086  }
0x1c: {  	p1 =	slt.u32 s9, $0xF7A;
	s5 =	simm.s32 @!p2 $0x0  }
0x1d: {  	s5 =	simm.s32 @p1 $0x1;
	p0 =	seq.s32 s7, s2  }
0x1e: {  	s7 =	smul.u32 @!p0 $0xF7A, s2;
	p2 =	seq.s32 @!p0 s5, $0x0  }
0x1f: {  	s9 =	smul.u32 $0xF7A, s1;
	s8 =	simm.s32 @!p0 $0x1BF5;
	p2 =	por !p2, p0  }
0x20: {  	[sflag:s8] =	ssyncset.s32 @!p0 $0xFFFFF086;
	s6 =	sadd.s32 @!p0 s3, s7;
	s7 =	simm.s32 @!p0 $0x108  }
0x21: {  	s3 =	sadd.s32 s3, s9;
	s6 =	sadd.s32 @!p0 $0x88, s6;
	s7 =	simm.s32 @p2 $0x1082  }
0x22: {  	[simem:s7], [sflag:s8] =	dma.local @!p0 [hbm:s6], $0xF7A  }
0x23: {  	s9 =	sor.u32 $0xD0000000, s2;
	s6 =	simm.s32 $0x108;
	_ =	swait.ge @!p0 [sflag:s8], $0x0  }
0x24: {  	s3 =	sadd.s32 $0x88, s3;
	s6 =	simm.s32 @!p1 $0x1082;
	[sflag:s4] =	ssyncset.s32 $0xFFFFF086  }
0x25: {  	[simem:s6], [sflag:s4] =	dma.local [hbm:s3], $0xF7A  }
0x26: {  	[smem:$0x3F95] =	sst s1;
	(tag) =	ssettag s2;
	_ =	strace s9  }
0x27: {  	s1 =	sld [smem:$0x3FA5]  }
0x28: {  	s2 =	sld [smem:$0x3FA6]  }
0x29: {  	s4 =	sld [smem:$0x3FA8]  }
0x2a: {  	p0 =	seq.s32 s5, $0x0;
	s5 =	sld [smem:$0x3FA9]  }
0x2b: {  	s6 =	sld [smem:$0x3FAA]  }
0x2c: {  	s7 =	sld [smem:$0x3FAB]  }
0x2d: {  	s3 =	simm.s32 $0x108;
	s8 =	sld [smem:$0x3FAC]  }
0x2e: {  	s3 =	simm.s32 @!p0 $0x1082;
	s9 =	sld [smem:$0x3FAD]  }
0x2f: {  	lr =	sadd.s32 s0, s3;
	s0 =	sld [smem:$0x3FA4]  }
0x30: {  	s3 =	sld [smem:$0x3FA7]  }
0x31: {  	[smem:$0x3FB0] =	sst s10  }
0x32: {  	s10 =	sld [smem:$0x3FAE];
	_ =	sdelay $0x3  }
0x33: {  	p0 =	seq.s32 s10, $0x1;
	s10 =	sld [smem:$0x3FB0];
	_ =	sdelay $0x3  }
0x34: {  	[smem:$0x3FB0] =	sst s10  }
0x35: {  	s10 =	sld [smem:$0x3FAF];
	_ =	sdelay $0x3  }
0x36: {  	p1 =	seq.s32 s10, $0x1;
	s10 =	sld [smem:$0x3FB0];
	_ =	sdelay $0x3  }
0x37: {  	[smem:$0x3FB0] =	sst s10  }
0x38: {  	s10 =	sld [smem:$0x3FB1]  }
0x39: {  	_ = 	snop;
	(pc) =	sbr.ind lr, $3  }
0x3a: {  	_ = 	snop  }
0x3b: {  	_ = 	snop  }
0x3c: {  	p2 =	seq.s32 s10, $0x1;
	s10 =	sld [smem:$0x3FB0]  }
0x3d: {  	_ =	shalt  }
0x3e: {  	_ =	shalt  }
0x3f: {  	_ =	shalt  }
0x40: {  	_ =	shalt  }
0x41: {  	_ =	shalt  }
0x42: {  	_ =	shalt  }
0x43: {  	_ =	shalt  }
0x44: {  	_ =	shalt  }
0x45: {  	_ =	shalt  }
0x46: {  	_ =	shalt  }
0x47: {  	_ =	shalt  }
0x48: {  	_ =	shalt  }
0x49: {  	_ =	shalt  }
0x4a: {  	_ =	shalt  }
0x4b: {  	_ =	shalt  }
0x4c: {  	_ =	shalt  }
0x4d: {  	_ =	shalt  }
0x4e: {  	_ =	shalt  }
0x4f: {  	_ =	shalt  }
0x50: {  	_ =	shalt  }
0x51: {  	_ =	shalt  }
0x52: {  	_ =	shalt  }
0x53: {  	_ =	shalt  }
0x54: {  	_ =	shalt  }
0x55: {  	_ =	shalt  }
0x56: {  	_ =	shalt  }
0x57: {  	_ =	shalt  }
0x58: {  	_ =	shalt  }
0x59: {  	_ =	shalt  }
0x5a: {  	_ =	shalt  }
0x5b: {  	_ =	shalt  }
0x5c: {  	_ =	shalt  }
0x5d: {  	_ =	shalt  }
0x5e: {  	_ =	shalt  }
0x5f: {  	_ =	shalt  }
0x60: {  	_ =	shalt  }
0x61: {  	_ =	shalt  }
0x62: {  	_ =	shalt  }
0x63: {  	_ =	shalt  }
0x64: {  	_ =	shalt  }
0x65: {  	_ =	shalt  }
0x66: {  	_ =	shalt  }
0x67: {  	_ =	shalt  }
0x68: {  	_ =	shalt  }
0x69: {  	_ =	shalt  }
0x6a: {  	_ =	shalt  }
0x6b: {  	_ =	shalt  }
0x6c: {  	_ =	shalt  }
0x6d: {  	_ =	shalt  }
0x6e: {  	_ =	shalt  }
0x6f: {  	_ =	shalt  }
0x70: {  	_ =	shalt  }
0x71: {  	_ =	shalt  }
0x72: {  	_ =	shalt  }
0x73: {  	_ =	shalt  }
0x74: {  	_ =	shalt  }
0x75: {  	_ =	shalt  }
0x76: {  	_ =	shalt  }
0x77: {  	_ =	shalt  }
0x78: {  	_ =	shalt  }
0x79: {  	_ =	shalt  }
0x7a: {  	_ =	shalt  }
0x7b: {  	_ =	shalt  }
0x7c: {  	_ =	shalt  }
0x7d: {  	_ =	shalt  }
0x7e: {  	_ =	shalt  }
0x7f: {  	_ =	shalt  }
0x80: {  	_ =	shalt  }
0x81: {  	_ =	shalt  }
0x82: {  	_ =	shalt  }
0x83: {  	_ =	shalt  }
0x84: {  	_ =	shalt  }
0x85: {  	_ =	shalt  }
0x86: {  	_ =	shalt  }
0x87: {  	_ =	shalt  }
.Lfunc_end0:
.L_simem_size_0:
called_computation.1_lowered:
.L_overlay_start_0:
0x88: {  	s2 =	sld [smem:$0x3FD9]  }
0x89: {  	s3 =	sld [smem:$0x3FFE];
	_ =	sdelay $0x1  }
0x8a: {  	s1 =	srdreg.scid  }
0x8b: {  	s0 =	sand.u32 $0x1, s1  }
0x8c: {  	s17 =	sshll.u32 s0, $0xA;
	s2 =	sadd.s32 s3, s2  }
0x8d: {  	s2 =	sadd.s32 s2, s17  }
0x8e: {  	[smem:$0x3FBC] =	sst s2  }
0x8f: {  	_ = 	snop  }
0x90: {  	s2 =	sld [smem:$0x3FD0];
	(tm) =	ssettm $0x1  }
0x91: {  	s18 =	sld [smem:$0x3FFB];
	_ =	sdelay $0x3  }
0x92: {  	_ =	strace s18  }
0x93: {  	s3 =	sld [smem:$0x3FFC];
	_ =	sdelay $0x3  }
0x94: {  	_ =	strace s3  }
0x95: {  	s3 =	sld [smem:$0x3FFD];
	_ =	sdelay $0x3  }
0x96: {  	_ =	strace s3  }
0x97: {  	_ =	strace $0x8FFFFFFF  }
0x98: {  	s19 =	sld [smem:$0x3FDB];
	_ =	sdelay $0x1  }
0x99: {  	s4 =	simm.s32 $_scs_section_size  }
0x9a: {  	s5 =	simm.s32 $_size__tile_overlayer_lowered;
	s6 =	simm.s32 $_tile_overlayer_lowered  }
0x9b: {  	s22 =	simm.s32 $0x1BFF;
	s21 =	sshll.u32 s6, $0x1;
	s3 =	sadd.s32 s4, s19  }
0x9c: {  	s7 =	simm.s32 $0x0;
	s20 =	sshll.u32 s5, $0x1;
	s5 =	sadd.s32 s21, s3  }
0x9d: {  	[timem:s7], [sflag:s22] =	dma.local [hbm:s5], s20  }
0x9e: {  	_ =	swait.ge [sflag:s22], s20  }
0x9f: {  	s4 =	ssub.s32 $0x0, s20;
	[sflag:s22] =	ssyncset.done $0x0  }
0xa0: {  	[sflag:s22] =	ssyncadd.s32 s4;
	_ =	sdelay $0x1  }
0xa1: {  	s23 =	simm.s32 $0x1B8B  }
0xa2: {  	_ =	swait.ge [sflag:s23], $0x1  }
0xa3: {  	[sflag:s23] =	ssyncset.done $0x0  }
0xa4: {  	s25 =	simm.s32 $0x1B8E;
	s24 =	sld [smem:$0x3FFE];
	[sflag:s23] =	ssyncadd.s32 $0xFFFFFFFF  }
0xa5: {  	s26 =	simm.s32 $execute0_lowered;
	[smem:$0x3FD2] =	sst s25  }
0xa6: {  	s5 =	sshll.u32 s26, $0x1;
	_ =	strace $0x80000049;
	[dreg:$0x1] =	wrdreg $0xFFFFFFFF  }
0xa7: {  	s28 =	simm.s32 $_size_execute0_lowered;
	s3 =	sadd.s32 s3, s5;
	[dreg:$0x0] =	wrdreg $0x0  }
0xa8: {  	s5 =	sshll.u32 s28, $0x1;
	[dreg:$0x2] =	wrdreg s3  }
0xa9: {  	[dreg:$0x3] =	wrdreg s5  }
0xaa: {  	[dreg:$0x4] =	wrdreg $0xC0  }
0xab: {  	_ =	task [dreg:s7], $0x5FFFF  }
0xac: {  	[dreg:$0x1] =	wrdreg $0xFFFFFFFF  }
0xad: {  	[dreg:$0x0] =	wrdreg $0x60  }
0xae: {  	[dreg:$0x2] =	wrdreg s24  }
0xaf: {  	[dreg:$0x3] =	wrdreg s2  }
0xb0: {  	[dreg:$0x4] =	wrdreg $0x4E200  }
0xb1: {  	[dreg:$0x5] =	wrdreg $0x9  }
0xb2: {  	_ =	task.clear_ibuf [dreg:s7], $0x6FFFF;
	_ =	strace $0x90000049  }
0xb3: {  	s29 =	simm.s32 $0x9;
	_ =	strace $0x8000004B  }
0xb4: {  	_ =	swait.ge [sflag:s29], $0x1  }
0xb5: {  	[sflag:s29] =	ssyncadd.s32 $0xFFFFFFFF  }
0xb6: {  	_ =	strace $0x9000004B  }
0xb7: {  	_ =	sfence  }
0xb8: {  	s30 =	sld [smem:$0x0];
	_ =	sdelay $0x2  }
0xb9: {  	s31 =	sshll.u32 s1, $0xD;
	s1 =	sshrl.u32 s1, $0x2  }
0xba: {  	s3 =	sand.u32 $0x4000, s31;
	s1 =	sadd.s32 s1, s30  }
0xbb: {  	s0 =	sor.u32 s3, s0;
	s1 =	sshll.u32 s1, $0x11  }
0xbc: {  	s0 =	sor.u32 s1, s0  }
0xbd: {  	s0 =	sadd.s32 $0x8F2B, s0  }
0xbe: {  	[sflag:s0] =	ssyncadd.remote.s32 $0x1  }
0xbf: {  	_ =	sfence.sel $0xFFFF  }
0xc0: {  	[dreg:$0x0] =	wrdreg $0xFFFFFFFF;
	(pc) =	sbr.abs _section_cstart, $3  }
0xc1: {  	[dreg:$0x1] =	wrdreg $0xFFFFFFFF  }
0xc2: {  	_ =	task.clear_ibuf [dreg:s7], $0x2FFFF;
	_ =	strace $0x9FFFFFFF  }
0xc3: {  	(tm) =	ssettm $0x7FFFFFFF  }
tec
execute0_lowered:
.L_overlay_start_1:
0x0: {  	(tag) =	ssettag $0x1  }
0x1: {  	s5 =	rddreg [dreg:$0x0]  }
0x2: {  	s0 =	srdreg.scid;
	s6 =	rddreg [dreg:$0x1]  }
0x3: {  	s13 =	stileid.u32;
	s2 =	rddreg [dreg:$0x2];
	s3 =	simm.s32 $0x0  }
0x4: {  	s14 =	simm.s32 $0x1;
	s15 =	simm.s32 $0x2;
	s16 =	simm.s32 $0x3  }
0x5: {  	s17 =	simm.s32 $0x28;
	s18 =	simm.s32 $0x186A0;
	s19 =	simm.s32 $0x19AA0  }
0x6: {  	s21 =	simm.s32 $0x1AEA0;
	s29 =	simm.s32 $0x4;
	s31 =	simm.s32 $0x5  }
0x7: {  	s20 =	simm.s32 $0x7;
	s28 =	simm.s32 $0xB;
	s7 =	smul.u32 $0x13880, s13  }
0x8: {  	s30 =	simm.s32 $0x0;
	s0 =	sand.u32 $0x1, s0;
	s8 =	smul.u32 $0x2710, s13  }
0x9: {  	[smem:$0x7FF] =	sst s3;
	s4 =	sadd.s32 $0xC200, s5;
	s1 =	sshll.u32 s0, $0x4  }
0xa: {  	s9 =	smul.u32 $0x27100, s0;
	_ =	strace $0x8000004A;
	s0 =	ssub.s32 $0x2, s0  }
0xb: {  	s1 =	sor.u32 s13, s1;
	s11 =	sshrl.u32 s7, $0x3;
	s24 =	sshrl.u32 s0, $0x1  }
0xc: {  	s12 =	sadd.s32 s7, s2;
	s1 =	smul.u32 $0x4E2, s1;
	s8 =	sadd.s32 s8, s9  }
0xd: {  	s22 =	sadd.s32 s11, s5;
	s0 =	ssub.s32 s0, s24;
	s12 =	sshrl.u32 s12, $0x3  }
0xe: {  	s24 =	simm.s32 $0x9;
	s23 =	sadd.s32 s8, s5;
	s25 =	sadd.s32 $0x33400, s22  }
0xf: {  	s11 =	smax.u32 s0, $0x1;
	s0 =	simm.s32 $0x6;
	s22 =	simm.s32 $0x8  }
0x10: {  	s10 =	sadd.s32 s1, s5;
	s5 =	sshll.u32 s13, $0x6;
	[dreg:$0x4] =	wrdreg s25  }
0x11: {  	s9 =	sadd.s32 s6, s1;
	s13 =	simm.s32 $0x2710;
	s25 =	simm.s32 $0x1D6A0  }
0x12: {  	s26 =	sor.u32 $0x1C01, s5;
	s8 =	sadd.s32 $0x2400, s10;
	s10 =	sadd.s32 $0x5A600, s23  }
0x13: {  	s23 =	simm.s32 $0x1C2A0;
	[dreg:$0x5] =	wrdreg s26;
	s26 =	simm.s32 $0xA  }
.LBB2_1:
0x14: {  	s1 =	rddreg [dreg:$0x4]  }
0x15: {  	s6 =	rddreg [dreg:$0x5]  }
0x16: {  	[spmem:s12], [sflag:s6] =	dma.local [hbm:s1], $0x2710  }
0x17: {  	[tilespmem:s3], [sflag:$0x2] =	stream.linear.gather [hbm4b:s8+s3], $0x2710, $0x38;
	[tilespmem:$0x1EAA0] =	vst v63  }
0x18: {  	_ = 	snop  }
0x19: {  	[tilespmem:s13], [sflag:$0x3] =	stream.linear.gather [hbm4b:s9+s3], $0x2710, $0x38;
	[tilespmem:$0x1EAA0] =	vst v63  }
0x1a: {  	_ =	swait.ge [sflag:s14], $0x2710  }
0x1b: {  	[sflag:s14] =	ssyncset.done $0x0  }
0x1c: {  	[sflag:s14] =	ssyncadd.s32 $0xFFFFD8F0  }
0x1d: {  	_ =	swait.ge [sflag:s15], $0x2710  }
0x1e: {  	[sflag:s15] =	ssyncset.done $0x0  }
0x1f: {  	[sflag:s15] =	ssyncadd.s32 $0xFFFFD8F0  }
0x20: {  	_ =	swait.ge [sflag:s16], $0x2710  }
0x21: {  	[sflag:s16] =	ssyncset.done $0x0  }
0x22: {  	[sflag:s16] =	ssyncadd.s32 $0xFFFFD8F0  }
0x23: {  	[bflag:$0x0] =	sbarrier.arrive $0xFFFF  }
0x24: {  	[tilespmem:s18], [sflag:$0x1] =	stream.indirect.gather [hbm4b:s4+s17], $0x80, s3, s17, $0xb8;
	[tilespmem:$0x1EAA0] =	vst v63  }
0x25: {  	_ = 	snop  }
0x26: {  	[tilespmem:s19], [sflag:$0x2] =	stream.indirect.gather [hbm4b:s4+s17], $0x80, s17, s17, $0xb8;
	[tilespmem:$0x1EAA0] =	vst v63  }
0x27: {  	s6 =	simm.s32 $0x50  }
0x28: {  	[tilespmem:s21], [sflag:$0x3] =	stream.indirect.gather [hbm4b:s4+s17], $0x80, s6, s17, $0xb8;
	[tilespmem:$0x1EAA0] =	vst v63  }
0x29: {  	s7 =	simm.s32 $0x78  }
0x2a: {  	[tilespmem:s23], [sflag:$0x4] =	stream.indirect.gather [hbm4b:s4+s17], $0x80, s7, s17, $0xb8;
	[tilespmem:$0x1EAA0] =	vst v63  }
0x2b: {  	s6 =	simm.s32 $0xA0  }
0x2c: {  	[tilespmem:s25], [sflag:$0x5] =	stream.indirect.gather [hbm4b:s4+s17], $0x80, s6, s17, $0xb8;
	[tilespmem:$0x1EAA0] =	vst v63  }
0x2d: {  	_ =	swait.ge [sflag:s14], $0x1400  }
0x2e: {  	[sflag:s14] =	ssyncset.done $0x0  }
0x2f: {  	[sflag:s14] =	ssyncadd.s32 $0xFFFFEC00  }
0x30: {  	[spmem:s2] =	stream.indirect.scatter.add.f32 [tilespmem:s18], [sflag:$0x6], $0x80, s13, s17, $0xb8;
	[tilespmem:$0x1EAA0] =	vst v63  }
0x31: {  	_ =	swait.ge [sflag:s15], $0x1400  }
0x32: {  	[sflag:s15] =	ssyncset.done $0x0  }
0x33: {  	s7 =	simm.s32 $0x2738;
	[sflag:s15] =	ssyncadd.s32 $0xFFFFEC00  }
0x34: {  	[spmem:s2] =	stream.indirect.scatter.add.f32 [tilespmem:s19], [sflag:$0x7], $0x80, s7, s17, $0xb8;
	[tilespmem:$0x1EAA0] =	vst v63  }
0x35: {  	_ =	swait.ge [sflag:s16], $0x1400  }
0x36: {  	[sflag:s16] =	ssyncset.done $0x0  }
0x37: {  	s6 =	simm.s32 $0x2760;
	[sflag:s16] =	ssyncadd.s32 $0xFFFFEC00  }
0x38: {  	[spmem:s2] =	stream.indirect.scatter.add.f32 [tilespmem:s21], [sflag:$0x8], $0x80, s6, s17, $0xb8;
	[tilespmem:$0x1EAA0] =	vst v63  }
0x39: {  	_ =	swait.ge [sflag:s29], $0x1400  }
0x3a: {  	[sflag:s29] =	ssyncset.done $0x0  }
0x3b: {  	s7 =	simm.s32 $0x2788;
	[sflag:s29] =	ssyncadd.s32 $0xFFFFEC00  }
0x3c: {  	[spmem:s2] =	stream.indirect.scatter.add.f32 [tilespmem:s23], [sflag:$0x9], $0x80, s7, s17, $0xb8;
	[tilespmem:$0x1EAA0] =	vst v63  }
0x3d: {  	_ =	swait.ge [sflag:s31], $0x1400  }
0x3e: {  	[sflag:s31] =	ssyncset.done $0x0  }
0x3f: {  	s6 =	simm.s32 $0x27B0;
	[sflag:s31] =	ssyncadd.s32 $0xFFFFEC00  }
0x40: {  	[spmem:s2] =	stream.indirect.scatter.add.f32 [tilespmem:s25], [sflag:$0xA], $0x80, s6, s17, $0xb8;
	[tilespmem:$0x1EAA0] =	vst v63  }
0x41: {  	_ =	swait.ge [sflag:s0], $0x1400  }
0x42: {  	[sflag:s0] =	ssyncset.done $0x0  }
0x43: {  	s7 =	simm.s32 $0xC8;
	[sflag:s0] =	ssyncadd.s32 $0xFFFFEC00  }
0x44: {  	[tilespmem:s18], [sflag:$0x1] =	stream.indirect.gather [hbm4b:s4+s17], $0x80, s7, s17, $0xb8;
	[tilespmem:$0x1EAA0] =	vst v63  }
0x45: {  	_ =	swait.ge [sflag:s20], $0x1400  }
0x46: {  	[sflag:s20] =	ssyncset.done $0x0  }
0x47: {  	s6 =	simm.s32 $0xF0;
	[sflag:s20] =	ssyncadd.s32 $0xFFFFEC00  }
0x48: {  	[tilespmem:s19], [sflag:$0x2] =	stream.indirect.gather [hbm4b:s4+s17], $0x80, s6, s17, $0xb8;
	[tilespmem:$0x1EAA0] =	vst v63  }
0x49: {  	_ =	swait.ge [sflag:s22], $0x1400  }
0x4a: {  	[sflag:s22] =	ssyncset.done $0x0  }
0x4b: {  	s7 =	simm.s32 $0x118;
	[sflag:s22] =	ssyncadd.s32 $0xFFFFEC00  }
0x4c: {  	[tilespmem:s21], [sflag:$0x3] =	stream.indirect.gather [hbm4b:s4+s17], $0x80, s7, s17, $0xb8;
	[tilespmem:$0x1EAA0] =	vst v63  }
0x4d: {  	_ =	swait.ge [sflag:s24], $0x1400  }
0x4e: {  	[sflag:s24] =	ssyncset.done $0x0  }
0x4f: {  	s6 =	simm.s32 $0x140;
	[sflag:s24] =	ssyncadd.s32 $0xFFFFEC00  }
0x50: {  	[tilespmem:s23], [sflag:$0x4] =	stream.indirect.gather [hbm4b:s4+s17], $0x80, s6, s17, $0xb8;
	[tilespmem:$0x1EAA0] =	vst v63  }
0x51: {  	_ =	swait.ge [sflag:s26], $0x1400  }
0x52: {  	[sflag:s26] =	ssyncset.done $0x0  }
0x53: {  	s7 =	simm.s32 $0x168;
	[sflag:s26] =	ssyncadd.s32 $0xFFFFEC00  }
0x54: {  	[tilespmem:s25], [sflag:$0x5] =	stream.indirect.gather [hbm4b:s4+s17], $0x80, s7, s17, $0xb8;
	[tilespmem:$0x1EAA0] =	vst v63  }
0x55: {  	_ =	swait.ge [sflag:s14], $0x1400  }
0x56: {  	[sflag:s14] =	ssyncset.done $0x0  }
0x57: {  	s6 =	simm.s32 $0x27D8;
	[sflag:s14] =	ssyncadd.s32 $0xFFFFEC00  }
0x58: {  	[spmem:s2] =	stream.indirect.scatter.add.f32 [tilespmem:s18], [sflag:$0x6], $0x80, s6, s17, $0xb8;
	[tilespmem:$0x1EAA0] =	vst v63  }
0x59: {  	_ =	swait.ge [sflag:s15], $0x1400  }
0x5a: {  	[sflag:s15] =	ssyncset.done $0x0  }
0x5b: {  	s7 =	simm.s32 $0x2800;
	[sflag:s15] =	ssyncadd.s32 $0xFFFFEC00  }
0x5c: {  	[spmem:s2] =	stream.indirect.scatter.add.f32 [tilespmem:s19], [sflag:$0x7], $0x80, s7, s17, $0xb8;
	[tilespmem:$0x1EAA0] =	vst v63  }
0x5d: {  	_ =	swait.ge [sflag:s16], $0x1400  }
0x5e: {  	[sflag:s16] =	ssyncset.done $0x0  }
0x5f: {  	s6 =	simm.s32 $0x2828;
	[sflag:s16] =	ssyncadd.s32 $0xFFFFEC00  }
0x60: {  	[spmem:s2] =	stream.indirect.scatter.add.f32 [tilespmem:s21], [sflag:$0x8], $0x80, s6, s17, $0xb8;
	[tilespmem:$0x1EAA0] =	vst v63  }
0x61: {  	_ =	swait.ge [sflag:s29], $0x1400  }
0x62: {  	[sflag:s29] =	ssyncset.done $0x0  }
0x63: {  	s7 =	simm.s32 $0x2850;
	[sflag:s29] =	ssyncadd.s32 $0xFFFFEC00  }
0x64: {  	[spmem:s2] =	stream.indirect.scatter.add.f32 [tilespmem:s23], [sflag:$0x9], $0x80, s7, s17, $0xb8;
	[tilespmem:$0x1EAA0] =	vst v63  }
0x65: {  	_ =	swait.ge [sflag:s31], $0x1400  }
0x66: {  	[sflag:s31] =	ssyncset.done $0x0  }
0x67: {  	s1 =	simm.s32 $0x320;
	s6 =	simm.s32 $0x2878;
	[sflag:s31] =	ssyncadd.s32 $0xFFFFEC00  }
.LBB2_2:
0x68: {  	[spmem:s2] =	stream.indirect.scatter.add.f32 [tilespmem:s25], [sflag:$0xA], $0x80, s6, s17, $0xb8;
	[tilespmem:$0x1EAA0] =	vst v63  }
0x69: {  	s6 =	smov.u32 s1  }
0x6a: {  	p0 =	sne.s32 s1, $0x9600;
	s1 =	sadd.s32 $0x320, s1;
	_ =	swait.ge [sflag:s0], $0x1400  }
0x6b: {  	s6 =	sshra.s32 s6, $0x2;
	[sflag:s0] =	ssyncset.done $0x0  }
0x6c: {  	s7 =	sadd.s32 $0xC8, s6;
	[sflag:s0] =	ssyncadd.s32 $0xFFFFEC00  }
0x6d: {  	[tilespmem:s18], [sflag:$0x1] =	stream.indirect.gather [hbm4b:s4+s17], $0x80, s7, s17, $0xb8;
	[tilespmem:$0x1EAA0] =	vst v63  }
0x6e: {  	_ =	swait.ge [sflag:s20], $0x1400  }
0x6f: {  	[sflag:s20] =	ssyncset.done $0x0  }
0x70: {  	s7 =	sadd.s32 $0xF0, s6;
	[sflag:s20] =	ssyncadd.s32 $0xFFFFEC00  }
0x71: {  	[tilespmem:s19], [sflag:$0x2] =	stream.indirect.gather [hbm4b:s4+s17], $0x80, s7, s17, $0xb8;
	[tilespmem:$0x1EAA0] =	vst v63  }
0x72: {  	_ =	swait.ge [sflag:s22], $0x1400  }
0x73: {  	[sflag:s22] =	ssyncset.done $0x0  }
0x74: {  	s7 =	sadd.s32 $0x118, s6;
	[sflag:s22] =	ssyncadd.s32 $0xFFFFEC00  }
0x75: {  	[tilespmem:s21], [sflag:$0x3] =	stream.indirect.gather [hbm4b:s4+s17], $0x80, s7, s17, $0xb8;
	[tilespmem:$0x1EAA0] =	vst v63  }
0x76: {  	_ =	swait.ge [sflag:s24], $0x1400  }
0x77: {  	[sflag:s24] =	ssyncset.done $0x0  }
0x78: {  	s7 =	sadd.s32 $0x140, s6;
	[sflag:s24] =	ssyncadd.s32 $0xFFFFEC00  }
0x79: {  	[tilespmem:s23], [sflag:$0x4] =	stream.indirect.gather [hbm4b:s4+s17], $0x80, s7, s17, $0xb8;
	[tilespmem:$0x1EAA0] =	vst v63  }
0x7a: {  	_ =	swait.ge [sflag:s26], $0x1400  }
0x7b: {  	[sflag:s26] =	ssyncset.done $0x0  }
0x7c: {  	s7 =	sadd.s32 $0x168, s6;
	[sflag:s26] =	ssyncadd.s32 $0xFFFFEC00  }
0x7d: {  	[tilespmem:s25], [sflag:$0x5] =	stream.indirect.gather [hbm4b:s4+s17], $0x80, s7, s17, $0xb8;
	[tilespmem:$0x1EAA0] =	vst v63  }
0x7e: {  	_ =	swait.ge [sflag:s14], $0x1400  }
0x7f: {  	[sflag:s14] =	ssyncset.done $0x0  }
0x80: {  	s7 =	sadd.s32 $0x27D8, s6;
	[sflag:s14] =	ssyncadd.s32 $0xFFFFEC00  }
0x81: {  	[spmem:s2] =	stream.indirect.scatter.add.f32 [tilespmem:s18], [sflag:$0x6], $0x80, s7, s17, $0xb8;
	[tilespmem:$0x1EAA0] =	vst v63  }
0x82: {  	_ =	swait.ge [sflag:s15], $0x1400  }
0x83: {  	[sflag:s15] =	ssyncset.done $0x0  }
0x84: {  	s7 =	sadd.s32 $0x2800, s6;
	[sflag:s15] =	ssyncadd.s32 $0xFFFFEC00  }
0x85: {  	[spmem:s2] =	stream.indirect.scatter.add.f32 [tilespmem:s19], [sflag:$0x7], $0x80, s7, s17, $0xb8;
	[tilespmem:$0x1EAA0] =	vst v63  }
0x86: {  	_ =	swait.ge [sflag:s16], $0x1400  }
0x87: {  	[sflag:s16] =	ssyncset.done $0x0  }
0x88: {  	s7 =	sadd.s32 $0x2828, s6;
	[sflag:s16] =	ssyncadd.s32 $0xFFFFEC00  }
0x89: {  	[spmem:s2] =	stream.indirect.scatter.add.f32 [tilespmem:s21], [sflag:$0x8], $0x80, s7, s17, $0xb8;
	[tilespmem:$0x1EAA0] =	vst v63  }
0x8a: {  	_ =	swait.ge [sflag:s29], $0x1400  }
0x8b: {  	[sflag:s29] =	ssyncset.done $0x0  }
.Ltmp0:
0x8c: {  	s7 =	sadd.s32 $0x2850, s6;
	[sflag:s29] =	ssyncadd.s32 $0xFFFFEC00;
	(pc) =	sbr.rel @p0 .LBB2_2-.Ltmp0, $4  }
0x8d: {  	[spmem:s2] =	stream.indirect.scatter.add.f32 [tilespmem:s23], [sflag:$0x9], $0x80, s7, s17, $0xb8;
	[tilespmem:$0x1EAA0] =	vst v63  }
0x8e: {  	_ =	swait.ge [sflag:s31], $0x1400  }
0x8f: {  	[sflag:s31] =	ssyncset.done $0x0  }
0x90: {  	s6 =	sadd.s32 $0x2878, s6;
	[sflag:s31] =	ssyncadd.s32 $0xFFFFEC00  }
0x91: {  	[spmem:s2] =	stream.indirect.scatter.add.f32 [tilespmem:s25], [sflag:$0xA], $0x80, s6, s17, $0xb8;
	[tilespmem:$0x1EAA0] =	vst v63  }
0x92: {  	_ =	swait.ge [sflag:s0], $0x1400  }
0x93: {  	[sflag:s0] =	ssyncset.done $0x0  }
0x94: {  	[sflag:s0] =	ssyncadd.s32 $0xFFFFEC00  }
0x95: {  	_ =	swait.ge [sflag:s20], $0x1400  }
0x96: {  	[sflag:s20] =	ssyncset.done $0x0  }
0x97: {  	[sflag:s20] =	ssyncadd.s32 $0xFFFFEC00  }
0x98: {  	_ =	swait.ge [sflag:s22], $0x1400  }
0x99: {  	[sflag:s22] =	ssyncset.done $0x0  }
0x9a: {  	[sflag:s22] =	ssyncadd.s32 $0xFFFFEC00  }
0x9b: {  	_ =	swait.ge [sflag:s24], $0x1400  }
0x9c: {  	[sflag:s24] =	ssyncset.done $0x0  }
0x9d: {  	[sflag:s24] =	ssyncadd.s32 $0xFFFFEC00  }
0x9e: {  	_ =	swait.ge [sflag:s26], $0x1400  }
0x9f: {  	s30 =	sadd.s32 $0x1, s30;
	[sflag:s26] =	ssyncset.done $0x0  }
0xa0: {  	p0 =	sne.s32 s30, s11;
	[sflag:s26] =	ssyncadd.s32 $0xFFFFEC00  }
.Ltmp1:
0xa1: {  	s1 =	sor.u32 $0x1C0B, s5;
	[bflag:$0x0] =	sbarrier.arrive $0xFFFF;
	(pc) =	sbr.rel @p0 .LBB2_1-.Ltmp1, $4  }
0xa2: {  	[hbm:s10], [sflag:s1] =	dma.local [spmem:s12], $0x2710  }
0xa3: {  	_ =	swait.ge [sflag:s28], $0x2710  }
0xa4: {  	[sflag:s28] =	ssyncset.done $0x0  }
0xa5: {  	[sflag:s28] =	ssyncadd.s32 $0xFFFFD8F0  }
0xa6: {  	_ =	sfence.sel $0x180000  }
0xa7: {  	[bflag:$0x0] =	sbarrier.arrive $0xFFFF  }
0xa8: {  	_ =	strace $0x9000004A  }
0xa9: {  	s0 =	stileid.u32;
	[bflag:$0x2] =	sbarrier.arrive $0xFFFF  }
0xaa: {  	p0 =	sne.s32 s0, $0x0;
	s0 =	rddreg [dreg:$0x3]  }
0xab: {  	s0 =	sadd.s32 @!p0 $0x100000, s0  }
0xac: {  	[sflag:s0] =	ssyncadd.tile.s32 @!p0 $0x1;
	_ =	shalt  }
.Lfunc_end2:
_tile_overlayer_lowered:
.L_overlay_start_2:
0xad: {  	(tag) =	ssettag $0x2  }
0xae: {  	s0 =	rddreg [dreg:$0x0];
	s2 =	stileid.u32  }
0xaf: {  	s1 =	rddreg [dreg:$0x1];
	p0 =	sne.s32 s2, $0x0  }
0xb0: {  	s3 =	rddreg [dreg:$0x2];
	[bflag:$0x3] =	sbarrier.arrive $0xFFFF;
	s2 =	simm.s32 @!p0 $0x1C0B  }
0xb1: {  	[timem:s3], [sflag:s2] =	dma.local @!p0 [hbm:s0], s1  }
0xb2: {  	s0 =	simm.s32 @!p0 $0xB  }
0xb3: {  	_ =	swait.ge @!p0 [sflag:s0], s1  }
0xb4: {  	s1 =	ssub.s32 @!p0 $0x0, s1;
	[sflag:s0] =	ssyncset.done @!p0 $0x0  }
0xb5: {  	[sflag:s0] =	ssyncadd.s32 @!p0 s1  }
0xb6: {  	[bflag:$0x3] =	sbarrier.arrive $0xFFFF  }
0xb7: {  	_ =	shalt  }

// kernel: kernel.15.cloned.1.call-start
scs
__scs_entry_jumppad:
0x0: {  	(pc) =	sbr.rel $0x88, $3  }
0x1: {  	(tag) =	ssettag $0x0;
	lr =	simm.s32 $0x1  }
0x2: {  	[smem:$0x3F95] =	sst lr;
	_ =	strace $0xD0000000  }
0x3: {  	_ = 	snop  }
0x4: {  	_ = 	snop  }
0x5: {  	_ = 	snop  }
0x6: {  	_ = 	snop  }
0x7: {  	_ = 	snop  }
__scs_overlays_trampoline_lowered:
0x8: {  	[smem:$0x3FA4] =	sst s0  }
0x9: {  	[smem:$0x3FA5] =	sst s1  }
0xa: {  	[smem:$0x3FA6] =	sst s2  }
0xb: {  	[smem:$0x3FA7] =	sst s3  }
0xc: {  	[smem:$0x3FA8] =	sst s4  }
0xd: {  	[smem:$0x3FA9] =	sst s5  }
0xe: {  	[smem:$0x3FAA] =	sst s6  }
0xf: {  	[smem:$0x3FAB] =	sst s7  }
0x10: {  	[smem:$0x3FAC] =	sst s8  }
0x11: {  	[smem:$0x3FAD] =	sst s9;
	s0 =	simm.s32 @!p0 $0x0  }
0x12: {  	s1 =	sld [smem:$0x3F93];
	s0 =	simm.s32 @p0 $0x1  }
0x13: {  	[smem:$0x3FAE] =	sst s0;
	s0 =	simm.s32 @!p1 $0x0  }
0x14: {  	s2 =	sld [smem:$0x3F92];
	s0 =	simm.s32 @p1 $0x1  }
0x15: {  	[smem:$0x3FAF] =	sst s0;
	s0 =	simm.s32 @!p2 $0x0  }
0x16: {  	s3 =	sld [smem:$0x3FDB];
	s0 =	simm.s32 @p2 $0x1  }
0x17: {  	s4 =	simm.s32 $0x1BF5;
	[smem:$0x3FB1] =	sst s0  }
0x18: {  	s0 =	sld [smem:$0x3F94];
	_ =	swait.ge [sflag:s4], $0x0  }
0x19: {  	s7 =	sld [smem:$0x3F95]  }
0x1a: {  	s8 =	sadd.s32 $0xFFFFE003, lr  }
0x1b: {  	s9 =	sadd.s32 $0xFFFFFEF7, lr;
	s5 =	simm.s32 $0xFFFFFFFF;
	p2 =	slt.u32 s8, $0xFFFFF086  }
0x1c: {  	p1 =	slt.u32 s9, $0xF7A;
	s5 =	simm.s32 @!p2 $0x0  }
0x1d: {  	s5 =	simm.s32 @p1 $0x1;
	p0 =	seq.s32 s7, s2  }
0x1e: {  	s7 =	smul.u32 @!p0 $0xF7A, s2;
	p2 =	seq.s32 @!p0 s5, $0x0  }
0x1f: {  	s9 =	smul.u32 $0xF7A, s1;
	s8 =	simm.s32 @!p0 $0x1BF5;
	p2 =	por !p2, p0  }
0x20: {  	[sflag:s8] =	ssyncset.s32 @!p0 $0xFFFFF086;
	s6 =	sadd.s32 @!p0 s3, s7;
	s7 =	simm.s32 @!p0 $0x108  }
0x21: {  	s3 =	sadd.s32 s3, s9;
	s6 =	sadd.s32 @!p0 $0x88, s6;
	s7 =	simm.s32 @p2 $0x1082  }
0x22: {  	[simem:s7], [sflag:s8] =	dma.local @!p0 [hbm:s6], $0xF7A  }
0x23: {  	s9 =	sor.u32 $0xD0000000, s2;
	s6 =	simm.s32 $0x108;
	_ =	swait.ge @!p0 [sflag:s8], $0x0  }
0x24: {  	s3 =	sadd.s32 $0x88, s3;
	s6 =	simm.s32 @!p1 $0x1082;
	[sflag:s4] =	ssyncset.s32 $0xFFFFF086  }
0x25: {  	[simem:s6], [sflag:s4] =	dma.local [hbm:s3], $0xF7A  }
0x26: {  	[smem:$0x3F95] =	sst s1;
	(tag) =	ssettag s2;
	_ =	strace s9  }
0x27: {  	s1 =	sld [smem:$0x3FA5]  }
0x28: {  	s2 =	sld [smem:$0x3FA6]  }
0x29: {  	s4 =	sld [smem:$0x3FA8]  }
0x2a: {  	p0 =	seq.s32 s5, $0x0;
	s5 =	sld [smem:$0x3FA9]  }
0x2b: {  	s6 =	sld [smem:$0x3FAA]  }
0x2c: {  	s7 =	sld [smem:$0x3FAB]  }
0x2d: {  	s3 =	simm.s32 $0x108;
	s8 =	sld [smem:$0x3FAC]  }
0x2e: {  	s3 =	simm.s32 @!p0 $0x1082;
	s9 =	sld [smem:$0x3FAD]  }
0x2f: {  	lr =	sadd.s32 s0, s3;
	s0 =	sld [smem:$0x3FA4]  }
0x30: {  	s3 =	sld [smem:$0x3FA7]  }
0x31: {  	[smem:$0x3FB0] =	sst s10  }
0x32: {  	s10 =	sld [smem:$0x3FAE];
	_ =	sdelay $0x3  }
0x33: {  	p0 =	seq.s32 s10, $0x1;
	s10 =	sld [smem:$0x3FB0];
	_ =	sdelay $0x3  }
0x34: {  	[smem:$0x3FB0] =	sst s10  }
0x35: {  	s10 =	sld [smem:$0x3FAF];
	_ =	sdelay $0x3  }
0x36: {  	p1 =	seq.s32 s10, $0x1;
	s10 =	sld [smem:$0x3FB0];
	_ =	sdelay $0x3  }
0x37: {  	[smem:$0x3FB0] =	sst s10  }
0x38: {  	s10 =	sld [smem:$0x3FB1]  }
0x39: {  	_ = 	snop;
	(pc) =	sbr.ind lr, $3  }
0x3a: {  	_ = 	snop  }
0x3b: {  	_ = 	snop  }
0x3c: {  	p2 =	seq.s32 s10, $0x1;
	s10 =	sld [smem:$0x3FB0]  }
0x3d: {  	_ =	shalt  }
0x3e: {  	_ =	shalt  }
0x3f: {  	_ =	shalt  }
0x40: {  	_ =	shalt  }
0x41: {  	_ =	shalt  }
0x42: {  	_ =	shalt  }
0x43: {  	_ =	shalt  }
0x44: {  	_ =	shalt  }
0x45: {  	_ =	shalt  }
0x46: {  	_ =	shalt  }
0x47: {  	_ =	shalt  }
0x48: {  	_ =	shalt  }
0x49: {  	_ =	shalt  }
0x4a: {  	_ =	shalt  }
0x4b: {  	_ =	shalt  }
0x4c: {  	_ =	shalt  }
0x4d: {  	_ =	shalt  }
0x4e: {  	_ =	shalt  }
0x4f: {  	_ =	shalt  }
0x50: {  	_ =	shalt  }
0x51: {  	_ =	shalt  }
0x52: {  	_ =	shalt  }
0x53: {  	_ =	shalt  }
0x54: {  	_ =	shalt  }
0x55: {  	_ =	shalt  }
0x56: {  	_ =	shalt  }
0x57: {  	_ =	shalt  }
0x58: {  	_ =	shalt  }
0x59: {  	_ =	shalt  }
0x5a: {  	_ =	shalt  }
0x5b: {  	_ =	shalt  }
0x5c: {  	_ =	shalt  }
0x5d: {  	_ =	shalt  }
0x5e: {  	_ =	shalt  }
0x5f: {  	_ =	shalt  }
0x60: {  	_ =	shalt  }
0x61: {  	_ =	shalt  }
0x62: {  	_ =	shalt  }
0x63: {  	_ =	shalt  }
0x64: {  	_ =	shalt  }
0x65: {  	_ =	shalt  }
0x66: {  	_ =	shalt  }
0x67: {  	_ =	shalt  }
0x68: {  	_ =	shalt  }
0x69: {  	_ =	shalt  }
0x6a: {  	_ =	shalt  }
0x6b: {  	_ =	shalt  }
0x6c: {  	_ =	shalt  }
0x6d: {  	_ =	shalt  }
0x6e: {  	_ =	shalt  }
0x6f: {  	_ =	shalt  }
0x70: {  	_ =	shalt  }
0x71: {  	_ =	shalt  }
0x72: {  	_ =	shalt  }
0x73: {  	_ =	shalt  }
0x74: {  	_ =	shalt  }
0x75: {  	_ =	shalt  }
0x76: {  	_ =	shalt  }
0x77: {  	_ =	shalt  }
0x78: {  	_ =	shalt  }
0x79: {  	_ =	shalt  }
0x7a: {  	_ =	shalt  }
0x7b: {  	_ =	shalt  }
0x7c: {  	_ =	shalt  }
0x7d: {  	_ =	shalt  }
0x7e: {  	_ =	shalt  }
0x7f: {  	_ =	shalt  }
0x80: {  	_ =	shalt  }
0x81: {  	_ =	shalt  }
0x82: {  	_ =	shalt  }
0x83: {  	_ =	shalt  }
0x84: {  	_ =	shalt  }
0x85: {  	_ =	shalt  }
0x86: {  	_ =	shalt  }
0x87: {  	_ =	shalt  }
.Lfunc_end0:
.L_simem_size_0:
called_computation.2_lowered:
.L_overlay_start_0:
0x88: {  	s2 =	sld [smem:$0x3FD9]  }
0x89: {  	s3 =	sld [smem:$0x3FFE];
	_ =	sdelay $0x1  }
0x8a: {  	s1 =	srdreg.scid  }
0x8b: {  	s0 =	sand.u32 $0x1, s1  }
0x8c: {  	s17 =	sshll.u32 s0, $0xA;
	s2 =	sadd.s32 s3, s2  }
0x8d: {  	s2 =	sadd.s32 s2, s17  }
0x8e: {  	[smem:$0x3FBC] =	sst s2  }
0x8f: {  	_ = 	snop  }
0x90: {  	s2 =	sld [smem:$0x3FD0];
	(tm) =	ssettm $0x1  }
0x91: {  	s18 =	sld [smem:$0x3FFB];
	_ =	sdelay $0x3  }
0x92: {  	_ =	strace s18  }
0x93: {  	s3 =	sld [smem:$0x3FFC];
	_ =	sdelay $0x3  }
0x94: {  	_ =	strace s3  }
0x95: {  	s3 =	sld [smem:$0x3FFD];
	_ =	sdelay $0x3  }
0x96: {  	_ =	strace s3  }
0x97: {  	_ =	strace $0x8FFFFFFF  }
0x98: {  	s19 =	sld [smem:$0x3FDB];
	_ =	sdelay $0x1  }
0x99: {  	s4 =	simm.s32 $_scs_section_size  }
0x9a: {  	s5 =	simm.s32 $_size__tile_overlayer_lowered;
	s6 =	simm.s32 $_tile_overlayer_lowered  }
0x9b: {  	s22 =	simm.s32 $0x1BFF;
	s21 =	sshll.u32 s6, $0x1;
	s3 =	sadd.s32 s4, s19  }
0x9c: {  	s7 =	simm.s32 $0x0;
	s20 =	sshll.u32 s5, $0x1;
	s5 =	sadd.s32 s21, s3  }
0x9d: {  	[timem:s7], [sflag:s22] =	dma.local [hbm:s5], s20  }
0x9e: {  	_ =	swait.ge [sflag:s22], s20  }
0x9f: {  	s4 =	ssub.s32 $0x0, s20;
	[sflag:s22] =	ssyncset.done $0x0  }
0xa0: {  	[sflag:s22] =	ssyncadd.s32 s4;
	_ =	sdelay $0x1  }
0xa1: {  	s23 =	simm.s32 $0x1B8B  }
0xa2: {  	_ =	swait.ge [sflag:s23], $0x1  }
0xa3: {  	[sflag:s23] =	ssyncset.done $0x0  }
0xa4: {  	s25 =	simm.s32 $0x1B8E;
	s24 =	sld [smem:$0x3FFE];
	[sflag:s23] =	ssyncadd.s32 $0xFFFFFFFF  }
0xa5: {  	s26 =	simm.s32 $execute0_lowered;
	[smem:$0x3FD2] =	sst s25  }
0xa6: {  	s5 =	sshll.u32 s26, $0x1;
	_ =	strace $0x8000004C;
	[dreg:$0x1] =	wrdreg $0xFFFFFFFF  }
0xa7: {  	s28 =	simm.s32 $_size_execute0_lowered;
	s3 =	sadd.s32 s3, s5;
	[dreg:$0x0] =	wrdreg $0x0  }
0xa8: {  	s5 =	sshll.u32 s28, $0x1;
	[dreg:$0x2] =	wrdreg s3  }
0xa9: {  	[dreg:$0x3] =	wrdreg s5  }
0xaa: {  	[dreg:$0x4] =	wrdreg $0xC0  }
0xab: {  	_ =	task [dreg:s7], $0x5FFFF  }
0xac: {  	[dreg:$0x1] =	wrdreg $0xFFFFFFFF  }
0xad: {  	[dreg:$0x0] =	wrdreg $0x60  }
0xae: {  	[dreg:$0x2] =	wrdreg s24  }
0xaf: {  	[dreg:$0x3] =	wrdreg s2  }
0xb0: {  	[dreg:$0x4] =	wrdreg $0x4E200  }
0xb1: {  	[dreg:$0x5] =	wrdreg $0x9  }
0xb2: {  	_ =	task.clear_ibuf [dreg:s7], $0x6FFFF;
	_ =	strace $0x9000004C  }
0xb3: {  	s29 =	simm.s32 $0x9;
	_ =	strace $0x8000004E  }
0xb4: {  	_ =	swait.ge [sflag:s29], $0x1  }
0xb5: {  	[sflag:s29] =	ssyncadd.s32 $0xFFFFFFFF  }
0xb6: {  	_ =	strace $0x9000004E  }
0xb7: {  	_ =	sfence  }
0xb8: {  	s30 =	sld [smem:$0x0];
	_ =	sdelay $0x2  }
0xb9: {  	s31 =	sshll.u32 s1, $0xD;
	s1 =	sshrl.u32 s1, $0x2  }
0xba: {  	s3 =	sand.u32 $0x4000, s31;
	s1 =	sadd.s32 s1, s30  }
0xbb: {  	s0 =	sor.u32 s3, s0;
	s1 =	sshll.u32 s1, $0x11  }
0xbc: {  	s0 =	sor.u32 s1, s0  }
0xbd: {  	s0 =	sadd.s32 $0x8F2B, s0  }
0xbe: {  	[sflag:s0] =	ssyncadd.remote.s32 $0x1  }
0xbf: {  	_ =	sfence.sel $0xFFFF  }
0xc0: {  	[dreg:$0x0] =	wrdreg $0xFFFFFFFF;
	(pc) =	sbr.abs _section_cstart, $3  }
0xc1: {  	[dreg:$0x1] =	wrdreg $0xFFFFFFFF  }
0xc2: {  	_ =	task.clear_ibuf [dreg:s7], $0x2FFFF;
	_ =	strace $0x9FFFFFFF  }
0xc3: {  	(tm) =	ssettm $0x7FFFFFFF  }
tec
execute0_lowered:
.L_overlay_start_1:
0x0: {  	(tag) =	ssettag $0x1  }
0x1: {  	s5 =	rddreg [dreg:$0x0]  }
0x2: {  	s0 =	srdreg.scid;
	s6 =	rddreg [dreg:$0x1]  }
0x3: {  	s13 =	stileid.u32;
	s2 =	rddreg [dreg:$0x2];
	s3 =	simm.s32 $0x0  }
0x4: {  	s14 =	simm.s32 $0x1;
	s15 =	simm.s32 $0x2;
	s16 =	simm.s32 $0x3  }
0x5: {  	s17 =	simm.s32 $0x28;
	s18 =	simm.s32 $0xEA60;
	s19 =	simm.s32 $0xF460  }
0x6: {  	s21 =	simm.s32 $0xFE60;
	s29 =	simm.s32 $0x4;
	s31 =	simm.s32 $0x5  }
0x7: {  	s20 =	simm.s32 $0x7;
	s28 =	simm.s32 $0xB;
	s7 =	smul.u32 $0x9C40, s13  }
0x8: {  	s30 =	simm.s32 $0x0;
	s0 =	sand.u32 $0x1, s0;
	s8 =	smul.u32 $0x1388, s13  }
0x9: {  	[smem:$0x7FF] =	sst s3;
	s4 =	sadd.s32 $0xC200, s5;
	s1 =	sshll.u32 s0, $0x4  }
0xa: {  	s9 =	smul.u32 $0x13880, s0;
	_ =	strace $0x8000004D;
	s0 =	ssub.s32 $0x2, s0  }
0xb: {  	s1 =	sor.u32 s13, s1;
	s11 =	sshrl.u32 s7, $0x3;
	s24 =	sshrl.u32 s0, $0x1  }
0xc: {  	s12 =	sadd.s32 s7, s2;
	s1 =	smul.u32 $0x4E2, s1;
	s8 =	sadd.s32 s8, s9  }
0xd: {  	s22 =	sadd.s32 s11, s5;
	s0 =	ssub.s32 s0, s24;
	s12 =	sshrl.u32 s12, $0x3  }
0xe: {  	s24 =	simm.s32 $0x9;
	s23 =	sadd.s32 s8, s5;
	s25 =	sadd.s32 $0x1FC00, s22  }
0xf: {  	s11 =	smax.u32 s0, $0x1;
	s0 =	simm.s32 $0x6;
	s22 =	simm.s32 $0x8  }
0x10: {  	s10 =	sadd.s32 s1, s5;
	s5 =	sshll.u32 s13, $0x6;
	[dreg:$0x4] =	wrdreg s25  }
0x11: {  	s9 =	sadd.s32 s6, s1;
	s13 =	simm.s32 $0x2710;
	s25 =	simm.s32 $0x11260  }
0x12: {  	s26 =	sor.u32 $0x1C01, s5;
	s8 =	sadd.s32 $0x2400, s10;
	s10 =	sadd.s32 $0x33600, s23  }
0x13: {  	s23 =	simm.s32 $0x10860;
	[dreg:$0x5] =	wrdreg s26;
	s26 =	simm.s32 $0xA  }
.LBB2_1:
0x14: {  	s1 =	rddreg [dreg:$0x4]  }
0x15: {  	s6 =	rddreg [dreg:$0x5]  }
0x16: {  	[spmem:s12], [sflag:s6] =	dma.local [hbm:s1], $0x1388  }
0x17: {  	[tilespmem:s3], [sflag:$0x2] =	stream.linear.gather [hbm4b:s8+s3], $0x2710, $0x38;
	[tilespmem:$0x11C60] =	vst v63  }
0x18: {  	_ = 	snop  }
0x19: {  	[tilespmem:s13], [sflag:$0x3] =	stream.linear.gather [hbm4b:s9+s3], $0x2710, $0x38;
	[tilespmem:$0x11C60] =	vst v63  }
0x1a: {  	_ =	swait.ge [sflag:s14], $0x1388  }
0x1b: {  	[sflag:s14] =	ssyncset.done $0x0  }
0x1c: {  	[sflag:s14] =	ssyncadd.s32 $0xFFFFEC78  }
0x1d: {  	_ =	swait.ge [sflag:s15], $0x2710  }
0x1e: {  	[sflag:s15] =	ssyncset.done $0x0  }
0x1f: {  	[sflag:s15] =	ssyncadd.s32 $0xFFFFD8F0  }
0x20: {  	_ =	swait.ge [sflag:s16], $0x2710  }
0x21: {  	[sflag:s16] =	ssyncset.done $0x0  }
0x22: {  	[sflag:s16] =	ssyncadd.s32 $0xFFFFD8F0  }
0x23: {  	[bflag:$0x0] =	sbarrier.arrive $0xFFFF  }
0x24: {  	[tilespmem:s18], [sflag:$0x1] =	stream.indirect.gather [hbm4b:s4+s17], $0x40, s3, s17, $0xb8;
	[tilespmem:$0x11C60] =	vst v63  }
0x25: {  	_ = 	snop  }
0x26: {  	[tilespmem:s19], [sflag:$0x2] =	stream.indirect.gather [hbm4b:s4+s17], $0x40, s17, s17, $0xb8;
	[tilespmem:$0x11C60] =	vst v63  }
0x27: {  	s6 =	simm.s32 $0x50  }
0x28: {  	[tilespmem:s21], [sflag:$0x3] =	stream.indirect.gather [hbm4b:s4+s17], $0x40, s6, s17, $0xb8;
	[tilespmem:$0x11C60] =	vst v63  }
0x29: {  	s7 =	simm.s32 $0x78  }
0x2a: {  	[tilespmem:s23], [sflag:$0x4] =	stream.indirect.gather [hbm4b:s4+s17], $0x40, s7, s17, $0xb8;
	[tilespmem:$0x11C60] =	vst v63  }
0x2b: {  	s6 =	simm.s32 $0xA0  }
0x2c: {  	[tilespmem:s25], [sflag:$0x5] =	stream.indirect.gather [hbm4b:s4+s17], $0x40, s6, s17, $0xb8;
	[tilespmem:$0x11C60] =	vst v63  }
0x2d: {  	_ =	swait.ge [sflag:s14], $0xA00  }
0x2e: {  	[sflag:s14] =	ssyncset.done $0x0  }
0x2f: {  	[sflag:s14] =	ssyncadd.s32 $0xFFFFF600  }
0x30: {  	[spmem:s2] =	stream.indirect.scatter.add.f32 [tilespmem:s18], [sflag:$0x6], $0x40, s13, s17, $0xb8;
	[tilespmem:$0x11C60] =	vst v63  }
0x31: {  	_ =	swait.ge [sflag:s15], $0xA00  }
0x32: {  	[sflag:s15] =	ssyncset.done $0x0  }
0x33: {  	s7 =	simm.s32 $0x2738;
	[sflag:s15] =	ssyncadd.s32 $0xFFFFF600  }
0x34: {  	[spmem:s2] =	stream.indirect.scatter.add.f32 [tilespmem:s19], [sflag:$0x7], $0x40, s7, s17, $0xb8;
	[tilespmem:$0x11C60] =	vst v63  }
0x35: {  	_ =	swait.ge [sflag:s16], $0xA00  }
0x36: {  	[sflag:s16] =	ssyncset.done $0x0  }
0x37: {  	s6 =	simm.s32 $0x2760;
	[sflag:s16] =	ssyncadd.s32 $0xFFFFF600  }
0x38: {  	[spmem:s2] =	stream.indirect.scatter.add.f32 [tilespmem:s21], [sflag:$0x8], $0x40, s6, s17, $0xb8;
	[tilespmem:$0x11C60] =	vst v63  }
0x39: {  	_ =	swait.ge [sflag:s29], $0xA00  }
0x3a: {  	[sflag:s29] =	ssyncset.done $0x0  }
0x3b: {  	s7 =	simm.s32 $0x2788;
	[sflag:s29] =	ssyncadd.s32 $0xFFFFF600  }
0x3c: {  	[spmem:s2] =	stream.indirect.scatter.add.f32 [tilespmem:s23], [sflag:$0x9], $0x40, s7, s17, $0xb8;
	[tilespmem:$0x11C60] =	vst v63  }
0x3d: {  	_ =	swait.ge [sflag:s31], $0xA00  }
0x3e: {  	[sflag:s31] =	ssyncset.done $0x0  }
0x3f: {  	s6 =	simm.s32 $0x27B0;
	[sflag:s31] =	ssyncadd.s32 $0xFFFFF600  }
0x40: {  	[spmem:s2] =	stream.indirect.scatter.add.f32 [tilespmem:s25], [sflag:$0xA], $0x40, s6, s17, $0xb8;
	[tilespmem:$0x11C60] =	vst v63  }
0x41: {  	_ =	swait.ge [sflag:s0], $0xA00  }
0x42: {  	[sflag:s0] =	ssyncset.done $0x0  }
0x43: {  	s7 =	simm.s32 $0xC8;
	[sflag:s0] =	ssyncadd.s32 $0xFFFFF600  }
0x44: {  	[tilespmem:s18], [sflag:$0x1] =	stream.indirect.gather [hbm4b:s4+s17], $0x40, s7, s17, $0xb8;
	[tilespmem:$0x11C60] =	vst v63  }
0x45: {  	_ =	swait.ge [sflag:s20], $0xA00  }
0x46: {  	[sflag:s20] =	ssyncset.done $0x0  }
0x47: {  	s6 =	simm.s32 $0xF0;
	[sflag:s20] =	ssyncadd.s32 $0xFFFFF600  }
0x48: {  	[tilespmem:s19], [sflag:$0x2] =	stream.indirect.gather [hbm4b:s4+s17], $0x40, s6, s17, $0xb8;
	[tilespmem:$0x11C60] =	vst v63  }
0x49: {  	_ =	swait.ge [sflag:s22], $0xA00  }
0x4a: {  	[sflag:s22] =	ssyncset.done $0x0  }
0x4b: {  	s7 =	simm.s32 $0x118;
	[sflag:s22] =	ssyncadd.s32 $0xFFFFF600  }
0x4c: {  	[tilespmem:s21], [sflag:$0x3] =	stream.indirect.gather [hbm4b:s4+s17], $0x40, s7, s17, $0xb8;
	[tilespmem:$0x11C60] =	vst v63  }
0x4d: {  	_ =	swait.ge [sflag:s24], $0xA00  }
0x4e: {  	[sflag:s24] =	ssyncset.done $0x0  }
0x4f: {  	s6 =	simm.s32 $0x140;
	[sflag:s24] =	ssyncadd.s32 $0xFFFFF600  }
0x50: {  	[tilespmem:s23], [sflag:$0x4] =	stream.indirect.gather [hbm4b:s4+s17], $0x40, s6, s17, $0xb8;
	[tilespmem:$0x11C60] =	vst v63  }
0x51: {  	_ =	swait.ge [sflag:s26], $0xA00  }
0x52: {  	[sflag:s26] =	ssyncset.done $0x0  }
0x53: {  	s7 =	simm.s32 $0x168;
	[sflag:s26] =	ssyncadd.s32 $0xFFFFF600  }
0x54: {  	[tilespmem:s25], [sflag:$0x5] =	stream.indirect.gather [hbm4b:s4+s17], $0x40, s7, s17, $0xb8;
	[tilespmem:$0x11C60] =	vst v63  }
0x55: {  	_ =	swait.ge [sflag:s14], $0xA00  }
0x56: {  	[sflag:s14] =	ssyncset.done $0x0  }
0x57: {  	s6 =	simm.s32 $0x27D8;
	[sflag:s14] =	ssyncadd.s32 $0xFFFFF600  }
0x58: {  	[spmem:s2] =	stream.indirect.scatter.add.f32 [tilespmem:s18], [sflag:$0x6], $0x40, s6, s17, $0xb8;
	[tilespmem:$0x11C60] =	vst v63  }
0x59: {  	_ =	swait.ge [sflag:s15], $0xA00  }
0x5a: {  	[sflag:s15] =	ssyncset.done $0x0  }
0x5b: {  	s7 =	simm.s32 $0x2800;
	[sflag:s15] =	ssyncadd.s32 $0xFFFFF600  }
0x5c: {  	[spmem:s2] =	stream.indirect.scatter.add.f32 [tilespmem:s19], [sflag:$0x7], $0x40, s7, s17, $0xb8;
	[tilespmem:$0x11C60] =	vst v63  }
0x5d: {  	_ =	swait.ge [sflag:s16], $0xA00  }
0x5e: {  	[sflag:s16] =	ssyncset.done $0x0  }
0x5f: {  	s6 =	simm.s32 $0x2828;
	[sflag:s16] =	ssyncadd.s32 $0xFFFFF600  }
0x60: {  	[spmem:s2] =	stream.indirect.scatter.add.f32 [tilespmem:s21], [sflag:$0x8], $0x40, s6, s17, $0xb8;
	[tilespmem:$0x11C60] =	vst v63  }
0x61: {  	_ =	swait.ge [sflag:s29], $0xA00  }
0x62: {  	[sflag:s29] =	ssyncset.done $0x0  }
0x63: {  	s7 =	simm.s32 $0x2850;
	[sflag:s29] =	ssyncadd.s32 $0xFFFFF600  }
0x64: {  	[spmem:s2] =	stream.indirect.scatter.add.f32 [tilespmem:s23], [sflag:$0x9], $0x40, s7, s17, $0xb8;
	[tilespmem:$0x11C60] =	vst v63  }
0x65: {  	_ =	swait.ge [sflag:s31], $0xA00  }
0x66: {  	[sflag:s31] =	ssyncset.done $0x0  }
0x67: {  	s1 =	simm.s32 $0x320;
	s6 =	simm.s32 $0x2878;
	[sflag:s31] =	ssyncadd.s32 $0xFFFFF600  }
.LBB2_2:
0x68: {  	[spmem:s2] =	stream.indirect.scatter.add.f32 [tilespmem:s25], [sflag:$0xA], $0x40, s6, s17, $0xb8;
	[tilespmem:$0x11C60] =	vst v63  }
0x69: {  	s6 =	smov.u32 s1  }
0x6a: {  	p0 =	sne.s32 s1, $0x9600;
	s1 =	sadd.s32 $0x320, s1;
	_ =	swait.ge [sflag:s0], $0xA00  }
0x6b: {  	s6 =	sshra.s32 s6, $0x2;
	[sflag:s0] =	ssyncset.done $0x0  }
0x6c: {  	s7 =	sadd.s32 $0xC8, s6;
	[sflag:s0] =	ssyncadd.s32 $0xFFFFF600  }
0x6d: {  	[tilespmem:s18], [sflag:$0x1] =	stream.indirect.gather [hbm4b:s4+s17], $0x40, s7, s17, $0xb8;
	[tilespmem:$0x11C60] =	vst v63  }
0x6e: {  	_ =	swait.ge [sflag:s20], $0xA00  }
0x6f: {  	[sflag:s20] =	ssyncset.done $0x0  }
0x70: {  	s7 =	sadd.s32 $0xF0, s6;
	[sflag:s20] =	ssyncadd.s32 $0xFFFFF600  }
0x71: {  	[tilespmem:s19], [sflag:$0x2] =	stream.indirect.gather [hbm4b:s4+s17], $0x40, s7, s17, $0xb8;
	[tilespmem:$0x11C60] =	vst v63  }
0x72: {  	_ =	swait.ge [sflag:s22], $0xA00  }
0x73: {  	[sflag:s22] =	ssyncset.done $0x0  }
0x74: {  	s7 =	sadd.s32 $0x118, s6;
	[sflag:s22] =	ssyncadd.s32 $0xFFFFF600  }
0x75: {  	[tilespmem:s21], [sflag:$0x3] =	stream.indirect.gather [hbm4b:s4+s17], $0x40, s7, s17, $0xb8;
	[tilespmem:$0x11C60] =	vst v63  }
0x76: {  	_ =	swait.ge [sflag:s24], $0xA00  }
0x77: {  	[sflag:s24] =	ssyncset.done $0x0  }
0x78: {  	s7 =	sadd.s32 $0x140, s6;
	[sflag:s24] =	ssyncadd.s32 $0xFFFFF600  }
0x79: {  	[tilespmem:s23], [sflag:$0x4] =	stream.indirect.gather [hbm4b:s4+s17], $0x40, s7, s17, $0xb8;
	[tilespmem:$0x11C60] =	vst v63  }
0x7a: {  	_ =	swait.ge [sflag:s26], $0xA00  }
0x7b: {  	[sflag:s26] =	ssyncset.done $0x0  }
0x7c: {  	s7 =	sadd.s32 $0x168, s6;
	[sflag:s26] =	ssyncadd.s32 $0xFFFFF600  }
0x7d: {  	[tilespmem:s25], [sflag:$0x5] =	stream.indirect.gather [hbm4b:s4+s17], $0x40, s7, s17, $0xb8;
	[tilespmem:$0x11C60] =	vst v63  }
0x7e: {  	_ =	swait.ge [sflag:s14], $0xA00  }
0x7f: {  	[sflag:s14] =	ssyncset.done $0x0  }
0x80: {  	s7 =	sadd.s32 $0x27D8, s6;
	[sflag:s14] =	ssyncadd.s32 $0xFFFFF600  }
0x81: {  	[spmem:s2] =	stream.indirect.scatter.add.f32 [tilespmem:s18], [sflag:$0x6], $0x40, s7, s17, $0xb8;
	[tilespmem:$0x11C60] =	vst v63  }
0x82: {  	_ =	swait.ge [sflag:s15], $0xA00  }
0x83: {  	[sflag:s15] =	ssyncset.done $0x0  }
0x84: {  	s7 =	sadd.s32 $0x2800, s6;
	[sflag:s15] =	ssyncadd.s32 $0xFFFFF600  }
0x85: {  	[spmem:s2] =	stream.indirect.scatter.add.f32 [tilespmem:s19], [sflag:$0x7], $0x40, s7, s17, $0xb8;
	[tilespmem:$0x11C60] =	vst v63  }
0x86: {  	_ =	swait.ge [sflag:s16], $0xA00  }
0x87: {  	[sflag:s16] =	ssyncset.done $0x0  }
0x88: {  	s7 =	sadd.s32 $0x2828, s6;
	[sflag:s16] =	ssyncadd.s32 $0xFFFFF600  }
0x89: {  	[spmem:s2] =	stream.indirect.scatter.add.f32 [tilespmem:s21], [sflag:$0x8], $0x40, s7, s17, $0xb8;
	[tilespmem:$0x11C60] =	vst v63  }
0x8a: {  	_ =	swait.ge [sflag:s29], $0xA00  }
0x8b: {  	[sflag:s29] =	ssyncset.done $0x0  }
.Ltmp0:
0x8c: {  	s7 =	sadd.s32 $0x2850, s6;
	[sflag:s29] =	ssyncadd.s32 $0xFFFFF600;
	(pc) =	sbr.rel @p0 .LBB2_2-.Ltmp0, $4  }
0x8d: {  	[spmem:s2] =	stream.indirect.scatter.add.f32 [tilespmem:s23], [sflag:$0x9], $0x40, s7, s17, $0xb8;
	[tilespmem:$0x11C60] =	vst v63  }
0x8e: {  	_ =	swait.ge [sflag:s31], $0xA00  }
0x8f: {  	[sflag:s31] =	ssyncset.done $0x0  }
0x90: {  	s6 =	sadd.s32 $0x2878, s6;
	[sflag:s31] =	ssyncadd.s32 $0xFFFFF600  }
0x91: {  	[spmem:s2] =	stream.indirect.scatter.add.f32 [tilespmem:s25], [sflag:$0xA], $0x40, s6, s17, $0xb8;
	[tilespmem:$0x11C60] =	vst v63  }
0x92: {  	_ =	swait.ge [sflag:s0], $0xA00  }
0x93: {  	[sflag:s0] =	ssyncset.done $0x0  }
0x94: {  	[sflag:s0] =	ssyncadd.s32 $0xFFFFF600  }
0x95: {  	_ =	swait.ge [sflag:s20], $0xA00  }
0x96: {  	[sflag:s20] =	ssyncset.done $0x0  }
0x97: {  	[sflag:s20] =	ssyncadd.s32 $0xFFFFF600  }
0x98: {  	_ =	swait.ge [sflag:s22], $0xA00  }
0x99: {  	[sflag:s22] =	ssyncset.done $0x0  }
0x9a: {  	[sflag:s22] =	ssyncadd.s32 $0xFFFFF600  }
0x9b: {  	_ =	swait.ge [sflag:s24], $0xA00  }
0x9c: {  	[sflag:s24] =	ssyncset.done $0x0  }
0x9d: {  	[sflag:s24] =	ssyncadd.s32 $0xFFFFF600  }
0x9e: {  	_ =	swait.ge [sflag:s26], $0xA00  }
0x9f: {  	s30 =	sadd.s32 $0x1, s30;
	[sflag:s26] =	ssyncset.done $0x0  }
0xa0: {  	p0 =	sne.s32 s30, s11;
	[sflag:s26] =	ssyncadd.s32 $0xFFFFF600  }
.Ltmp1:
0xa1: {  	s1 =	sor.u32 $0x1C0B, s5;
	[bflag:$0x0] =	sbarrier.arrive $0xFFFF;
	(pc) =	sbr.rel @p0 .LBB2_1-.Ltmp1, $4  }
0xa2: {  	[hbm:s10], [sflag:s1] =	dma.local [spmem:s12], $0x1388  }
0xa3: {  	_ =	swait.ge [sflag:s28], $0x1388  }
0xa4: {  	[sflag:s28] =	ssyncset.done $0x0  }
0xa5: {  	[sflag:s28] =	ssyncadd.s32 $0xFFFFEC78  }
0xa6: {  	_ =	sfence.sel $0x180000  }
0xa7: {  	[bflag:$0x0] =	sbarrier.arrive $0xFFFF  }
0xa8: {  	_ =	strace $0x9000004D  }
0xa9: {  	s0 =	stileid.u32;
	[bflag:$0x2] =	sbarrier.arrive $0xFFFF  }
0xaa: {  	p0 =	sne.s32 s0, $0x0;
	s0 =	rddreg [dreg:$0x3]  }
0xab: {  	s0 =	sadd.s32 @!p0 $0x100000, s0  }
0xac: {  	[sflag:s0] =	ssyncadd.tile.s32 @!p0 $0x1;
	_ =	shalt  }
.Lfunc_end2:
_tile_overlayer_lowered:
.L_overlay_start_2:
0xad: {  	(tag) =	ssettag $0x2  }
0xae: {  	s0 =	rddreg [dreg:$0x0];
	s2 =	stileid.u32  }
0xaf: {  	s1 =	rddreg [dreg:$0x1];
	p0 =	sne.s32 s2, $0x0  }
0xb0: {  	s3 =	rddreg [dreg:$0x2];
	[bflag:$0x3] =	sbarrier.arrive $0xFFFF;
	s2 =	simm.s32 @!p0 $0x1C0B  }
0xb1: {  	[timem:s3], [sflag:s2] =	dma.local @!p0 [hbm:s0], s1  }
0xb2: {  	s0 =	simm.s32 @!p0 $0xB  }
0xb3: {  	_ =	swait.ge @!p0 [sflag:s0], s1  }
0xb4: {  	s1 =	ssub.s32 @!p0 $0x0, s1;
	[sflag:s0] =	ssyncset.done @!p0 $0x0  }
0xb5: {  	[sflag:s0] =	ssyncadd.s32 @!p0 s1  }
0xb6: {  	[bflag:$0x3] =	sbarrier.arrive $0xFFFF  }
0xb7: {  	_ =	shalt  }

// kernel: kernel.9.cloned.1.call-start
scs
__scs_entry_jumppad:
0x0: {  	(pc) =	sbr.rel $0x88, $3  }
0x1: {  	(tag) =	ssettag $0x0;
	lr =	simm.s32 $0x1  }
0x2: {  	[smem:$0x3F95] =	sst lr;
	_ =	strace $0xD0000000  }
0x3: {  	_ = 	snop  }
0x4: {  	_ = 	snop  }
0x5: {  	_ = 	snop  }
0x6: {  	_ = 	snop  }
0x7: {  	_ = 	snop  }
__scs_overlays_trampoline_lowered:
0x8: {  	[smem:$0x3FA4] =	sst s0  }
0x9: {  	[smem:$0x3FA5] =	sst s1  }
0xa: {  	[smem:$0x3FA6] =	sst s2  }
0xb: {  	[smem:$0x3FA7] =	sst s3  }
0xc: {  	[smem:$0x3FA8] =	sst s4  }
0xd: {  	[smem:$0x3FA9] =	sst s5  }
0xe: {  	[smem:$0x3FAA] =	sst s6  }
0xf: {  	[smem:$0x3FAB] =	sst s7  }
0x10: {  	[smem:$0x3FAC] =	sst s8  }
0x11: {  	[smem:$0x3FAD] =	sst s9;
	s0 =	simm.s32 @!p0 $0x0  }
0x12: {  	s1 =	sld [smem:$0x3F93];
	s0 =	simm.s32 @p0 $0x1  }
0x13: {  	[smem:$0x3FAE] =	sst s0;
	s0 =	simm.s32 @!p1 $0x0  }
0x14: {  	s2 =	sld [smem:$0x3F92];
	s0 =	simm.s32 @p1 $0x1  }
0x15: {  	[smem:$0x3FAF] =	sst s0;
	s0 =	simm.s32 @!p2 $0x0  }
0x16: {  	s3 =	sld [smem:$0x3FDB];
	s0 =	simm.s32 @p2 $0x1  }
0x17: {  	s4 =	simm.s32 $0x1BF5;
	[smem:$0x3FB1] =	sst s0  }
0x18: {  	s0 =	sld [smem:$0x3F94];
	_ =	swait.ge [sflag:s4], $0x0  }
0x19: {  	s7 =	sld [smem:$0x3F95]  }
0x1a: {  	s8 =	sadd.s32 $0xFFFFE003, lr  }
0x1b: {  	s9 =	sadd.s32 $0xFFFFFEF7, lr;
	s5 =	simm.s32 $0xFFFFFFFF;
	p2 =	slt.u32 s8, $0xFFFFF086  }
0x1c: {  	p1 =	slt.u32 s9, $0xF7A;
	s5 =	simm.s32 @!p2 $0x0  }
0x1d: {  	s5 =	simm.s32 @p1 $0x1;
	p0 =	seq.s32 s7, s2  }
0x1e: {  	s7 =	smul.u32 @!p0 $0xF7A, s2;
	p2 =	seq.s32 @!p0 s5, $0x0  }
0x1f: {  	s9 =	smul.u32 $0xF7A, s1;
	s8 =	simm.s32 @!p0 $0x1BF5;
	p2 =	por !p2, p0  }
0x20: {  	[sflag:s8] =	ssyncset.s32 @!p0 $0xFFFFF086;
	s6 =	sadd.s32 @!p0 s3, s7;
	s7 =	simm.s32 @!p0 $0x108  }
0x21: {  	s3 =	sadd.s32 s3, s9;
	s6 =	sadd.s32 @!p0 $0x88, s6;
	s7 =	simm.s32 @p2 $0x1082  }
0x22: {  	[simem:s7], [sflag:s8] =	dma.local @!p0 [hbm:s6], $0xF7A  }
0x23: {  	s9 =	sor.u32 $0xD0000000, s2;
	s6 =	simm.s32 $0x108;
	_ =	swait.ge @!p0 [sflag:s8], $0x0  }
0x24: {  	s3 =	sadd.s32 $0x88, s3;
	s6 =	simm.s32 @!p1 $0x1082;
	[sflag:s4] =	ssyncset.s32 $0xFFFFF086  }
0x25: {  	[simem:s6], [sflag:s4] =	dma.local [hbm:s3], $0xF7A  }
0x26: {  	[smem:$0x3F95] =	sst s1;
	(tag) =	ssettag s2;
	_ =	strace s9  }
0x27: {  	s1 =	sld [smem:$0x3FA5]  }
0x28: {  	s2 =	sld [smem:$0x3FA6]  }
0x29: {  	s4 =	sld [smem:$0x3FA8]  }
0x2a: {  	p0 =	seq.s32 s5, $0x0;
	s5 =	sld [smem:$0x3FA9]  }
0x2b: {  	s6 =	sld [smem:$0x3FAA]  }
0x2c: {  	s7 =	sld [smem:$0x3FAB]  }
0x2d: {  	s3 =	simm.s32 $0x108;
	s8 =	sld [smem:$0x3FAC]  }
0x2e: {  	s3 =	simm.s32 @!p0 $0x1082;
	s9 =	sld [smem:$0x3FAD]  }
0x2f: {  	lr =	sadd.s32 s0, s3;
	s0 =	sld [smem:$0x3FA4]  }
0x30: {  	s3 =	sld [smem:$0x3FA7]  }
0x31: {  	[smem:$0x3FB0] =	sst s10  }
0x32: {  	s10 =	sld [smem:$0x3FAE];
	_ =	sdelay $0x3  }
0x33: {  	p0 =	seq.s32 s10, $0x1;
	s10 =	sld [smem:$0x3FB0];
	_ =	sdelay $0x3  }
0x34: {  	[smem:$0x3FB0] =	sst s10  }
0x35: {  	s10 =	sld [smem:$0x3FAF];
	_ =	sdelay $0x3  }
0x36: {  	p1 =	seq.s32 s10, $0x1;
	s10 =	sld [smem:$0x3FB0];
	_ =	sdelay $0x3  }
0x37: {  	[smem:$0x3FB0] =	sst s10  }
0x38: {  	s10 =	sld [smem:$0x3FB1]  }
0x39: {  	_ = 	snop;
	(pc) =	sbr.ind lr, $3  }
0x3a: {  	_ = 	snop  }
0x3b: {  	_ = 	snop  }
0x3c: {  	p2 =	seq.s32 s10, $0x1;
	s10 =	sld [smem:$0x3FB0]  }
0x3d: {  	_ =	shalt  }
0x3e: {  	_ =	shalt  }
0x3f: {  	_ =	shalt  }
0x40: {  	_ =	shalt  }
0x41: {  	_ =	shalt  }
0x42: {  	_ =	shalt  }
0x43: {  	_ =	shalt  }
0x44: {  	_ =	shalt  }
0x45: {  	_ =	shalt  }
0x46: {  	_ =	shalt  }
0x47: {  	_ =	shalt  }
0x48: {  	_ =	shalt  }
0x49: {  	_ =	shalt  }
0x4a: {  	_ =	shalt  }
0x4b: {  	_ =	shalt  }
0x4c: {  	_ =	shalt  }
0x4d: {  	_ =	shalt  }
0x4e: {  	_ =	shalt  }
0x4f: {  	_ =	shalt  }
0x50: {  	_ =	shalt  }
0x51: {  	_ =	shalt  }
0x52: {  	_ =	shalt  }
0x53: {  	_ =	shalt  }
0x54: {  	_ =	shalt  }
0x55: {  	_ =	shalt  }
0x56: {  	_ =	shalt  }
0x57: {  	_ =	shalt  }
0x58: {  	_ =	shalt  }
0x59: {  	_ =	shalt  }
0x5a: {  	_ =	shalt  }
0x5b: {  	_ =	shalt  }
0x5c: {  	_ =	shalt  }
0x5d: {  	_ =	shalt  }
0x5e: {  	_ =	shalt  }
0x5f: {  	_ =	shalt  }
0x60: {  	_ =	shalt  }
0x61: {  	_ =	shalt  }
0x62: {  	_ =	shalt  }
0x63: {  	_ =	shalt  }
0x64: {  	_ =	shalt  }
0x65: {  	_ =	shalt  }
0x66: {  	_ =	shalt  }
0x67: {  	_ =	shalt  }
0x68: {  	_ =	shalt  }
0x69: {  	_ =	shalt  }
0x6a: {  	_ =	shalt  }
0x6b: {  	_ =	shalt  }
0x6c: {  	_ =	shalt  }
0x6d: {  	_ =	shalt  }
0x6e: {  	_ =	shalt  }
0x6f: {  	_ =	shalt  }
0x70: {  	_ =	shalt  }
0x71: {  	_ =	shalt  }
0x72: {  	_ =	shalt  }
0x73: {  	_ =	shalt  }
0x74: {  	_ =	shalt  }
0x75: {  	_ =	shalt  }
0x76: {  	_ =	shalt  }
0x77: {  	_ =	shalt  }
0x78: {  	_ =	shalt  }
0x79: {  	_ =	shalt  }
0x7a: {  	_ =	shalt  }
0x7b: {  	_ =	shalt  }
0x7c: {  	_ =	shalt  }
0x7d: {  	_ =	shalt  }
0x7e: {  	_ =	shalt  }
0x7f: {  	_ =	shalt  }
0x80: {  	_ =	shalt  }
0x81: {  	_ =	shalt  }
0x82: {  	_ =	shalt  }
0x83: {  	_ =	shalt  }
0x84: {  	_ =	shalt  }
0x85: {  	_ =	shalt  }
0x86: {  	_ =	shalt  }
0x87: {  	_ =	shalt  }
.Lfunc_end0:
.L_simem_size_0:
called_computation_lowered:
.L_overlay_start_0:
0x88: {  	s2 =	sld [smem:$0x3FD9]  }
0x89: {  	s3 =	sld [smem:$0x3FFE];
	_ =	sdelay $0x1  }
0x8a: {  	s1 =	srdreg.scid  }
0x8b: {  	s0 =	sand.u32 $0x1, s1  }
0x8c: {  	s17 =	sshll.u32 s0, $0xA;
	s2 =	sadd.s32 s3, s2  }
0x8d: {  	s2 =	sadd.s32 s2, s17  }
0x8e: {  	[smem:$0x3FBC] =	sst s2  }
0x8f: {  	_ = 	snop  }
0x90: {  	s2 =	sld [smem:$0x3FD0];
	(tm) =	ssettm $0x1  }
0x91: {  	s18 =	sld [smem:$0x3FFB];
	_ =	sdelay $0x3  }
0x92: {  	_ =	strace s18  }
0x93: {  	s3 =	sld [smem:$0x3FFC];
	_ =	sdelay $0x3  }
0x94: {  	_ =	strace s3  }
0x95: {  	s3 =	sld [smem:$0x3FFD];
	_ =	sdelay $0x3  }
0x96: {  	_ =	strace s3  }
0x97: {  	_ =	strace $0x8FFFFFFF  }
0x98: {  	s19 =	sld [smem:$0x3FDB];
	_ =	sdelay $0x1  }
0x99: {  	s4 =	simm.s32 $_scs_section_size  }
0x9a: {  	s5 =	simm.s32 $_size__tile_overlayer_lowered;
	s6 =	simm.s32 $_tile_overlayer_lowered  }
0x9b: {  	s22 =	simm.s32 $0x1BFF;
	s21 =	sshll.u32 s6, $0x1;
	s3 =	sadd.s32 s4, s19  }
0x9c: {  	s7 =	simm.s32 $0x0;
	s20 =	sshll.u32 s5, $0x1;
	s5 =	sadd.s32 s21, s3  }
0x9d: {  	[timem:s7], [sflag:s22] =	dma.local [hbm:s5], s20  }
0x9e: {  	_ =	swait.ge [sflag:s22], s20  }
0x9f: {  	s4 =	ssub.s32 $0x0, s20;
	[sflag:s22] =	ssyncset.done $0x0  }
0xa0: {  	[sflag:s22] =	ssyncadd.s32 s4;
	_ =	sdelay $0x1  }
0xa1: {  	s23 =	simm.s32 $0x1B8B  }
0xa2: {  	_ =	swait.ge [sflag:s23], $0x1  }
0xa3: {  	[sflag:s23] =	ssyncset.done $0x0  }
0xa4: {  	s25 =	simm.s32 $0x1B8E;
	s24 =	sld [smem:$0x3FFE];
	[sflag:s23] =	ssyncadd.s32 $0xFFFFFFFF  }
0xa5: {  	s26 =	simm.s32 $execute0_lowered;
	[smem:$0x3FD2] =	sst s25  }
0xa6: {  	s5 =	sshll.u32 s26, $0x1;
	_ =	strace $0x80000046;
	[dreg:$0x1] =	wrdreg $0xFFFFFFFF  }
0xa7: {  	s28 =	simm.s32 $_size_execute0_lowered;
	s3 =	sadd.s32 s3, s5;
	[dreg:$0x0] =	wrdreg $0x0  }
0xa8: {  	s5 =	sshll.u32 s28, $0x1;
	[dreg:$0x2] =	wrdreg s3  }
0xa9: {  	[dreg:$0x3] =	wrdreg s5  }
0xaa: {  	[dreg:$0x4] =	wrdreg $0xC0  }
0xab: {  	_ =	task [dreg:s7], $0x5FFFF  }
0xac: {  	[dreg:$0x1] =	wrdreg $0xFFFFFFFF  }
0xad: {  	[dreg:$0x0] =	wrdreg $0x60  }
0xae: {  	[dreg:$0x2] =	wrdreg s24  }
0xaf: {  	[dreg:$0x3] =	wrdreg s2  }
0xb0: {  	[dreg:$0x4] =	wrdreg $0x4E200  }
0xb1: {  	[dreg:$0x5] =	wrdreg $0x9  }
0xb2: {  	_ =	task.clear_ibuf [dreg:s7], $0x6FFFF;
	_ =	strace $0x90000046  }
0xb3: {  	s29 =	simm.s32 $0x9;
	_ =	strace $0x80000048  }
0xb4: {  	_ =	swait.ge [sflag:s29], $0x1  }
0xb5: {  	[sflag:s29] =	ssyncadd.s32 $0xFFFFFFFF  }
0xb6: {  	_ =	strace $0x90000048  }
0xb7: {  	_ =	sfence  }
0xb8: {  	s30 =	sld [smem:$0x0];
	_ =	sdelay $0x2  }
0xb9: {  	s31 =	sshll.u32 s1, $0xD;
	s1 =	sshrl.u32 s1, $0x2  }
0xba: {  	s3 =	sand.u32 $0x4000, s31;
	s1 =	sadd.s32 s1, s30  }
0xbb: {  	s0 =	sor.u32 s3, s0;
	s1 =	sshll.u32 s1, $0x11  }
0xbc: {  	s0 =	sor.u32 s1, s0  }
0xbd: {  	s0 =	sadd.s32 $0x8F2B, s0  }
0xbe: {  	[sflag:s0] =	ssyncadd.remote.s32 $0x1  }
0xbf: {  	_ =	sfence.sel $0xFFFF  }
0xc0: {  	[dreg:$0x0] =	wrdreg $0xFFFFFFFF;
	(pc) =	sbr.abs _section_cstart, $3  }
0xc1: {  	[dreg:$0x1] =	wrdreg $0xFFFFFFFF  }
0xc2: {  	_ =	task.clear_ibuf [dreg:s7], $0x2FFFF;
	_ =	strace $0x9FFFFFFF  }
0xc3: {  	(tm) =	ssettm $0x7FFFFFFF  }
tec
execute0_lowered:
.L_overlay_start_1:
0x0: {  	(tag) =	ssettag $0x1  }
0x1: {  	s5 =	rddreg [dreg:$0x0]  }
0x2: {  	s0 =	srdreg.scid;
	s6 =	rddreg [dreg:$0x1]  }
0x3: {  	s13 =	stileid.u32;
	s2 =	rddreg [dreg:$0x2];
	s3 =	simm.s32 $0x0  }
0x4: {  	s14 =	simm.s32 $0x1;
	s15 =	simm.s32 $0x2;
	s16 =	simm.s32 $0x3  }
0x5: {  	s17 =	simm.s32 $0x28;
	s18 =	simm.s32 $0x186A0;
	s19 =	simm.s32 $0x19AA0  }
0x6: {  	s21 =	simm.s32 $0x1AEA0;
	s29 =	simm.s32 $0x4;
	s31 =	simm.s32 $0x5  }
0x7: {  	s20 =	simm.s32 $0x7;
	s28 =	simm.s32 $0xB;
	s7 =	smul.u32 $0x13880, s13  }
0x8: {  	s30 =	simm.s32 $0x0;
	s0 =	sand.u32 $0x1, s0;
	s8 =	smul.u32 $0x2710, s13  }
0x9: {  	[smem:$0x7FF] =	sst s3;
	s4 =	sadd.s32 $0xC200, s5;
	s1 =	sshll.u32 s0, $0x4  }
0xa: {  	s9 =	smul.u32 $0x27100, s0;
	_ =	strace $0x80000047;
	s0 =	ssub.s32 $0x2, s0  }
0xb: {  	s1 =	sor.u32 s13, s1;
	s11 =	sshrl.u32 s7, $0x3;
	s24 =	sshrl.u32 s0, $0x1  }
0xc: {  	s12 =	sadd.s32 s7, s2;
	s1 =	smul.u32 $0x4E2, s1;
	s8 =	sadd.s32 s8, s9  }
0xd: {  	s22 =	sadd.s32 s11, s5;
	s0 =	ssub.s32 s0, s24;
	s12 =	sshrl.u32 s12, $0x3  }
0xe: {  	s24 =	simm.s32 $0x9;
	s23 =	sadd.s32 s8, s5;
	s25 =	sadd.s32 $0x33400, s22  }
0xf: {  	s11 =	smax.u32 s0, $0x1;
	s0 =	simm.s32 $0x6;
	s22 =	simm.s32 $0x8  }
0x10: {  	s10 =	sadd.s32 s1, s5;
	s5 =	sshll.u32 s13, $0x6;
	[dreg:$0x4] =	wrdreg s25  }
0x11: {  	s9 =	sadd.s32 s6, s1;
	s13 =	simm.s32 $0x2710;
	s25 =	simm.s32 $0x1D6A0  }
0x12: {  	s26 =	sor.u32 $0x1C01, s5;
	s8 =	sadd.s32 $0x2400, s10;
	s10 =	sadd.s32 $0x5A600, s23  }
0x13: {  	s23 =	simm.s32 $0x1C2A0;
	[dreg:$0x5] =	wrdreg s26;
	s26 =	simm.s32 $0xA  }
.LBB2_1:
0x14: {  	s1 =	rddreg [dreg:$0x4]  }
0x15: {  	s6 =	rddreg [dreg:$0x5]  }
0x16: {  	[spmem:s12], [sflag:s6] =	dma.local [hbm:s1], $0x2710  }
0x17: {  	[tilespmem:s3], [sflag:$0x2] =	stream.linear.gather [hbm4b:s8+s3], $0x2710, $0x38;
	[tilespmem:$0x1EAA0] =	vst v63  }
0x18: {  	_ = 	snop  }
0x19: {  	[tilespmem:s13], [sflag:$0x3] =	stream.linear.gather [hbm4b:s9+s3], $0x2710, $0x38;
	[tilespmem:$0x1EAA0] =	vst v63  }
0x1a: {  	_ =	swait.ge [sflag:s14], $0x2710  }
0x1b: {  	[sflag:s14] =	ssyncset.done $0x0  }
0x1c: {  	[sflag:s14] =	ssyncadd.s32 $0xFFFFD8F0  }
0x1d: {  	_ =	swait.ge [sflag:s15], $0x2710  }
0x1e: {  	[sflag:s15] =	ssyncset.done $0x0  }
0x1f: {  	[sflag:s15] =	ssyncadd.s32 $0xFFFFD8F0  }
0x20: {  	_ =	swait.ge [sflag:s16], $0x2710  }
0x21: {  	[sflag:s16] =	ssyncset.done $0x0  }
0x22: {  	[sflag:s16] =	ssyncadd.s32 $0xFFFFD8F0  }
0x23: {  	[bflag:$0x0] =	sbarrier.arrive $0xFFFF  }
0x24: {  	[tilespmem:s18], [sflag:$0x1] =	stream.indirect.gather [hbm4b:s4+s17], $0x80, s3, s17, $0xb8;
	[tilespmem:$0x1EAA0] =	vst v63  }
0x25: {  	_ = 	snop  }
0x26: {  	[tilespmem:s19], [sflag:$0x2] =	stream.indirect.gather [hbm4b:s4+s17], $0x80, s17, s17, $0xb8;
	[tilespmem:$0x1EAA0] =	vst v63  }
0x27: {  	s6 =	simm.s32 $0x50  }
0x28: {  	[tilespmem:s21], [sflag:$0x3] =	stream.indirect.gather [hbm4b:s4+s17], $0x80, s6, s17, $0xb8;
	[tilespmem:$0x1EAA0] =	vst v63  }
0x29: {  	s7 =	simm.s32 $0x78  }
0x2a: {  	[tilespmem:s23], [sflag:$0x4] =	stream.indirect.gather [hbm4b:s4+s17], $0x80, s7, s17, $0xb8;
	[tilespmem:$0x1EAA0] =	vst v63  }
0x2b: {  	s6 =	simm.s32 $0xA0  }
0x2c: {  	[tilespmem:s25], [sflag:$0x5] =	stream.indirect.gather [hbm4b:s4+s17], $0x80, s6, s17, $0xb8;
	[tilespmem:$0x1EAA0] =	vst v63  }
0x2d: {  	_ =	swait.ge [sflag:s14], $0x1400  }
0x2e: {  	[sflag:s14] =	ssyncset.done $0x0  }
0x2f: {  	[sflag:s14] =	ssyncadd.s32 $0xFFFFEC00  }
0x30: {  	[spmem:s2] =	stream.indirect.scatter.add.f32 [tilespmem:s18], [sflag:$0x6], $0x80, s13, s17, $0xb8;
	[tilespmem:$0x1EAA0] =	vst v63  }
0x31: {  	_ =	swait.ge [sflag:s15], $0x1400  }
0x32: {  	[sflag:s15] =	ssyncset.done $0x0  }
0x33: {  	s7 =	simm.s32 $0x2738;
	[sflag:s15] =	ssyncadd.s32 $0xFFFFEC00  }
0x34: {  	[spmem:s2] =	stream.indirect.scatter.add.f32 [tilespmem:s19], [sflag:$0x7], $0x80, s7, s17, $0xb8;
	[tilespmem:$0x1EAA0] =	vst v63  }
0x35: {  	_ =	swait.ge [sflag:s16], $0x1400  }
0x36: {  	[sflag:s16] =	ssyncset.done $0x0  }
0x37: {  	s6 =	simm.s32 $0x2760;
	[sflag:s16] =	ssyncadd.s32 $0xFFFFEC00  }
0x38: {  	[spmem:s2] =	stream.indirect.scatter.add.f32 [tilespmem:s21], [sflag:$0x8], $0x80, s6, s17, $0xb8;
	[tilespmem:$0x1EAA0] =	vst v63  }
0x39: {  	_ =	swait.ge [sflag:s29], $0x1400  }
0x3a: {  	[sflag:s29] =	ssyncset.done $0x0  }
0x3b: {  	s7 =	simm.s32 $0x2788;
	[sflag:s29] =	ssyncadd.s32 $0xFFFFEC00  }
0x3c: {  	[spmem:s2] =	stream.indirect.scatter.add.f32 [tilespmem:s23], [sflag:$0x9], $0x80, s7, s17, $0xb8;
	[tilespmem:$0x1EAA0] =	vst v63  }
0x3d: {  	_ =	swait.ge [sflag:s31], $0x1400  }
0x3e: {  	[sflag:s31] =	ssyncset.done $0x0  }
0x3f: {  	s6 =	simm.s32 $0x27B0;
	[sflag:s31] =	ssyncadd.s32 $0xFFFFEC00  }
0x40: {  	[spmem:s2] =	stream.indirect.scatter.add.f32 [tilespmem:s25], [sflag:$0xA], $0x80, s6, s17, $0xb8;
	[tilespmem:$0x1EAA0] =	vst v63  }
0x41: {  	_ =	swait.ge [sflag:s0], $0x1400  }
0x42: {  	[sflag:s0] =	ssyncset.done $0x0  }
0x43: {  	s7 =	simm.s32 $0xC8;
	[sflag:s0] =	ssyncadd.s32 $0xFFFFEC00  }
0x44: {  	[tilespmem:s18], [sflag:$0x1] =	stream.indirect.gather [hbm4b:s4+s17], $0x80, s7, s17, $0xb8;
	[tilespmem:$0x1EAA0] =	vst v63  }
0x45: {  	_ =	swait.ge [sflag:s20], $0x1400  }
0x46: {  	[sflag:s20] =	ssyncset.done $0x0  }
0x47: {  	s6 =	simm.s32 $0xF0;
	[sflag:s20] =	ssyncadd.s32 $0xFFFFEC00  }
0x48: {  	[tilespmem:s19], [sflag:$0x2] =	stream.indirect.gather [hbm4b:s4+s17], $0x80, s6, s17, $0xb8;
	[tilespmem:$0x1EAA0] =	vst v63  }
0x49: {  	_ =	swait.ge [sflag:s22], $0x1400  }
0x4a: {  	[sflag:s22] =	ssyncset.done $0x0  }
0x4b: {  	s7 =	simm.s32 $0x118;
	[sflag:s22] =	ssyncadd.s32 $0xFFFFEC00  }
0x4c: {  	[tilespmem:s21], [sflag:$0x3] =	stream.indirect.gather [hbm4b:s4+s17], $0x80, s7, s17, $0xb8;
	[tilespmem:$0x1EAA0] =	vst v63  }
0x4d: {  	_ =	swait.ge [sflag:s24], $0x1400  }
0x4e: {  	[sflag:s24] =	ssyncset.done $0x0  }
0x4f: {  	s6 =	simm.s32 $0x140;
	[sflag:s24] =	ssyncadd.s32 $0xFFFFEC00  }
0x50: {  	[tilespmem:s23], [sflag:$0x4] =	stream.indirect.gather [hbm4b:s4+s17], $0x80, s6, s17, $0xb8;
	[tilespmem:$0x1EAA0] =	vst v63  }
0x51: {  	_ =	swait.ge [sflag:s26], $0x1400  }
0x52: {  	[sflag:s26] =	ssyncset.done $0x0  }
0x53: {  	s7 =	simm.s32 $0x168;
	[sflag:s26] =	ssyncadd.s32 $0xFFFFEC00  }
0x54: {  	[tilespmem:s25], [sflag:$0x5] =	stream.indirect.gather [hbm4b:s4+s17], $0x80, s7, s17, $0xb8;
	[tilespmem:$0x1EAA0] =	vst v63  }
0x55: {  	_ =	swait.ge [sflag:s14], $0x1400  }
0x56: {  	[sflag:s14] =	ssyncset.done $0x0  }
0x57: {  	s6 =	simm.s32 $0x27D8;
	[sflag:s14] =	ssyncadd.s32 $0xFFFFEC00  }
0x58: {  	[spmem:s2] =	stream.indirect.scatter.add.f32 [tilespmem:s18], [sflag:$0x6], $0x80, s6, s17, $0xb8;
	[tilespmem:$0x1EAA0] =	vst v63  }
0x59: {  	_ =	swait.ge [sflag:s15], $0x1400  }
0x5a: {  	[sflag:s15] =	ssyncset.done $0x0  }
0x5b: {  	s7 =	simm.s32 $0x2800;
	[sflag:s15] =	ssyncadd.s32 $0xFFFFEC00  }
0x5c: {  	[spmem:s2] =	stream.indirect.scatter.add.f32 [tilespmem:s19], [sflag:$0x7], $0x80, s7, s17, $0xb8;
	[tilespmem:$0x1EAA0] =	vst v63  }
0x5d: {  	_ =	swait.ge [sflag:s16], $0x1400  }
0x5e: {  	[sflag:s16] =	ssyncset.done $0x0  }
0x5f: {  	s6 =	simm.s32 $0x2828;
	[sflag:s16] =	ssyncadd.s32 $0xFFFFEC00  }
0x60: {  	[spmem:s2] =	stream.indirect.scatter.add.f32 [tilespmem:s21], [sflag:$0x8], $0x80, s6, s17, $0xb8;
	[tilespmem:$0x1EAA0] =	vst v63  }
0x61: {  	_ =	swait.ge [sflag:s29], $0x1400  }
0x62: {  	[sflag:s29] =	ssyncset.done $0x0  }
0x63: {  	s7 =	simm.s32 $0x2850;
	[sflag:s29] =	ssyncadd.s32 $0xFFFFEC00  }
0x64: {  	[spmem:s2] =	stream.indirect.scatter.add.f32 [tilespmem:s23], [sflag:$0x9], $0x80, s7, s17, $0xb8;
	[tilespmem:$0x1EAA0] =	vst v63  }
0x65: {  	_ =	swait.ge [sflag:s31], $0x1400  }
0x66: {  	[sflag:s31] =	ssyncset.done $0x0  }
0x67: {  	s1 =	simm.s32 $0x320;
	s6 =	simm.s32 $0x2878;
	[sflag:s31] =	ssyncadd.s32 $0xFFFFEC00  }
.LBB2_2:
0x68: {  	[spmem:s2] =	stream.indirect.scatter.add.f32 [tilespmem:s25], [sflag:$0xA], $0x80, s6, s17, $0xb8;
	[tilespmem:$0x1EAA0] =	vst v63  }
0x69: {  	s6 =	smov.u32 s1  }
0x6a: {  	p0 =	sne.s32 s1, $0x9600;
	s1 =	sadd.s32 $0x320, s1;
	_ =	swait.ge [sflag:s0], $0x1400  }
0x6b: {  	s6 =	sshra.s32 s6, $0x2;
	[sflag:s0] =	ssyncset.done $0x0  }
0x6c: {  	s7 =	sadd.s32 $0xC8, s6;
	[sflag:s0] =	ssyncadd.s32 $0xFFFFEC00  }
0x6d: {  	[tilespmem:s18], [sflag:$0x1] =	stream.indirect.gather [hbm4b:s4+s17], $0x80, s7, s17, $0xb8;
	[tilespmem:$0x1EAA0] =	vst v63  }
0x6e: {  	_ =	swait.ge [sflag:s20], $0x1400  }
0x6f: {  	[sflag:s20] =	ssyncset.done $0x0  }
0x70: {  	s7 =	sadd.s32 $0xF0, s6;
	[sflag:s20] =	ssyncadd.s32 $0xFFFFEC00  }
0x71: {  	[tilespmem:s19], [sflag:$0x2] =	stream.indirect.gather [hbm4b:s4+s17], $0x80, s7, s17, $0xb8;
	[tilespmem:$0x1EAA0] =	vst v63  }
0x72: {  	_ =	swait.ge [sflag:s22], $0x1400  }
0x73: {  	[sflag:s22] =	ssyncset.done $0x0  }
0x74: {  	s7 =	sadd.s32 $0x118, s6;
	[sflag:s22] =	ssyncadd.s32 $0xFFFFEC00  }
0x75: {  	[tilespmem:s21], [sflag:$0x3] =	stream.indirect.gather [hbm4b:s4+s17], $0x80, s7, s17, $0xb8;
	[tilespmem:$0x1EAA0] =	vst v63  }
0x76: {  	_ =	swait.ge [sflag:s24], $0x1400  }
0x77: {  	[sflag:s24] =	ssyncset.done $0x0  }
0x78: {  	s7 =	sadd.s32 $0x140, s6;
	[sflag:s24] =	ssyncadd.s32 $0xFFFFEC00  }
0x79: {  	[tilespmem:s23], [sflag:$0x4] =	stream.indirect.gather [hbm4b:s4+s17], $0x80, s7, s17, $0xb8;
	[tilespmem:$0x1EAA0] =	vst v63  }
0x7a: {  	_ =	swait.ge [sflag:s26], $0x1400  }
0x7b: {  	[sflag:s26] =	ssyncset.done $0x0  }
0x7c: {  	s7 =	sadd.s32 $0x168, s6;
	[sflag:s26] =	ssyncadd.s32 $0xFFFFEC00  }
0x7d: {  	[tilespmem:s25], [sflag:$0x5] =	stream.indirect.gather [hbm4b:s4+s17], $0x80, s7, s17, $0xb8;
	[tilespmem:$0x1EAA0] =	vst v63  }
0x7e: {  	_ =	swait.ge [sflag:s14], $0x1400  }
0x7f: {  	[sflag:s14] =	ssyncset.done $0x0  }
0x80: {  	s7 =	sadd.s32 $0x27D8, s6;
	[sflag:s14] =	ssyncadd.s32 $0xFFFFEC00  }
0x81: {  	[spmem:s2] =	stream.indirect.scatter.add.f32 [tilespmem:s18], [sflag:$0x6], $0x80, s7, s17, $0xb8;
	[tilespmem:$0x1EAA0] =	vst v63  }
0x82: {  	_ =	swait.ge [sflag:s15], $0x1400  }
0x83: {  	[sflag:s15] =	ssyncset.done $0x0  }
0x84: {  	s7 =	sadd.s32 $0x2800, s6;
	[sflag:s15] =	ssyncadd.s32 $0xFFFFEC00  }
0x85: {  	[spmem:s2] =	stream.indirect.scatter.add.f32 [tilespmem:s19], [sflag:$0x7], $0x80, s7, s17, $0xb8;
	[tilespmem:$0x1EAA0] =	vst v63  }
0x86: {  	_ =	swait.ge [sflag:s16], $0x1400  }
0x87: {  	[sflag:s16] =	ssyncset.done $0x0  }
0x88: {  	s7 =	sadd.s32 $0x2828, s6;
	[sflag:s16] =	ssyncadd.s32 $0xFFFFEC00  }
0x89: {  	[spmem:s2] =	stream.indirect.scatter.add.f32 [tilespmem:s21], [sflag:$0x8], $0x80, s7, s17, $0xb8;
	[tilespmem:$0x1EAA0] =	vst v63  }
0x8a: {  	_ =	swait.ge [sflag:s29], $0x1400  }
0x8b: {  	[sflag:s29] =	ssyncset.done $0x0  }
.Ltmp0:
0x8c: {  	s7 =	sadd.s32 $0x2850, s6;
	[sflag:s29] =	ssyncadd.s32 $0xFFFFEC00;
	(pc) =	sbr.rel @p0 .LBB2_2-.Ltmp0, $4  }
0x8d: {  	[spmem:s2] =	stream.indirect.scatter.add.f32 [tilespmem:s23], [sflag:$0x9], $0x80, s7, s17, $0xb8;
	[tilespmem:$0x1EAA0] =	vst v63  }
0x8e: {  	_ =	swait.ge [sflag:s31], $0x1400  }
0x8f: {  	[sflag:s31] =	ssyncset.done $0x0  }
0x90: {  	s6 =	sadd.s32 $0x2878, s6;
	[sflag:s31] =	ssyncadd.s32 $0xFFFFEC00  }
0x91: {  	[spmem:s2] =	stream.indirect.scatter.add.f32 [tilespmem:s25], [sflag:$0xA], $0x80, s6, s17, $0xb8;
	[tilespmem:$0x1EAA0] =	vst v63  }
0x92: {  	_ =	swait.ge [sflag:s0], $0x1400  }
0x93: {  	[sflag:s0] =	ssyncset.done $0x0  }
0x94: {  	[sflag:s0] =	ssyncadd.s32 $0xFFFFEC00  }
0x95: {  	_ =	swait.ge [sflag:s20], $0x1400  }
0x96: {  	[sflag:s20] =	ssyncset.done $0x0  }
0x97: {  	[sflag:s20] =	ssyncadd.s32 $0xFFFFEC00  }
0x98: {  	_ =	swait.ge [sflag:s22], $0x1400  }
0x99: {  	[sflag:s22] =	ssyncset.done $0x0  }
0x9a: {  	[sflag:s22] =	ssyncadd.s32 $0xFFFFEC00  }
0x9b: {  	_ =	swait.ge [sflag:s24], $0x1400  }
0x9c: {  	[sflag:s24] =	ssyncset.done $0x0  }
0x9d: {  	[sflag:s24] =	ssyncadd.s32 $0xFFFFEC00  }
0x9e: {  	_ =	swait.ge [sflag:s26], $0x1400  }
0x9f: {  	s30 =	sadd.s32 $0x1, s30;
	[sflag:s26] =	ssyncset.done $0x0  }
0xa0: {  	p0 =	sne.s32 s30, s11;
	[sflag:s26] =	ssyncadd.s32 $0xFFFFEC00  }
.Ltmp1:
0xa1: {  	s1 =	sor.u32 $0x1C0B, s5;
	[bflag:$0x0] =	sbarrier.arrive $0xFFFF;
	(pc) =	sbr.rel @p0 .LBB2_1-.Ltmp1, $4  }
0xa2: {  	[hbm:s10], [sflag:s1] =	dma.local [spmem:s12], $0x2710  }
0xa3: {  	_ =	swait.ge [sflag:s28], $0x2710  }
0xa4: {  	[sflag:s28] =	ssyncset.done $0x0  }
0xa5: {  	[sflag:s28] =	ssyncadd.s32 $0xFFFFD8F0  }
0xa6: {  	_ =	sfence.sel $0x180000  }
0xa7: {  	[bflag:$0x0] =	sbarrier.arrive $0xFFFF  }
0xa8: {  	_ =	strace $0x90000047  }
0xa9: {  	s0 =	stileid.u32;
	[bflag:$0x2] =	sbarrier.arrive $0xFFFF  }
0xaa: {  	p0 =	sne.s32 s0, $0x0;
	s0 =	rddreg [dreg:$0x3]  }
0xab: {  	s0 =	sadd.s32 @!p0 $0x100000, s0  }
0xac: {  	[sflag:s0] =	ssyncadd.tile.s32 @!p0 $0x1;
	_ =	shalt  }
.Lfunc_end2:
_tile_overlayer_lowered:
.L_overlay_start_2:
0xad: {  	(tag) =	ssettag $0x2  }
0xae: {  	s0 =	rddreg [dreg:$0x0];
	s2 =	stileid.u32  }
0xaf: {  	s1 =	rddreg [dreg:$0x1];
	p0 =	sne.s32 s2, $0x0  }
0xb0: {  	s3 =	rddreg [dreg:$0x2];
	[bflag:$0x3] =	sbarrier.arrive $0xFFFF;
	s2 =	simm.s32 @!p0 $0x1C0B  }
0xb1: {  	[timem:s3], [sflag:s2] =	dma.local @!p0 [hbm:s0], s1  }
0xb2: {  	s0 =	simm.s32 @!p0 $0xB  }
0xb3: {  	_ =	swait.ge @!p0 [sflag:s0], s1  }
0xb4: {  	s1 =	ssub.s32 @!p0 $0x0, s1;
	[sflag:s0] =	ssyncset.done @!p0 $0x0  }
0xb5: {  	[sflag:s0] =	ssyncadd.s32 @!p0 s1  }
0xb6: {  	[bflag:$0x3] =	sbarrier.arrive $0xFFFF  }
0xb7: {  	_ =	shalt  }

</sc_bundles>
